<compile_context>
chip_gen: v7x
topology: tpu7x:2x2x1
jax: 0.10.2.dev20260603
libtpu: 0.0.44.dev20260713+nightly
codegen_flags: <defaults>
</compile_context>

<pallas_src>
import jax
import jax.numpy as jnp
from jax.experimental import pallas as pl
from jax.experimental.pallas import tpu as pltpu
from jax.experimental.pallas import tpu_sc as plsc

_LANES = 16


def kernel(x, emb_weight):
    seq_len = x.shape[1]
    max_seq, dim = emb_weight.shape
    assert seq_len <= max_seq
    scale = dim ** (-0.5)

    block_rows = 4
    grid = (seq_len // block_rows,)
    vector_mesh = plsc.VectorSubcoreMesh(
        core_axis_name="core", subcore_axis_name="subcore"
    )

    @pl.kernel(
        out_type=jax.ShapeDtypeStruct((seq_len, dim), emb_weight.dtype),
        mesh=vector_mesh,
        scratch_types=[],
    )
    def sc_scale_copy(w_hbm, o_hbm):
        def body(in_vmem, out_vmem):
            out_vmem[...] = in_vmem[...] * scale

        pltpu.emit_pipeline(
            body,
            grid=grid,
            in_specs=[pl.BlockSpec((block_rows, dim), lambda i: (i, 0))],
            out_specs=[pl.BlockSpec((block_rows, dim), lambda i: (i, 0))],
            core_axis_name=("core", "subcore"),
            dimension_semantics=(pltpu.PARALLEL,),
        )(w_hbm, o_hbm)

    return sc_scale_copy(emb_weight)

# --- scband reference (transcript-rebuilt; emitter-appended) ---
"""Pipeline reference for scband-absolute-positional-embedding-7834020348214 (READ-ONLY COPY).

The authoritative reference and input builder live on the scoring server;
editing this copy changes nothing except your own understanding.
"""

import jax, jax.numpy as jnp
import numpy as np

DIM = 4096
MAX_SEQ_LEN = 8192

def setup_inputs(seed: int = 0) -> dict:
    key = jax.random.key(seed)
    k1, k2 = jax.random.split(key)
    x = jax.random.normal(k1, (1, 8192, DIM), dtype=jnp.float32)
    emb_weight = jax.random.normal(k2, (MAX_SEQ_LEN, DIM), dtype=jnp.float32)
    return {"x": x, "emb_weight": emb_weight}

def reference(x, emb_weight):
    seq_len = x.shape[1]
    assert seq_len <= emb_weight.shape[0], 'input length > max_seq_len'
    scale = emb_weight.shape[1] ** (-0.5)
    pos = jnp.arange(seq_len)
    pos_emb = jnp.take(emb_weight, pos, axis=0) * scale
    return pos_emb

if __name__ == "__main__":
    import jax
    _d = setup_inputs()
    print(jax.jit(kernel)(*tuple(_d.values())))

</pallas_src>

<mosaic_0001>
#map = affine_map<(d0, d1) -> (0, 0)>
module attributes {stable_mosaic.version = 14 : i64} {
  func.func @sc_scale_copy(%arg0: i32, %arg1: i32, %arg2: memref<8192x4096xf32, #tpu.memory_space<hbm>>, %arg3: memref<8192x4096xf32, #tpu.memory_space<hbm>>) attributes {dimension_semantics = [#tpu.dimension_semantics<core_parallel>, #tpu.dimension_semantics<subcore_parallel>], iteration_bounds = array<i64: 2, 16>, scalar_prefetch = 0 : i64, scratch_operands = 0 : i64, tpu.core_type = #tpu.core_type<sc_vector_subcore>, window_params = [{transform_indices = #map}, {transform_indices = #map}]} {
    %mul3A = arith.constant 1 : i32
    %mul3A_0 = arith.muli %arg1, %mul3A : i32
    %add3A = arith.constant 0 : i32
    %add3A_1 = arith.addi %add3A, %mul3A_0 : i32
    %mul3A_2 = arith.constant 16 : i32
    %mul3A_3 = arith.muli %arg0, %mul3A_2 : i32
    %add3A_4 = arith.addi %add3A_1, %mul3A_3 : i32
    %mul3A_5 = arith.constant 64 : i32
    %mul3A_6 = arith.muli %add3A_4, %mul3A_5 : i32
    "tpu.region"() ({
      %run_scoped3A = memref.alloca() : memref<2x4x4096xf32, #tpu.memory_space<vmem>>
      %run_scoped3A_7 = tpu.sem_alloc : memref<2x!tpu.dma_semaphore, #tpu.memory_space<semaphore_mem>>
      %run_scoped3A_8 = memref.alloca() : memref<2x4x4096xf32, #tpu.memory_space<vmem>>
      %run_scoped3A_9 = tpu.sem_alloc : memref<2x!tpu.dma_semaphore, #tpu.memory_space<semaphore_mem>>
      %add3A_10 = arith.constant 0 : i32
      %add3A_11 = arith.addi %add3A_10, %mul3A_6 : i32
      %select_n3A = arith.constant true
      %select_n3A_12 = arith.constant 0 : i32
      %select_n3A_13 = arith.constant -1 : i32
      %select_n3A_14 = arith.select %select_n3A, %select_n3A_13, %select_n3A_12 : i32
      %eq3A = arith.constant -1 : i32
      %eq3A_15 = arith.cmpi eq, %select_n3A_14, %eq3A : i32
      %select_n3A_16 = arith.constant 63 : i32
      %select_n3A_17 = arith.select %eq3A_15, %select_n3A_16, %select_n3A_14 : i32
      %add3A_18 = arith.addi %select_n3A_17, %mul3A_6 : i32
      %select_n3A_19 = arith.constant true
      %select_n3A_20 = arith.constant 0 : i32
      %select_n3A_21 = arith.constant 1 : i32
      %select_n3A_22 = arith.select %select_n3A_19, %select_n3A_21, %select_n3A_20 : i32
      %eq3A_23 = arith.constant 64 : i32
      %eq3A_24 = arith.cmpi eq, %select_n3A_22, %eq3A_23 : i32
      %select_n3A_25 = arith.constant 0 : i32
      %select_n3A_26 = arith.select %eq3A_24, %select_n3A_25, %select_n3A_22 : i32
      %add3A_27 = arith.addi %select_n3A_26, %mul3A_6 : i32
      %add3A_28 = arith.constant 1 : i32
      %add3A_29 = arith.addi %select_n3A_26, %add3A_28 : i32
      %select_n3A_30 = arith.constant true
      %select_n3A_31 = arith.select %select_n3A_30, %add3A_29, %select_n3A_26 : i32
      %eq3A_32 = arith.constant 64 : i32
      %eq3A_33 = arith.cmpi eq, %select_n3A_31, %eq3A_32 : i32
      %select_n3A_34 = arith.constant 0 : i32
      %select_n3A_35 = arith.select %eq3A_33, %select_n3A_34, %select_n3A_31 : i32
      %add3A_36 = arith.addi %select_n3A_35, %mul3A_6 : i32
      "tpu.trace_start"() <{level = 10 : i32, message = "ep_initialize_0"}> : () -> ()
      %rem3A = arith.constant 0 : i32
      %rem3A_37 = arith.constant 2 : i32
      %rem3A_38 = arith.remui %rem3A, %rem3A_37 : i32
      %mul3A_39 = arith.constant 4 : i32
      %mul3A_40 = arith.muli %mul3A_39, %add3A_11 : i32
      %dma_start3A = arith.constant 0 : i32
      %dma_start3A_41 = arith.constant 0 : i32
      %dma_start3A_42 = tpu.memref_slice %run_scoped3A[%rem3A_38, %dma_start3A, %dma_start3A_41] : memref<2x4x4096xf32, #tpu.memory_space<vmem>> -> memref<1x4x4096xf32, #tpu.memory_space<vmem>>
      %dma_start3A_43 = tpu.memref_squeeze %dma_start3A_42 : memref<1x4x4096xf32, #tpu.memory_space<vmem>> -> memref<4x4096xf32, #tpu.memory_space<vmem>>
      %dma_start3A_44 = arith.constant 0 : i32
      %dma_start3A_45 = tpu.memref_slice %arg2[%mul3A_40, %dma_start3A_44] : memref<8192x4096xf32, #tpu.memory_space<hbm>> -> memref<4x4096xf32, #tpu.memory_space<hbm>>
      %dma_start3A_46 = tpu.memref_slice %run_scoped3A_7[%rem3A_38] : memref<2x!tpu.dma_semaphore, #tpu.memory_space<semaphore_mem>> -> memref<1x!tpu.dma_semaphore, #tpu.memory_space<semaphore_mem>>
      %dma_start3A_47 = tpu.memref_squeeze %dma_start3A_46 : memref<1x!tpu.dma_semaphore, #tpu.memory_space<semaphore_mem>> -> memref<!tpu.dma_semaphore, #tpu.memory_space<semaphore_mem>>
      %dma_start3A_48 = arith.constant 0 : i32
      %dma_start3A_49 = arith.constant 0 : i32
      %dma_start3A_50 = tpu.memref_slice %run_scoped3A[%rem3A_38, %dma_start3A_48, %dma_start3A_49] : memref<2x4x4096xf32, #tpu.memory_space<vmem>> -> memref<1x4x4096xf32, #tpu.memory_space<vmem>>
      %dma_start3A_51 = tpu.memref_squeeze %dma_start3A_50 : memref<1x4x4096xf32, #tpu.memory_space<vmem>> -> memref<4x4096xf32, #tpu.memory_space<vmem>>
      %dma_start3A_52 = arith.constant 0 : i32
      %dma_start3A_53 = tpu.memref_slice %arg2[%mul3A_40, %dma_start3A_52] : memref<8192x4096xf32, #tpu.memory_space<hbm>> -> memref<4x4096xf32, #tpu.memory_space<hbm>>
      tpu.enqueue_dma source(%dma_start3A_53 : memref<4x4096xf32, #tpu.memory_space<hbm>>) target(%dma_start3A_51 : memref<4x4096xf32, #tpu.memory_space<vmem>>) target_semaphore(%dma_start3A_47 : memref<!tpu.dma_semaphore, #tpu.memory_space<semaphore_mem>>)
      %add3A_54 = arith.constant 0 : i32
      %add3A_55 = arith.constant 1 : i32
      %add3A_56 = arith.addi %add3A_54, %add3A_55 : i32
      %select_n3A_57 = arith.constant true
      %select_n3A_58 = arith.constant 0 : i32
      %select_n3A_59 = arith.select %select_n3A_57, %add3A_56, %select_n3A_58 : i32
      "tpu.trace_stop"() : () -> ()
      %scan3A = arith.constant 0 : i32
      %scan3A_60 = arith.constant 0 : i32
      %scan3A_61 = arith.constant 0 : i32
      %scan3A_62 = arith.constant 0 : i32
      %scan3A_63 = arith.constant 0 : i32
      %scan3A_64 = arith.constant 64 : i32
      %scan3A_65 = arith.addi %scan3A_63, %scan3A_64 : i32
      %scan3A_66 = arith.constant 1 : i32
      %scan3A_67:5 = scf.for %scan3A_121 = %scan3A_63 to %scan3A_65 step %scan3A_66 iter_args(%scan3A_122 = %select_n3A_59, %scan3A_123 = %scan3A, %scan3A_124 = %scan3A_60, %scan3A_125 = %scan3A_61, %scan3A_126 = %scan3A_62) -> (i32, i32, i32, i32, i32)  : i32 {
        %eq3A_127 = arith.constant 0 : i32
        %eq3A_128 = arith.cmpi eq, %scan3A_121, %eq3A_127 : i32
        %eq3A_129 = arith.constant 63 : i32
        %eq3A_130 = arith.cmpi eq, %scan3A_121, %eq3A_129 : i32
        %add3A_131 = arith.addi %scan3A_126, %mul3A_6 : i32
        %sub3A_132 = arith.constant 1 : i32
        %sub3A_133 = arith.subi %scan3A_126, %sub3A_132 : i32
        %select_n3A_134 = arith.constant true
        %select_n3A_135 = arith.select %select_n3A_134, %sub3A_133, %scan3A_126 : i32
        %eq3A_136 = arith.constant -1 : i32
        %eq3A_137 = arith.cmpi eq, %select_n3A_135, %eq3A_136 : i32
        %select_n3A_138 = arith.constant 63 : i32
        %select_n3A_139 = arith.select %eq3A_137, %select_n3A_138, %select_n3A_135 : i32
        %add3A_140 = arith.addi %select_n3A_139, %mul3A_6 : i32
        %add3A_141 = arith.constant 1 : i32
        %add3A_142 = arith.addi %scan3A_126, %add3A_141 : i32
        %select_n3A_143 = arith.constant true
        %select_n3A_144 = arith.select %select_n3A_143, %add3A_142, %scan3A_126 : i32
        %eq3A_145 = arith.constant 64 : i32
        %eq3A_146 = arith.cmpi eq, %select_n3A_144, %eq3A_145 : i32
        %select_n3A_147 = arith.constant 0 : i32
        %select_n3A_148 = arith.select %eq3A_146, %select_n3A_147, %select_n3A_144 : i32
        %add3A_149 = arith.addi %select_n3A_148, %mul3A_6 : i32
        %add3A_150 = arith.constant 1 : i32
        %add3A_151 = arith.addi %select_n3A_148, %add3A_150 : i32
        %select_n3A_152 = arith.constant true
        %select_n3A_153 = arith.select %select_n3A_152, %add3A_151, %select_n3A_148 : i32
        %eq3A_154 = arith.constant 64 : i32
        %eq3A_155 = arith.cmpi eq, %select_n3A_153, %eq3A_154 : i32
        %select_n3A_156 = arith.constant 0 : i32
        %select_n3A_157 = arith.select %eq3A_155, %select_n3A_156, %select_n3A_153 : i32
        %add3A_158 = arith.addi %select_n3A_157, %mul3A_6 : i32
        %ne3A = arith.cmpi ne, %add3A_131, %add3A_149 : i32
        %or3A = arith.constant false
        %or3A_159 = arith.ori %or3A, %ne3A : i1
        %or3A_160 = arith.constant false
        %or3A_161 = arith.ori %or3A_159, %or3A_160 : i1
        %ge3A = arith.constant 63 : i32
        %ge3A_162 = arith.cmpi sge, %scan3A_121, %ge3A : i32
        %not3A = arith.constant true
        %not3A_163 = arith.xori %ge3A_162, %not3A : i1
        %and3A = arith.andi %or3A_161, %not3A_163 : i1
        %convert_element_type3A = arith.extui %and3A : i1 to i32
        %cond3A = arith.constant 0 : i32
        %cond3A_164 = arith.cmpi ne, %convert_element_type3A, %cond3A : i32
        scf.if %cond3A_164 {
          "tpu.trace_start"() <{level = 10 : i32, message = "ep_copy_in"}> : () -> ()
          %rem3A_285 = arith.constant 2 : i32
          %rem3A_286 = arith.remui %scan3A_122, %rem3A_285 : i32
          %mul3A_287 = arith.constant 4 : i32
          %mul3A_288 = arith.muli %mul3A_287, %add3A_149 : i32
          %dma_start3A_289 = arith.constant 0 : i32
          %dma_start3A_290 = arith.constant 0 : i32
          %dma_start3A_291 = tpu.memref_slice %run_scoped3A[%rem3A_286, %dma_start3A_289, %dma_start3A_290] : memref<2x4x4096xf32, #tpu.memory_space<vmem>> -> memref<1x4x4096xf32, #tpu.memory_space<vmem>>
          %dma_start3A_292 = tpu.memref_squeeze %dma_start3A_291 : memref<1x4x4096xf32, #tpu.memory_space<vmem>> -> memref<4x4096xf32, #tpu.memory_space<vmem>>
          %dma_start3A_293 = arith.constant 0 : i32
          %dma_start3A_294 = tpu.memref_slice %arg2[%mul3A_288, %dma_start3A_293] : memref<8192x4096xf32, #tpu.memory_space<hbm>> -> memref<4x4096xf32, #tpu.memory_space<hbm>>
          %dma_start3A_295 = tpu.memref_slice %run_scoped3A_7[%rem3A_286] : memref<2x!tpu.dma_semaphore, #tpu.memory_space<semaphore_mem>> -> memref<1x!tpu.dma_semaphore, #tpu.memory_space<semaphore_mem>>
          %dma_start3A_296 = tpu.memref_squeeze %dma_start3A_295 : memref<1x!tpu.dma_semaphore, #tpu.memory_space<semaphore_mem>> -> memref<!tpu.dma_semaphore, #tpu.memory_space<semaphore_mem>>
          %dma_start3A_297 = arith.constant 0 : i32
          %dma_start3A_298 = arith.constant 0 : i32
          %dma_start3A_299 = tpu.memref_slice %run_scoped3A[%rem3A_286, %dma_start3A_297, %dma_start3A_298] : memref<2x4x4096xf32, #tpu.memory_space<vmem>> -> memref<1x4x4096xf32, #tpu.memory_space<vmem>>
          %dma_start3A_300 = tpu.memref_squeeze %dma_start3A_299 : memref<1x4x4096xf32, #tpu.memory_space<vmem>> -> memref<4x4096xf32, #tpu.memory_space<vmem>>
          %dma_start3A_301 = arith.constant 0 : i32
          %dma_start3A_302 = tpu.memref_slice %arg2[%mul3A_288, %dma_start3A_301] : memref<8192x4096xf32, #tpu.memory_space<hbm>> -> memref<4x4096xf32, #tpu.memory_space<hbm>>
          tpu.enqueue_dma source(%dma_start3A_302 : memref<4x4096xf32, #tpu.memory_space<hbm>>) target(%dma_start3A_300 : memref<4x4096xf32, #tpu.memory_space<vmem>>) target_semaphore(%dma_start3A_296 : memref<!tpu.dma_semaphore, #tpu.memory_space<semaphore_mem>>)
          "tpu.trace_stop"() : () -> ()
        } else {
        }
        %and3A_165 = arith.constant true
        %and3A_166 = arith.andi %and3A, %and3A_165 : i1
        %add3A_167 = arith.constant 1 : i32
        %add3A_168 = arith.addi %scan3A_122, %add3A_167 : i32
        %select_n3A_169 = arith.select %and3A_166, %add3A_168, %scan3A_122 : i32
        %ne3A_170 = arith.cmpi ne, %add3A_131, %add3A_149 : i32
        %or3A_171 = arith.constant false
        %or3A_172 = arith.ori %or3A_171, %ne3A_170 : i1
        %or3A_173 = arith.constant false
        %or3A_174 = arith.ori %or3A_172, %or3A_173 : i1
        %ge3A_175 = arith.constant 63 : i32
        %ge3A_176 = arith.cmpi sge, %scan3A_121, %ge3A_175 : i32
        %not3A_177 = arith.constant true
        %not3A_178 = arith.xori %ge3A_176, %not3A_177 : i1
        %and3A_179 = arith.andi %or3A_174, %not3A_178 : i1
        %ne3A_180 = arith.cmpi ne, %add3A_131, %add3A_140 : i32
        %or3A_181 = arith.constant false
        %or3A_182 = arith.ori %or3A_181, %ne3A_180 : i1
        %or3A_183 = arith.constant false
        %or3A_184 = arith.ori %or3A_182, %or3A_183 : i1
        %or3A_185 = arith.ori %or3A_184, %eq3A_128 : i1
        %convert_element_type3A_186 = arith.extui %or3A_185 : i1 to i32
        %cond3A_187 = arith.constant 0 : i32
        %cond3A_188 = arith.cmpi ne, %convert_element_type3A_186, %cond3A_187 : i32
        scf.if %cond3A_188 {
          "tpu.trace_start"() <{level = 10 : i32, message = "ep_wait_in"}> : () -> ()
          %mul3A_285 = arith.constant 4 : i32
          %mul3A_286 = arith.muli %mul3A_285, %add3A_131 : i32
          %rem3A_287 = arith.constant 2 : i32
          %rem3A_288 = arith.remui %scan3A_123, %rem3A_287 : i32
          %dma_wait3A_289 = arith.constant 0 : i32
          %dma_wait3A_290 = arith.constant 0 : i32
          %dma_wait3A_291 = tpu.memref_slice %run_scoped3A[%rem3A_288, %dma_wait3A_289, %dma_wait3A_290] : memref<2x4x4096xf32, #tpu.memory_space<vmem>> -> memref<1x4x4096xf32, #tpu.memory_space<vmem>>
          %dma_wait3A_292 = tpu.memref_squeeze %dma_wait3A_291 : memref<1x4x4096xf32, #tpu.memory_space<vmem>> -> memref<4x4096xf32, #tpu.memory_space<vmem>>
          %dma_wait3A_293 = arith.constant 0 : i32
          %dma_wait3A_294 = tpu.memref_slice %arg2[%mul3A_286, %dma_wait3A_293] : memref<8192x4096xf32, #tpu.memory_space<hbm>> -> memref<4x4096xf32, #tpu.memory_space<hbm>>
          %dma_wait3A_295 = tpu.memref_slice %run_scoped3A_7[%rem3A_288] : memref<2x!tpu.dma_semaphore, #tpu.memory_space<semaphore_mem>> -> memref<1x!tpu.dma_semaphore, #tpu.memory_space<semaphore_mem>>
          %dma_wait3A_296 = tpu.memref_squeeze %dma_wait3A_295 : memref<1x!tpu.dma_semaphore, #tpu.memory_space<semaphore_mem>> -> memref<!tpu.dma_semaphore, #tpu.memory_space<semaphore_mem>>
          %dma_wait3A_297 = arith.constant 0 : i32
          %dma_wait3A_298 = arith.constant 0 : i32
          %dma_wait3A_299 = tpu.memref_slice %run_scoped3A[%rem3A_288, %dma_wait3A_297, %dma_wait3A_298] : memref<2x4x4096xf32, #tpu.memory_space<vmem>> -> memref<1x4x4096xf32, #tpu.memory_space<vmem>>
          %dma_wait3A_300 = tpu.memref_squeeze %dma_wait3A_299 : memref<1x4x4096xf32, #tpu.memory_space<vmem>> -> memref<4x4096xf32, #tpu.memory_space<vmem>>
          %dma_wait3A_301 = arith.constant 0 : i32
          %dma_wait3A_302 = tpu.memref_slice %arg2[%mul3A_286, %dma_wait3A_301] : memref<8192x4096xf32, #tpu.memory_space<hbm>> -> memref<4x4096xf32, #tpu.memory_space<hbm>>
          tpu.wait_dma2 semaphore(%dma_wait3A_296 : memref<!tpu.dma_semaphore, #tpu.memory_space<semaphore_mem>>) src(%dma_wait3A_302 : memref<4x4096xf32, #tpu.memory_space<hbm>>) dst(%dma_wait3A_300 : memref<4x4096xf32, #tpu.memory_space<vmem>>)
          "tpu.trace_stop"() : () -> ()
        } else {
        }
        %ne3A_189 = arith.cmpi ne, %add3A_131, %add3A_140 : i32
        %or3A_190 = arith.constant false
        %or3A_191 = arith.ori %or3A_190, %ne3A_189 : i1
        %or3A_192 = arith.constant false
        %or3A_193 = arith.ori %or3A_191, %or3A_192 : i1
        %or3A_194 = arith.ori %or3A_193, %eq3A_128 : i1
        %convert_element_type3A_195 = arith.extui %or3A_194 : i1 to i32
        %cond3A_196 = arith.constant 0 : i32
        %cond3A_197 = arith.cmpi ne, %convert_element_type3A_195, %cond3A_196 : i32
        scf.if %cond3A_197 {
        } else {
        }
        %rem3A_198 = arith.constant 2 : i32
        %rem3A_199 = arith.remui %scan3A_123, %rem3A_198 : i32
        %rem3A_200 = arith.constant 2 : i32
        %rem3A_201 = arith.remui %scan3A_124, %rem3A_200 : i32
        "tpu.trace_start"() <{level = 10 : i32, message = "ep_run_kernel"}> : () -> ()
        %get3A = arith.index_cast %rem3A_199 : i32 to index
        %get3A_202 = arith.constant 0 : index
        %get3A_203 = arith.constant 0 : index
        %get3A_204 = tpu.vector_load %run_scoped3A[%get3A, %get3A_202, %get3A_203] {strides = array<i32>} : memref<2x4x4096xf32, #tpu.memory_space<vmem>>, vector<1x4x4096xf32>,
        %get3A_205 = vector.shape_cast %get3A_204 : vector<1x4x4096xf32> to vector<4x4096xf32>
        %mul3A_206 = arith.constant 1.562500e-02 : f32
        %mul3A_207 = vector.broadcast %mul3A_206 : f32 to vector<4x4096xf32>
        %mul3A_208 = arith.mulf %get3A_205, %mul3A_207 : vector<4x4096xf32>
        %swap3A = arith.index_cast %rem3A_201 : i32 to index
        %swap3A_209 = arith.constant 0 : index
        %swap3A_210 = arith.constant 0 : index
        %swap3A_211 = tpu.vector_load %run_scoped3A_8[%swap3A, %swap3A_209, %swap3A_210] {strides = array<i32>} : memref<2x4x4096xf32, #tpu.memory_space<vmem>>, vector<1x4x4096xf32>,
        %swap3A_212 = vector.shape_cast %swap3A_211 : vector<1x4x4096xf32> to vector<4x4096xf32>
        %swap3A_213 = vector.shape_cast %mul3A_208 : vector<4x4096xf32> to vector<1x4x4096xf32>
        tpu.vector_store %run_scoped3A_8[%swap3A, %swap3A_209, %swap3A_210], %swap3A_213 {strides = array<i32>} : memref<2x4x4096xf32, #tpu.memory_space<vmem>>, vector<1x4x4096xf32>,
        "tpu.trace_stop"() : () -> ()
        %ne3A_214 = arith.cmpi ne, %add3A_131, %add3A_149 : i32
        %or3A_215 = arith.constant false
        %or3A_216 = arith.ori %or3A_215, %ne3A_214 : i1
        %or3A_217 = arith.constant false
        %or3A_218 = arith.ori %or3A_216, %or3A_217 : i1
        %or3A_219 = arith.ori %or3A_218, %eq3A_130 : i1
        %convert_element_type3A_220 = arith.extui %or3A_219 : i1 to i32
        %cond3A_221 = arith.constant 0 : i32
        %cond3A_222 = arith.cmpi ne, %convert_element_type3A_220, %cond3A_221 : i32
        scf.if %cond3A_222 {
        } else {
        }
        %and3A_223 = arith.constant false
        %and3A_224 = arith.andi %or3A_219, %and3A_223 : i1
        %ne3A_225 = arith.cmpi ne, %add3A_131, %add3A_149 : i32
        %or3A_226 = arith.constant false
        %or3A_227 = arith.ori %or3A_226, %ne3A_225 : i1
        %or3A_228 = arith.constant false
        %or3A_229 = arith.ori %or3A_227, %or3A_228 : i1
        %or3A_230 = arith.ori %or3A_229, %eq3A_130 : i1
        %convert_element_type3A_231 = arith.extui %or3A_230 : i1 to i32
        %cond3A_232 = arith.constant 0 : i32
        %cond3A_233 = arith.cmpi ne, %convert_element_type3A_231, %cond3A_232 : i32
        scf.if %cond3A_233 {
          "tpu.trace_start"() <{level = 10 : i32, message = "ep_copy_out"}> : () -> ()
          %rem3A_285 = arith.constant 2 : i32
          %rem3A_286 = arith.remui %scan3A_124, %rem3A_285 : i32
          %mul3A_287 = arith.constant 4 : i32
          %mul3A_288 = arith.muli %mul3A_287, %add3A_131 : i32
          %dma_start3A_289 = arith.constant 0 : i32
          %dma_start3A_290 = arith.constant 0 : i32
          %dma_start3A_291 = tpu.memref_slice %run_scoped3A_8[%rem3A_286, %dma_start3A_289, %dma_start3A_290] : memref<2x4x4096xf32, #tpu.memory_space<vmem>> -> memref<1x4x4096xf32, #tpu.memory_space<vmem>>
          %dma_start3A_292 = tpu.memref_squeeze %dma_start3A_291 : memref<1x4x4096xf32, #tpu.memory_space<vmem>> -> memref<4x4096xf32, #tpu.memory_space<vmem>>
          %dma_start3A_293 = arith.constant 0 : i32
          %dma_start3A_294 = tpu.memref_slice %arg3[%mul3A_288, %dma_start3A_293] : memref<8192x4096xf32, #tpu.memory_space<hbm>> -> memref<4x4096xf32, #tpu.memory_space<hbm>>
          %dma_start3A_295 = tpu.memref_slice %run_scoped3A_9[%rem3A_286] : memref<2x!tpu.dma_semaphore, #tpu.memory_space<semaphore_mem>> -> memref<1x!tpu.dma_semaphore, #tpu.memory_space<semaphore_mem>>
          %dma_start3A_296 = tpu.memref_squeeze %dma_start3A_295 : memref<1x!tpu.dma_semaphore, #tpu.memory_space<semaphore_mem>> -> memref<!tpu.dma_semaphore, #tpu.memory_space<semaphore_mem>>
          %dma_start3A_297 = arith.constant 0 : i32
          %dma_start3A_298 = tpu.memref_slice %arg3[%mul3A_288, %dma_start3A_297] : memref<8192x4096xf32, #tpu.memory_space<hbm>> -> memref<4x4096xf32, #tpu.memory_space<hbm>>
          %dma_start3A_299 = arith.constant 0 : i32
          %dma_start3A_300 = arith.constant 0 : i32
          %dma_start3A_301 = tpu.memref_slice %run_scoped3A_8[%rem3A_286, %dma_start3A_299, %dma_start3A_300] : memref<2x4x4096xf32, #tpu.memory_space<vmem>> -> memref<1x4x4096xf32, #tpu.memory_space<vmem>>
          %dma_start3A_302 = tpu.memref_squeeze %dma_start3A_301 : memref<1x4x4096xf32, #tpu.memory_space<vmem>> -> memref<4x4096xf32, #tpu.memory_space<vmem>>
          tpu.enqueue_dma source(%dma_start3A_302 : memref<4x4096xf32, #tpu.memory_space<vmem>>) target(%dma_start3A_298 : memref<4x4096xf32, #tpu.memory_space<hbm>>) target_semaphore(%dma_start3A_296 : memref<!tpu.dma_semaphore, #tpu.memory_space<semaphore_mem>>)
          "tpu.trace_stop"() : () -> ()
        } else {
        }
        %and3A_234 = arith.constant true
        %and3A_235 = arith.andi %or3A_230, %and3A_234 : i1
        %add3A_236 = arith.constant 1 : i32
        %add3A_237 = arith.addi %scan3A_124, %add3A_236 : i32
        %select_n3A_238 = arith.select %and3A_235, %add3A_237, %scan3A_124 : i32
        %ne3A_239 = arith.cmpi ne, %add3A_131, %add3A_140 : i32
        %or3A_240 = arith.constant false
        %or3A_241 = arith.ori %or3A_240, %ne3A_239 : i1
        %or3A_242 = arith.constant false
        %or3A_243 = arith.ori %or3A_241, %or3A_242 : i1
        %not3A_244 = arith.constant true
        %not3A_245 = arith.xori %eq3A_128, %not3A_244 : i1
        %and3A_246 = arith.andi %or3A_243, %not3A_245 : i1
        %convert_element_type3A_247 = arith.extui %and3A_246 : i1 to i32
        %cond3A_248 = arith.constant 0 : i32
        %cond3A_249 = arith.cmpi ne, %convert_element_type3A_247, %cond3A_248 : i32
        scf.if %cond3A_249 {
        } else {
        }
        %and3A_250 = arith.constant false
        %and3A_251 = arith.andi %and3A_246, %and3A_250 : i1
        %ne3A_252 = arith.cmpi ne, %add3A_131, %add3A_140 : i32
        %or3A_253 = arith.constant false
        %or3A_254 = arith.ori %or3A_253, %ne3A_252 : i1
        %or3A_255 = arith.constant false
        %or3A_256 = arith.ori %or3A_254, %or3A_255 : i1
        %not3A_257 = arith.constant true
        %not3A_258 = arith.xori %eq3A_128, %not3A_257 : i1
        %and3A_259 = arith.andi %or3A_256, %not3A_258 : i1
        %convert_element_type3A_260 = arith.extui %and3A_259 : i1 to i32
        %cond3A_261 = arith.constant 0 : i32
        %cond3A_262 = arith.cmpi ne, %convert_element_type3A_260, %cond3A_261 : i32
        scf.if %cond3A_262 {
          "tpu.trace_start"() <{level = 10 : i32, message = "ep_wait_out"}> : () -> ()
          %rem3A_285 = arith.constant 2 : i32
          %rem3A_286 = arith.remui %scan3A_125, %rem3A_285 : i32
          %mul3A_287 = arith.constant 4 : i32
          %mul3A_288 = arith.muli %mul3A_287, %add3A_140 : i32
          %dma_wait3A_289 = arith.constant 0 : i32
          %dma_wait3A_290 = arith.constant 0 : i32
          %dma_wait3A_291 = tpu.memref_slice %run_scoped3A_8[%rem3A_286, %dma_wait3A_289, %dma_wait3A_290] : memref<2x4x4096xf32, #tpu.memory_space<vmem>> -> memref<1x4x4096xf32, #tpu.memory_space<vmem>>
          %dma_wait3A_292 = tpu.memref_squeeze %dma_wait3A_291 : memref<1x4x4096xf32, #tpu.memory_space<vmem>> -> memref<4x4096xf32, #tpu.memory_space<vmem>>
          %dma_wait3A_293 = arith.constant 0 : i32
          %dma_wait3A_294 = tpu.memref_slice %arg3[%mul3A_288, %dma_wait3A_293] : memref<8192x4096xf32, #tpu.memory_space<hbm>> -> memref<4x4096xf32, #tpu.memory_space<hbm>>
          %dma_wait3A_295 = tpu.memref_slice %run_scoped3A_9[%rem3A_286] : memref<2x!tpu.dma_semaphore, #tpu.memory_space<semaphore_mem>> -> memref<1x!tpu.dma_semaphore, #tpu.memory_space<semaphore_mem>>
          %dma_wait3A_296 = tpu.memref_squeeze %dma_wait3A_295 : memref<1x!tpu.dma_semaphore, #tpu.memory_space<semaphore_mem>> -> memref<!tpu.dma_semaphore, #tpu.memory_space<semaphore_mem>>
          %dma_wait3A_297 = arith.constant 0 : i32
          %dma_wait3A_298 = tpu.memref_slice %arg3[%mul3A_288, %dma_wait3A_297] : memref<8192x4096xf32, #tpu.memory_space<hbm>> -> memref<4x4096xf32, #tpu.memory_space<hbm>>
          %dma_wait3A_299 = arith.constant 0 : i32
          %dma_wait3A_300 = arith.constant 0 : i32
          %dma_wait3A_301 = tpu.memref_slice %run_scoped3A_8[%rem3A_286, %dma_wait3A_299, %dma_wait3A_300] : memref<2x4x4096xf32, #tpu.memory_space<vmem>> -> memref<1x4x4096xf32, #tpu.memory_space<vmem>>
          %dma_wait3A_302 = tpu.memref_squeeze %dma_wait3A_301 : memref<1x4x4096xf32, #tpu.memory_space<vmem>> -> memref<4x4096xf32, #tpu.memory_space<vmem>>
          tpu.wait_dma2 semaphore(%dma_wait3A_296 : memref<!tpu.dma_semaphore, #tpu.memory_space<semaphore_mem>>) src(%dma_wait3A_302 : memref<4x4096xf32, #tpu.memory_space<vmem>>) dst(%dma_wait3A_298 : memref<4x4096xf32, #tpu.memory_space<hbm>>)
          "tpu.trace_stop"() : () -> ()
        } else {
        }
        %and3A_263 = arith.constant true
        %and3A_264 = arith.andi %and3A_259, %and3A_263 : i1
        %add3A_265 = arith.constant 1 : i32
        %add3A_266 = arith.addi %scan3A_125, %add3A_265 : i32
        %select_n3A_267 = arith.select %and3A_264, %add3A_266, %scan3A_125 : i32
        %ne3A_268 = arith.cmpi ne, %add3A_131, %add3A_149 : i32
        %or3A_269 = arith.constant false
        %or3A_270 = arith.ori %or3A_269, %ne3A_268 : i1
        %or3A_271 = arith.constant false
        %or3A_272 = arith.ori %or3A_270, %or3A_271 : i1
        %or3A_273 = arith.ori %or3A_272, %eq3A_130 : i1
        %add3A_274 = arith.constant 1 : i32
        %add3A_275 = arith.addi %scan3A_123, %add3A_274 : i32
        %select_n3A_276 = arith.select %or3A_273, %add3A_275, %scan3A_123 : i32
        %add3A_277 = arith.constant 1 : i32
        %add3A_278 = arith.addi %scan3A_126, %add3A_277 : i32
        %select_n3A_279 = arith.constant true
        %select_n3A_280 = arith.select %select_n3A_279, %add3A_278, %scan3A_126 : i32
        %eq3A_281 = arith.constant 64 : i32
        %eq3A_282 = arith.cmpi eq, %select_n3A_280, %eq3A_281 : i32
        %select_n3A_283 = arith.constant 0 : i32
        %select_n3A_284 = arith.select %eq3A_282, %select_n3A_283, %select_n3A_280 : i32
        scf.yield %select_n3A_169, %select_n3A_276, %select_n3A_238, %select_n3A_267, %select_n3A_284 : i32, i32, i32, i32, i32
      }
      %scan3A_68 = arith.constant 64 : i32
      %sub3A = arith.constant 1 : i32
      %sub3A_69 = arith.subi %scan3A_67#4, %sub3A : i32
      %select_n3A_70 = arith.constant true
      %select_n3A_71 = arith.select %select_n3A_70, %sub3A_69, %scan3A_67#4 : i32
      %eq3A_72 = arith.constant -1 : i32
      %eq3A_73 = arith.cmpi eq, %select_n3A_71, %eq3A_72 : i32
      %select_n3A_74 = arith.constant 63 : i32
      %select_n3A_75 = arith.select %eq3A_73, %select_n3A_74, %select_n3A_71 : i32
      %add3A_76 = arith.addi %select_n3A_75, %mul3A_6 : i32
      %sub3A_77 = arith.constant 1 : i32
      %sub3A_78 = arith.subi %select_n3A_75, %sub3A_77 : i32
      %select_n3A_79 = arith.constant true
      %select_n3A_80 = arith.select %select_n3A_79, %sub3A_78, %select_n3A_75 : i32
      %eq3A_81 = arith.constant -1 : i32
      %eq3A_82 = arith.cmpi eq, %select_n3A_80, %eq3A_81 : i32
      %select_n3A_83 = arith.constant 63 : i32
      %select_n3A_84 = arith.select %eq3A_82, %select_n3A_83, %select_n3A_80 : i32
      %add3A_85 = arith.addi %select_n3A_84, %mul3A_6 : i32
      %add3A_86 = arith.constant 1 : i32
      %add3A_87 = arith.addi %select_n3A_75, %add3A_86 : i32
      %select_n3A_88 = arith.constant true
      %select_n3A_89 = arith.select %select_n3A_88, %add3A_87, %select_n3A_75 : i32
      %eq3A_90 = arith.constant 64 : i32
      %eq3A_91 = arith.cmpi eq, %select_n3A_89, %eq3A_90 : i32
      %select_n3A_92 = arith.constant 0 : i32
      %select_n3A_93 = arith.select %eq3A_91, %select_n3A_92, %select_n3A_89 : i32
      %add3A_94 = arith.addi %select_n3A_93, %mul3A_6 : i32
      %add3A_95 = arith.constant 1 : i32
      %add3A_96 = arith.addi %select_n3A_93, %add3A_95 : i32
      %select_n3A_97 = arith.constant true
      %select_n3A_98 = arith.select %select_n3A_97, %add3A_96, %select_n3A_93 : i32
      %eq3A_99 = arith.constant 64 : i32
      %eq3A_100 = arith.cmpi eq, %select_n3A_98, %eq3A_99 : i32
      %select_n3A_101 = arith.constant 0 : i32
      %select_n3A_102 = arith.select %eq3A_100, %select_n3A_101, %select_n3A_98 : i32
      %add3A_103 = arith.addi %select_n3A_102, %mul3A_6 : i32
      "tpu.trace_start"() <{level = 10 : i32, message = "ep_finalize"}> : () -> ()
      %rem3A_104 = arith.constant 2 : i32
      %rem3A_105 = arith.remui %scan3A_67#3, %rem3A_104 : i32
      %mul3A_106 = arith.constant 4 : i32
      %mul3A_107 = arith.muli %mul3A_106, %add3A_76 : i32
      %dma_wait3A = arith.constant 0 : i32
      %dma_wait3A_108 = arith.constant 0 : i32
      %dma_wait3A_109 = tpu.memref_slice %run_scoped3A_8[%rem3A_105, %dma_wait3A, %dma_wait3A_108] : memref<2x4x4096xf32, #tpu.memory_space<vmem>> -> memref<1x4x4096xf32, #tpu.memory_space<vmem>>
      %dma_wait3A_110 = tpu.memref_squeeze %dma_wait3A_109 : memref<1x4x4096xf32, #tpu.memory_space<vmem>> -> memref<4x4096xf32, #tpu.memory_space<vmem>>
      %dma_wait3A_111 = arith.constant 0 : i32
      %dma_wait3A_112 = tpu.memref_slice %arg3[%mul3A_107, %dma_wait3A_111] : memref<8192x4096xf32, #tpu.memory_space<hbm>> -> memref<4x4096xf32, #tpu.memory_space<hbm>>
      %dma_wait3A_113 = tpu.memref_slice %run_scoped3A_9[%rem3A_105] : memref<2x!tpu.dma_semaphore, #tpu.memory_space<semaphore_mem>> -> memref<1x!tpu.dma_semaphore, #tpu.memory_space<semaphore_mem>>
      %dma_wait3A_114 = tpu.memref_squeeze %dma_wait3A_113 : memref<1x!tpu.dma_semaphore, #tpu.memory_space<semaphore_mem>> -> memref<!tpu.dma_semaphore, #tpu.memory_space<semaphore_mem>>
      %dma_wait3A_115 = arith.constant 0 : i32
      %dma_wait3A_116 = tpu.memref_slice %arg3[%mul3A_107, %dma_wait3A_115] : memref<8192x4096xf32, #tpu.memory_space<hbm>> -> memref<4x4096xf32, #tpu.memory_space<hbm>>
      %dma_wait3A_117 = arith.constant 0 : i32
      %dma_wait3A_118 = arith.constant 0 : i32
      %dma_wait3A_119 = tpu.memref_slice %run_scoped3A_8[%rem3A_105, %dma_wait3A_117, %dma_wait3A_118] : memref<2x4x4096xf32, #tpu.memory_space<vmem>> -> memref<1x4x4096xf32, #tpu.memory_space<vmem>>
      %dma_wait3A_120 = tpu.memref_squeeze %dma_wait3A_119 : memref<1x4x4096xf32, #tpu.memory_space<vmem>> -> memref<4x4096xf32, #tpu.memory_space<vmem>>
      tpu.wait_dma2 semaphore(%dma_wait3A_114 : memref<!tpu.dma_semaphore, #tpu.memory_space<semaphore_mem>>) src(%dma_wait3A_120 : memref<4x4096xf32, #tpu.memory_space<vmem>>) dst(%dma_wait3A_116 : memref<4x4096xf32, #tpu.memory_space<hbm>>)
      "tpu.trace_stop"() : () -> ()
      tpu.yield
    }) : () -> ()
    return
  }
}

</mosaic_0001>

<sc_bundles>
// kernel: kernel.3.cloned.1.call-start
scs
__scs_entry_jumppad:
0x0: {  	(pc) =	sbr.rel $0x88, $3  }
0x1: {  	(tag) =	ssettag $0x0;
	lr =	simm.s32 $0x1  }
0x2: {  	[smem:$0x3FA0] =	sst lr;
	_ =	strace $0xD0000000  }
0x3: {  	_ = 	snop  }
0x4: {  	_ = 	snop  }
0x5: {  	_ = 	snop  }
0x6: {  	_ = 	snop  }
0x7: {  	_ = 	snop  }
__scs_overlays_trampoline_lowered:
0x8: {  	[smem:$0x3FAF] =	sst s0  }
0x9: {  	[smem:$0x3FB0] =	sst s1  }
0xa: {  	[smem:$0x3FB1] =	sst s2  }
0xb: {  	[smem:$0x3FB2] =	sst s3  }
0xc: {  	[smem:$0x3FB3] =	sst s4  }
0xd: {  	[smem:$0x3FB4] =	sst s5  }
0xe: {  	[smem:$0x3FB5] =	sst s6  }
0xf: {  	[smem:$0x3FB6] =	sst s7  }
0x10: {  	[smem:$0x3FB7] =	sst s8  }
0x11: {  	[smem:$0x3FB8] =	sst s9;
	s0 =	simm.s32 @!p0 $0x0  }
0x12: {  	s1 =	sld [smem:$0x3F9E];
	s0 =	simm.s32 @p0 $0x1  }
0x13: {  	[smem:$0x3FB9] =	sst s0;
	s0 =	simm.s32 @!p1 $0x0  }
0x14: {  	s2 =	sld [smem:$0x3F9D];
	s0 =	simm.s32 @p1 $0x1  }
0x15: {  	[smem:$0x3FBA] =	sst s0;
	s0 =	simm.s32 @!p2 $0x0  }
0x16: {  	s3 =	sld [smem:$0x3FDB];
	s0 =	simm.s32 @p2 $0x1  }
0x17: {  	s4 =	simm.s32 $0x1BF5;
	[smem:$0x3FBC] =	sst s0  }
0x18: {  	s0 =	sld [smem:$0x3F9F];
	_ =	swait.ge [sflag:s4], $0x0  }
0x19: {  	s7 =	sld [smem:$0x3FA0]  }
0x1a: {  	s8 =	sadd.s32 $0xFFFFE003, lr  }
0x1b: {  	s9 =	sadd.s32 $0xFFFFFEF7, lr;
	s5 =	simm.s32 $0xFFFFFFFF;
	p2 =	slt.u32 s8, $0xFFFFF086  }
0x1c: {  	p1 =	slt.u32 s9, $0xF7A;
	s5 =	simm.s32 @!p2 $0x0  }
0x1d: {  	s5 =	simm.s32 @p1 $0x1;
	p0 =	seq.s32 s7, s2  }
0x1e: {  	s7 =	smul.u32 @!p0 $0xF7A, s2;
	p2 =	seq.s32 @!p0 s5, $0x0  }
0x1f: {  	s9 =	smul.u32 $0xF7A, s1;
	s8 =	simm.s32 @!p0 $0x1BF5;
	p2 =	por !p2, p0  }
0x20: {  	[sflag:s8] =	ssyncset.s32 @!p0 $0xFFFFF086;
	s6 =	sadd.s32 @!p0 s3, s7;
	s7 =	simm.s32 @!p0 $0x108  }
0x21: {  	s3 =	sadd.s32 s3, s9;
	s6 =	sadd.s32 @!p0 $0x88, s6;
	s7 =	simm.s32 @p2 $0x1082  }
0x22: {  	[simem:s7], [sflag:s8] =	dma.local @!p0 [hbm:s6], $0xF7A  }
0x23: {  	s9 =	sor.u32 $0xD0000000, s2;
	s6 =	simm.s32 $0x108;
	_ =	swait.ge @!p0 [sflag:s8], $0x0  }
0x24: {  	s3 =	sadd.s32 $0x88, s3;
	s6 =	simm.s32 @!p1 $0x1082;
	[sflag:s4] =	ssyncset.s32 $0xFFFFF086  }
0x25: {  	[simem:s6], [sflag:s4] =	dma.local [hbm:s3], $0xF7A  }
0x26: {  	[smem:$0x3FA0] =	sst s1;
	(tag) =	ssettag s2;
	_ =	strace s9  }
0x27: {  	s1 =	sld [smem:$0x3FB0]  }
0x28: {  	s2 =	sld [smem:$0x3FB1]  }
0x29: {  	s4 =	sld [smem:$0x3FB3]  }
0x2a: {  	p0 =	seq.s32 s5, $0x0;
	s5 =	sld [smem:$0x3FB4]  }
0x2b: {  	s6 =	sld [smem:$0x3FB5]  }
0x2c: {  	s7 =	sld [smem:$0x3FB6]  }
0x2d: {  	s3 =	simm.s32 $0x108;
	s8 =	sld [smem:$0x3FB7]  }
0x2e: {  	s3 =	simm.s32 @!p0 $0x1082;
	s9 =	sld [smem:$0x3FB8]  }
0x2f: {  	lr =	sadd.s32 s0, s3;
	s0 =	sld [smem:$0x3FAF]  }
0x30: {  	s3 =	sld [smem:$0x3FB2]  }
0x31: {  	[smem:$0x3FBB] =	sst s10  }
0x32: {  	s10 =	sld [smem:$0x3FB9];
	_ =	sdelay $0x3  }
0x33: {  	p0 =	seq.s32 s10, $0x1;
	s10 =	sld [smem:$0x3FBB];
	_ =	sdelay $0x3  }
0x34: {  	[smem:$0x3FBB] =	sst s10  }
0x35: {  	s10 =	sld [smem:$0x3FBA];
	_ =	sdelay $0x3  }
0x36: {  	p1 =	seq.s32 s10, $0x1;
	s10 =	sld [smem:$0x3FBB];
	_ =	sdelay $0x3  }
0x37: {  	[smem:$0x3FBB] =	sst s10  }
0x38: {  	s10 =	sld [smem:$0x3FBC]  }
0x39: {  	_ = 	snop;
	(pc) =	sbr.ind lr, $3  }
0x3a: {  	_ = 	snop  }
0x3b: {  	_ = 	snop  }
0x3c: {  	p2 =	seq.s32 s10, $0x1;
	s10 =	sld [smem:$0x3FBB]  }
0x3d: {  	_ =	shalt  }
0x3e: {  	_ =	shalt  }
0x3f: {  	_ =	shalt  }
0x40: {  	_ =	shalt  }
0x41: {  	_ =	shalt  }
0x42: {  	_ =	shalt  }
0x43: {  	_ =	shalt  }
0x44: {  	_ =	shalt  }
0x45: {  	_ =	shalt  }
0x46: {  	_ =	shalt  }
0x47: {  	_ =	shalt  }
0x48: {  	_ =	shalt  }
0x49: {  	_ =	shalt  }
0x4a: {  	_ =	shalt  }
0x4b: {  	_ =	shalt  }
0x4c: {  	_ =	shalt  }
0x4d: {  	_ =	shalt  }
0x4e: {  	_ =	shalt  }
0x4f: {  	_ =	shalt  }
0x50: {  	_ =	shalt  }
0x51: {  	_ =	shalt  }
0x52: {  	_ =	shalt  }
0x53: {  	_ =	shalt  }
0x54: {  	_ =	shalt  }
0x55: {  	_ =	shalt  }
0x56: {  	_ =	shalt  }
0x57: {  	_ =	shalt  }
0x58: {  	_ =	shalt  }
0x59: {  	_ =	shalt  }
0x5a: {  	_ =	shalt  }
0x5b: {  	_ =	shalt  }
0x5c: {  	_ =	shalt  }
0x5d: {  	_ =	shalt  }
0x5e: {  	_ =	shalt  }
0x5f: {  	_ =	shalt  }
0x60: {  	_ =	shalt  }
0x61: {  	_ =	shalt  }
0x62: {  	_ =	shalt  }
0x63: {  	_ =	shalt  }
0x64: {  	_ =	shalt  }
0x65: {  	_ =	shalt  }
0x66: {  	_ =	shalt  }
0x67: {  	_ =	shalt  }
0x68: {  	_ =	shalt  }
0x69: {  	_ =	shalt  }
0x6a: {  	_ =	shalt  }
0x6b: {  	_ =	shalt  }
0x6c: {  	_ =	shalt  }
0x6d: {  	_ =	shalt  }
0x6e: {  	_ =	shalt  }
0x6f: {  	_ =	shalt  }
0x70: {  	_ =	shalt  }
0x71: {  	_ =	shalt  }
0x72: {  	_ =	shalt  }
0x73: {  	_ =	shalt  }
0x74: {  	_ =	shalt  }
0x75: {  	_ =	shalt  }
0x76: {  	_ =	shalt  }
0x77: {  	_ =	shalt  }
0x78: {  	_ =	shalt  }
0x79: {  	_ =	shalt  }
0x7a: {  	_ =	shalt  }
0x7b: {  	_ =	shalt  }
0x7c: {  	_ =	shalt  }
0x7d: {  	_ =	shalt  }
0x7e: {  	_ =	shalt  }
0x7f: {  	_ =	shalt  }
0x80: {  	_ =	shalt  }
0x81: {  	_ =	shalt  }
0x82: {  	_ =	shalt  }
0x83: {  	_ =	shalt  }
0x84: {  	_ =	shalt  }
0x85: {  	_ =	shalt  }
0x86: {  	_ =	shalt  }
0x87: {  	_ =	shalt  }
.Lfunc_end0:
.L_simem_size_0:
called_computation_lowered:
.L_overlay_start_0:
0x88: {  	s2 =	sld [smem:$0x3FD9]  }
0x89: {  	s3 =	sld [smem:$0x3FFE];
	_ =	sdelay $0x1  }
0x8a: {  	s1 =	srdreg.scid  }
0x8b: {  	s0 =	sand.u32 $0x1, s1  }
0x8c: {  	s18 =	sshll.u32 s0, $0xA;
	s2 =	sadd.s32 s3, s2  }
0x8d: {  	s2 =	sadd.s32 s2, s18  }
0x8e: {  	[smem:$0x3FC7] =	sst s2  }
0x8f: {  	_ = 	snop  }
0x90: {  	s2 =	sld [smem:$0x3FC9]  }
0x91: {  	s19 =	sld [smem:$0x3FD0];
	(tm) =	ssettm $0x1  }
0x92: {  	s4 =	sld [smem:$0x3FFB];
	_ =	sdelay $0x3  }
0x93: {  	_ =	strace s4  }
0x94: {  	s4 =	sld [smem:$0x3FFC];
	_ =	sdelay $0x3  }
0x95: {  	_ =	strace s4  }
0x96: {  	s4 =	sld [smem:$0x3FFD];
	_ =	sdelay $0x3  }
0x97: {  	_ =	strace s4  }
0x98: {  	_ =	strace $0x8FFFFFFF  }
0x99: {  	s20 =	sld [smem:$0x3FDB];
	_ =	sdelay $0x1  }
0x9a: {  	s5 =	simm.s32 $_scs_section_size  }
0x9b: {  	s6 =	simm.s32 $_size__tile_overlayer_lowered;
	s7 =	simm.s32 $_tile_overlayer_lowered  }
0x9c: {  	s23 =	simm.s32 $0x1BFF;
	s22 =	sshll.u32 s7, $0x1;
	s4 =	sadd.s32 s5, s20  }
0x9d: {  	s8 =	simm.s32 $0x0;
	s21 =	sshll.u32 s6, $0x1;
	s6 =	sadd.s32 s22, s4  }
0x9e: {  	[timem:s8], [sflag:s23] =	dma.local [hbm:s6], s21  }
0x9f: {  	_ =	swait.ge [sflag:s23], s21  }
0xa0: {  	s5 =	ssub.s32 $0x0, s21;
	[sflag:s23] =	ssyncset.done $0x0  }
0xa1: {  	[sflag:s23] =	ssyncadd.s32 s5;
	_ =	sdelay $0x1  }
0xa2: {  	s24 =	simm.s32 $0x1B8B  }
0xa3: {  	_ =	swait.ge [sflag:s24], $0x1  }
0xa4: {  	[sflag:s24] =	ssyncset.done $0x0  }
0xa5: {  	s25 =	simm.s32 $0x1B8E;
	[sflag:s24] =	ssyncadd.s32 $0xFFFFFFFF  }
0xa6: {  	s26 =	simm.s32 $execute0_lowered;
	[smem:$0x3FD2] =	sst s25  }
0xa7: {  	s5 =	sshll.u32 s26, $0x1;
	_ =	strace $0x80000046;
	[dreg:$0x1] =	wrdreg $0xFFFFFFFF  }
0xa8: {  	s28 =	simm.s32 $_size_execute0_lowered;
	s4 =	sadd.s32 s4, s5;
	[dreg:$0x0] =	wrdreg $0x0  }
0xa9: {  	s5 =	sshll.u32 s28, $0x1;
	[dreg:$0x2] =	wrdreg s4  }
0xaa: {  	[dreg:$0x3] =	wrdreg s5  }
0xab: {  	[dreg:$0x4] =	wrdreg $0xC0  }
0xac: {  	_ =	task [dreg:s8], $0x5FFFF  }
0xad: {  	[dreg:$0x1] =	wrdreg $0xFFFFFFFF  }
0xae: {  	[dreg:$0x0] =	wrdreg $0x60  }
0xaf: {  	[dreg:$0x2] =	wrdreg s2  }
0xb0: {  	[dreg:$0x3] =	wrdreg s19  }
0xb1: {  	[dreg:$0x4] =	wrdreg $0x9  }
0xb2: {  	_ =	task.clear_ibuf [dreg:s8], $0x5FFFF;
	_ =	strace $0x90000046  }
0xb3: {  	s29 =	simm.s32 $0x9;
	_ =	strace $0x8000004F  }
0xb4: {  	_ =	swait.ge [sflag:s29], $0x1  }
0xb5: {  	[sflag:s29] =	ssyncadd.s32 $0xFFFFFFFF  }
0xb6: {  	_ =	strace $0x9000004F  }
0xb7: {  	_ =	sfence  }
0xb8: {  	s30 =	sld [smem:$0x0];
	_ =	sdelay $0x2  }
0xb9: {  	s31 =	sshll.u32 s1, $0xD;
	s1 =	sshrl.u32 s1, $0x2  }
0xba: {  	s3 =	sand.u32 $0x4000, s31;
	s1 =	sadd.s32 s1, s30  }
0xbb: {  	s0 =	sor.u32 s3, s0;
	s1 =	sshll.u32 s1, $0x11  }
0xbc: {  	s0 =	sor.u32 s1, s0  }
0xbd: {  	s0 =	sadd.s32 $0x8F2B, s0  }
0xbe: {  	[sflag:s0] =	ssyncadd.remote.s32 $0x1  }
0xbf: {  	_ =	sfence.sel $0xFFFF  }
0xc0: {  	[dreg:$0x0] =	wrdreg $0xFFFFFFFF;
	(pc) =	sbr.abs _section_cstart, $3  }
0xc1: {  	[dreg:$0x1] =	wrdreg $0xFFFFFFFF  }
0xc2: {  	_ =	task.clear_ibuf [dreg:s8], $0x2FFFF;
	_ =	strace $0x9FFFFFFF  }
0xc3: {  	(tm) =	ssettm $0x7FFFFFFF  }
tec
execute0_lowered:
.L_overlay_start_1:
0x0: {  	(tag) =	ssettag $0x1  }
0x1: {  	s1 =	rddreg [dreg:$0x0]  }
0x2: {  	s0 =	rddreg [dreg:$0x1]  }
0x3: {  	s3 =	simm.s32 $0x0;
	s2 =	srdreg.scid;
	[dreg:$0x3] =	wrdreg s0  }
0x4: {  	s8 =	simm.s32 $0x400;
	s9 =	simm.s32 $0x4;
	s0 =	rddreg [dreg:$0x2]  }
0x5: {  	s10 =	simm.s32 $0x0;
	[smem:$0x7FF] =	sst s3;
	s4 =	sand.u32 $0x1, s2  }
0x6: {  	s2 =	stileid.u32;
	s5 =	ssub.s32 $0x2, s4;
	s4 =	sshll.u32 s4, $0x4  }
0x7: {  	_ =	strace $0x80000047;
	s6 =	sshrl.u32 s5, $0x1;
	s7 =	sor.u32 s2, s4  }
0x8: {  	s6 =	ssub.s32 s5, s6;
	s4 =	sshll.u32 s7, $0x6;
	s31 =	sshll.u32 s7, $0x11  }
0x9: {  	s7 =	simm.s32 $0x200;
	s5 =	sadd.s32 s1, s31;
	s6 =	smax.u32 s6, $0x1  }
.LBB2_1:
0xa: {  	_ =	strace $0x80000048;
	s11 =	simm.s32 $0x40  }
0xb: {  	s12 =	simm.s32 $0x0;
	s13 =	simm.s32 $0x0;
	s14 =	simm.s32 $0x0  }
0xc: {  	[tilespmem:s3], [sflag:$0x1] =	stream.strided.gather [hbm4b:s5+s7], $0x4000, s8, s7, $0x200038;
	[tilespmem:$0x10000] =	vst v63  }
0xd: {  	s15 =	simm.s32 $0x0;
	s16 =	simm.s32 $0x1;
	_ =	strace $0x90000048  }
.LBB2_2:
0xe: {  	s17 =	smov.u32 s12;
	s12 =	sadd.s32 $0x1, s12  }
0xf: {  	p0 =	seq.s32 s12, $0x40  }
0x10: {  	s12 =	simm.s32 @p0 $0x0  }
0x11: {  	p6 =	sne.s32 s11, $0x1;
	p1 =	sne.s32 s17, s12  }
0x12: {  	p0 =	por !p6, !p1  }
0x13: {  	p0 =	por !p0, !p0  }
0x14: {  	s18 =	sadd.s32 @p0 s4, s12  }
0x15: {  	s19 =	sshll.u32 @p0 s12, $0x9;
	s18 =	sshll.u32 @p0 s18, $0xE  }
0x16: {  	s19 =	sand.u32 @p0 $0x200, s19;
	s18 =	sand.u32 @p0 $0xFFFF8000, s18  }
0x17: {  	_ =	strace @p0 $0x80000049;
	s21 =	simm.s32 @p0 $0x200;
	s18 =	sor.u32 @p0 s19, s18  }
0x18: {  	s22 =	simm.s32 @p0 $0x400;
	s19 =	sand.u32 @p0 $0x1, s16;
	s18 =	sshrl.u32 @p0 s18, $0x3  }
0x19: {  	s20 =	sshll.u32 @p0 s19, $0xE;
	s19 =	sadd.s32 @p0 $0x1, s19;
	s18 =	sadd.s32 @p0 s1, s18  }
0x1a: {  	[tilespmem:s20], [sflag:s19] =	stream.strided.gather @p0 [hbm4b:s18+s21], $0x4000, s22, s21, $0x200038;
	[tilespmem:$0x10000] =	vst v63  }
0x1b: {  	s28 =	sand.u32 $0x1, s15;
	_ =	strace @p0 $0x90000049  }
0x1c: {  	s18 =	sadd.s32 $0x1, s28;
	_ =	strace $0x8000004A  }
0x1d: {  	_ =	swait.ge [sflag:s18], $0x4000  }
0x1e: {  	[sflag:s18] =	ssyncset.done $0x0  }
0x1f: {  	[sflag:s18] =	ssyncadd.s32 $0xFFFFC000  }
0x20: {  	s29 =	sshll.u32 s15, $0xE;
	_ =	strace $0x9000004A  }
0x21: {  	s30 =	sand.u32 $0x4000, s29;
	_ =	strace $0x8000004B  }
0x22: {  	v63 =	vld [tilespmem:s30+$0xE70];
	_ =	sdelay $0x4  }
0x23: {  	[tilespmem:$0x1C4F0] =	vst v63;
	v63 =	vld [tilespmem:s30+$0x1000];
	_ =	sdelay $0x4  }
0x24: {  	[tilespmem:$0x1C500] =	vst v63;
	v63 =	vld [tilespmem:s30+$0x1010];
	_ =	sdelay $0x4  }
0x25: {  	[tilespmem:$0x1C510] =	vst v63;
	v63 =	vld [tilespmem:s30+$0x1020];
	_ =	sdelay $0x4  }
0x26: {  	[tilespmem:$0x1C520] =	vst v63;
	v63 =	vld [tilespmem:s30+$0x1030];
	_ =	sdelay $0x4  }
0x27: {  	[tilespmem:$0x1C530] =	vst v63;
	v63 =	vld [tilespmem:s30+$0x1040];
	_ =	sdelay $0x4  }
0x28: {  	[tilespmem:$0x1C540] =	vst v63;
	v63 =	vld [tilespmem:s30+$0x1050];
	_ =	sdelay $0x4  }
0x29: {  	[tilespmem:$0x1C550] =	vst v63;
	v63 =	vld [tilespmem:s30+$0x1060];
	_ =	sdelay $0x4  }
0x2a: {  	[tilespmem:$0x1C560] =	vst v63;
	v63 =	vld [tilespmem:s30+$0x1070];
	_ =	sdelay $0x4  }
0x2b: {  	[tilespmem:$0x1C570] =	vst v63;
	v63 =	vld [tilespmem:s30+$0x1200];
	_ =	sdelay $0x4  }
0x2c: {  	[tilespmem:$0x1C580] =	vst v63;
	v63 =	vld [tilespmem:s30+$0x1210];
	_ =	sdelay $0x4  }
0x2d: {  	[tilespmem:$0x1C590] =	vst v63;
	v63 =	vld [tilespmem:s30+$0x1220];
	_ =	sdelay $0x4  }
0x2e: {  	[tilespmem:$0x1C5A0] =	vst v63;
	v63 =	vld [tilespmem:s30+$0x1230];
	_ =	sdelay $0x4  }
0x2f: {  	[tilespmem:$0x1C5B0] =	vst v63;
	v63 =	vld [tilespmem:s30+$0x1240];
	_ =	sdelay $0x4  }
0x30: {  	[tilespmem:$0x1C5C0] =	vst v63;
	v63 =	vld [tilespmem:s30+$0x1250];
	_ =	sdelay $0x4  }
0x31: {  	[tilespmem:$0x1C5D0] =	vst v63;
	v63 =	vld [tilespmem:s30+$0x1260];
	_ =	sdelay $0x4  }
0x32: {  	[tilespmem:$0x1C5E0] =	vst v63;
	v63 =	vld [tilespmem:s30+$0x1270];
	_ =	sdelay $0x4  }
0x33: {  	[tilespmem:$0x1C5F0] =	vst v63;
	v63 =	vld [tilespmem:s30+$0x1400];
	_ =	sdelay $0x4  }
0x34: {  	[tilespmem:$0x1C600] =	vst v63;
	v63 =	vld [tilespmem:s30+$0x1410];
	_ =	sdelay $0x4  }
0x35: {  	[tilespmem:$0x1C610] =	vst v63;
	v63 =	vld [tilespmem:s30+$0x1420];
	_ =	sdelay $0x4  }
0x36: {  	[tilespmem:$0x1C620] =	vst v63;
	v63 =	vld [tilespmem:s30+$0x1430];
	_ =	sdelay $0x4  }
0x37: {  	[tilespmem:$0x1C630] =	vst v63;
	v63 =	vld [tilespmem:s30+$0x1440];
	_ =	sdelay $0x4  }
0x38: {  	[tilespmem:$0x1C640] =	vst v63;
	v63 =	vld [tilespmem:s30+$0x1450];
	_ =	sdelay $0x4  }
0x39: {  	[tilespmem:$0x1C650] =	vst v63;
	v63 =	vld [tilespmem:s30+$0x1460];
	_ =	sdelay $0x4  }
0x3a: {  	[tilespmem:$0x1C660] =	vst v63;
	v63 =	vld [tilespmem:s30+$0x1470];
	_ =	sdelay $0x4  }
0x3b: {  	[tilespmem:$0x1C670] =	vst v63;
	v63 =	vld [tilespmem:s30+$0x1600];
	_ =	sdelay $0x4  }
0x3c: {  	[tilespmem:$0x1C680] =	vst v63;
	v63 =	vld [tilespmem:s30+$0x1610];
	_ =	sdelay $0x4  }
0x3d: {  	[tilespmem:$0x1C690] =	vst v63;
	v63 =	vld [tilespmem:s30+$0x1620];
	_ =	sdelay $0x4  }
0x3e: {  	[tilespmem:$0x1C6A0] =	vst v63;
	v63 =	vld [tilespmem:s30+$0x1630];
	_ =	sdelay $0x4  }
0x3f: {  	[tilespmem:$0x1C6B0] =	vst v63;
	v63 =	vld [tilespmem:s30+$0x1640];
	_ =	sdelay $0x4  }
0x40: {  	[tilespmem:$0x1C6C0] =	vst v63;
	v63 =	vld [tilespmem:s30+$0x1650];
	_ =	sdelay $0x4  }
0x41: {  	[tilespmem:$0x1C6D0] =	vst v63;
	v63 =	vld [tilespmem:s30+$0x1660];
	_ =	sdelay $0x4  }
0x42: {  	[tilespmem:$0x1C6E0] =	vst v63;
	v63 =	vld [tilespmem:s30+$0x1670];
	_ =	sdelay $0x4  }
0x43: {  	[tilespmem:$0x1C6F0] =	vst v63;
	v63 =	vld [tilespmem:s30+$0x1800];
	_ =	sdelay $0x4  }
0x44: {  	[tilespmem:$0x1C700] =	vst v63;
	v63 =	vld [tilespmem:s30+$0x1810];
	_ =	sdelay $0x4  }
0x45: {  	[tilespmem:$0x1C710] =	vst v63;
	v63 =	vld [tilespmem:s30+$0x1820];
	_ =	sdelay $0x4  }
0x46: {  	[tilespmem:$0x1C720] =	vst v63;
	v63 =	vld [tilespmem:s30+$0x1830];
	_ =	sdelay $0x4  }
0x47: {  	[tilespmem:$0x1C730] =	vst v63;
	v63 =	vld [tilespmem:s30+$0x1840];
	_ =	sdelay $0x4  }
0x48: {  	[tilespmem:$0x1C740] =	vst v63;
	v63 =	vld [tilespmem:s30+$0x1850];
	_ =	sdelay $0x4  }
0x49: {  	[tilespmem:$0x1C750] =	vst v63;
	v63 =	vld [tilespmem:s30+$0x1860];
	_ =	sdelay $0x4  }
0x4a: {  	[tilespmem:$0x1C760] =	vst v63;
	v63 =	vld [tilespmem:s30+$0x1870];
	_ =	sdelay $0x4  }
0x4b: {  	[tilespmem:$0x1C770] =	vst v63;
	v63 =	vld [tilespmem:s30+$0x1A00];
	_ =	sdelay $0x4  }
0x4c: {  	[tilespmem:$0x1C780] =	vst v63;
	v63 =	vld [tilespmem:s30+$0x1A10];
	_ =	sdelay $0x4  }
0x4d: {  	[tilespmem:$0x1C790] =	vst v63;
	v63 =	vld [tilespmem:s30+$0x1A20];
	_ =	sdelay $0x4  }
0x4e: {  	[tilespmem:$0x1C7A0] =	vst v63;
	v63 =	vld [tilespmem:s30+$0x1A30];
	_ =	sdelay $0x4  }
0x4f: {  	[tilespmem:$0x1C7B0] =	vst v63;
	v63 =	vld [tilespmem:s30+$0x1A40];
	_ =	sdelay $0x4  }
0x50: {  	[tilespmem:$0x1C7C0] =	vst v63;
	v63 =	vld [tilespmem:s30+$0x1A50];
	_ =	sdelay $0x4  }
0x51: {  	[tilespmem:$0x1C7D0] =	vst v63;
	v63 =	vld [tilespmem:s30+$0x1A60];
	_ =	sdelay $0x4  }
0x52: {  	[tilespmem:$0x1C7E0] =	vst v63;
	v63 =	vld [tilespmem:s30+$0x1A70];
	_ =	sdelay $0x4  }
0x53: {  	[tilespmem:$0x1C7F0] =	vst v63;
	v63 =	vld [tilespmem:s30+$0x1C00];
	_ =	sdelay $0x4  }
0x54: {  	[tilespmem:$0x1C800] =	vst v63;
	v63 =	vld [tilespmem:s30+$0x1C10];
	_ =	sdelay $0x4  }
0x55: {  	[tilespmem:$0x1C810] =	vst v63;
	v63 =	vld [tilespmem:s30+$0x1C20];
	_ =	sdelay $0x4  }
0x56: {  	[tilespmem:$0x1C820] =	vst v63;
	v63 =	vld [tilespmem:s30+$0x1C30];
	_ =	sdelay $0x4  }
0x57: {  	[tilespmem:$0x1C830] =	vst v63;
	v63 =	vld [tilespmem:s30+$0x1C40];
	_ =	sdelay $0x4  }
0x58: {  	[tilespmem:$0x1C840] =	vst v63;
	v63 =	vld [tilespmem:s30+$0x1C50];
	_ =	sdelay $0x4  }
0x59: {  	[tilespmem:$0x1C850] =	vst v63;
	v63 =	vld [tilespmem:s30+$0x1C60];
	_ =	sdelay $0x4  }
0x5a: {  	[tilespmem:$0x1C860] =	vst v63;
	v63 =	vld [tilespmem:s30+$0x1C70];
	_ =	sdelay $0x4  }
0x5b: {  	[tilespmem:$0x1C870] =	vst v63;
	v63 =	vld [tilespmem:s30+$0x1E00];
	_ =	sdelay $0x4  }
0x5c: {  	[tilespmem:$0x1C880] =	vst v63;
	v63 =	vld [tilespmem:s30+$0x1E10];
	_ =	sdelay $0x4  }
0x5d: {  	[tilespmem:$0x1C890] =	vst v63;
	v63 =	vld [tilespmem:s30+$0x1E20];
	_ =	sdelay $0x4  }
0x5e: {  	[tilespmem:$0x1C8A0] =	vst v63;
	v63 =	vld [tilespmem:s30+$0x1E30];
	_ =	sdelay $0x4  }
0x5f: {  	[tilespmem:$0x1C8B0] =	vst v63;
	v63 =	vld [tilespmem:s30+$0x1E40];
	_ =	sdelay $0x4  }
0x60: {  	[tilespmem:$0x1C8C0] =	vst v63;
	v63 =	vld [tilespmem:s30+$0x1E50];
	_ =	sdelay $0x4  }
0x61: {  	[tilespmem:$0x1C8D0] =	vst v63;
	v63 =	vld [tilespmem:s30+$0x1E60];
	_ =	sdelay $0x4  }
0x62: {  	[tilespmem:$0x1C8E0] =	vst v63;
	v63 =	vld [tilespmem:s30+$0x1E70];
	_ =	sdelay $0x4  }
0x63: {  	[tilespmem:$0x1C8F0] =	vst v63;
	v63 =	vld [tilespmem:s30+$0x2000];
	_ =	sdelay $0x4  }
0x64: {  	[tilespmem:$0x1C900] =	vst v63;
	v63 =	vld [tilespmem:s30+$0x2010];
	_ =	sdelay $0x4  }
0x65: {  	[tilespmem:$0x1C910] =	vst v63;
	v63 =	vld [tilespmem:s30+$0x2020];
	_ =	sdelay $0x4  }
0x66: {  	[tilespmem:$0x1C920] =	vst v63;
	v63 =	vld [tilespmem:s30+$0x2030];
	_ =	sdelay $0x4  }
0x67: {  	[tilespmem:$0x1C930] =	vst v63;
	v63 =	vld [tilespmem:s30+$0x2040];
	_ =	sdelay $0x4  }
0x68: {  	[tilespmem:$0x1C940] =	vst v63;
	v63 =	vld [tilespmem:s30+$0x2050];
	_ =	sdelay $0x4  }
0x69: {  	[tilespmem:$0x1C950] =	vst v63;
	v63 =	vld [tilespmem:s30+$0x2060];
	_ =	sdelay $0x4  }
0x6a: {  	[tilespmem:$0x1C960] =	vst v63;
	v63 =	vld [tilespmem:s30+$0x2070];
	_ =	sdelay $0x4  }
0x6b: {  	[tilespmem:$0x1C970] =	vst v63;
	v63 =	vld [tilespmem:s30+$0x2200];
	_ =	sdelay $0x4  }
0x6c: {  	[tilespmem:$0x1C980] =	vst v63;
	v63 =	vld [tilespmem:s30+$0x2210];
	_ =	sdelay $0x4  }
0x6d: {  	[tilespmem:$0x1C990] =	vst v63;
	v63 =	vld [tilespmem:s30+$0x2220];
	_ =	sdelay $0x4  }
0x6e: {  	[tilespmem:$0x1C9A0] =	vst v63;
	v63 =	vld [tilespmem:s30+$0x2230];
	_ =	sdelay $0x4  }
0x6f: {  	[tilespmem:$0x1C9B0] =	vst v63;
	v63 =	vld [tilespmem:s30+$0x2240];
	_ =	sdelay $0x4  }
0x70: {  	[tilespmem:$0x1C9C0] =	vst v63;
	v63 =	vld [tilespmem:s30+$0x2250];
	_ =	sdelay $0x4  }
0x71: {  	[tilespmem:$0x1C9D0] =	vst v63;
	v63 =	vld [tilespmem:s30+$0x2260];
	_ =	sdelay $0x4  }
0x72: {  	[tilespmem:$0x1C9E0] =	vst v63;
	v63 =	vld [tilespmem:s30+$0x2270];
	_ =	sdelay $0x4  }
0x73: {  	[tilespmem:$0x1C9F0] =	vst v63;
	v63 =	vld [tilespmem:s30+$0x2400];
	_ =	sdelay $0x4  }
0x74: {  	[tilespmem:$0x1CA00] =	vst v63;
	v63 =	vld [tilespmem:s30+$0x2410];
	_ =	sdelay $0x4  }
0x75: {  	[tilespmem:$0x1CA10] =	vst v63;
	v63 =	vld [tilespmem:s30+$0x2420];
	_ =	sdelay $0x4  }
0x76: {  	[tilespmem:$0x1CA20] =	vst v63;
	v63 =	vld [tilespmem:s30+$0x2430];
	_ =	sdelay $0x4  }
0x77: {  	[tilespmem:$0x1CA30] =	vst v63;
	v63 =	vld [tilespmem:s30+$0x2440];
	_ =	sdelay $0x4  }
0x78: {  	[tilespmem:$0x1CA40] =	vst v63;
	v63 =	vld [tilespmem:s30+$0x2450];
	_ =	sdelay $0x4  }
0x79: {  	[tilespmem:$0x1CA50] =	vst v63;
	v63 =	vld [tilespmem:s30+$0x2460];
	_ =	sdelay $0x4  }
0x7a: {  	[tilespmem:$0x1CA60] =	vst v63;
	v63 =	vld [tilespmem:s30+$0x2470];
	_ =	sdelay $0x4  }
0x7b: {  	[tilespmem:$0x1CA70] =	vst v63;
	v63 =	vld [tilespmem:s30+$0x2600];
	_ =	sdelay $0x4  }
0x7c: {  	[tilespmem:$0x1CA80] =	vst v63;
	v63 =	vld [tilespmem:s30+$0x2610];
	_ =	sdelay $0x4  }
0x7d: {  	[tilespmem:$0x1CA90] =	vst v63;
	v63 =	vld [tilespmem:s30+$0x2620];
	_ =	sdelay $0x4  }
0x7e: {  	[tilespmem:$0x1CAA0] =	vst v63;
	v63 =	vld [tilespmem:s30+$0x2630];
	_ =	sdelay $0x4  }
0x7f: {  	[tilespmem:$0x1CAB0] =	vst v63;
	v63 =	vld [tilespmem:s30+$0x2640];
	_ =	sdelay $0x4  }
0x80: {  	[tilespmem:$0x1CAC0] =	vst v63;
	v63 =	vld [tilespmem:s30+$0x2650];
	_ =	sdelay $0x4  }
0x81: {  	[tilespmem:$0x1CAD0] =	vst v63;
	v63 =	vld [tilespmem:s30+$0x2660];
	_ =	sdelay $0x4  }
0x82: {  	[tilespmem:$0x1CAE0] =	vst v63;
	v63 =	vld [tilespmem:s30+$0x2670];
	_ =	sdelay $0x4  }
0x83: {  	[tilespmem:$0x1CAF0] =	vst v63;
	v63 =	vld [tilespmem:s30+$0x2800];
	_ =	sdelay $0x4  }
0x84: {  	[tilespmem:$0x1CB00] =	vst v63;
	v63 =	vld [tilespmem:s30+$0x2810];
	_ =	sdelay $0x4  }
0x85: {  	[tilespmem:$0x1CB10] =	vst v63;
	v63 =	vld [tilespmem:s30+$0x2820];
	_ =	sdelay $0x4  }
0x86: {  	[tilespmem:$0x1CB20] =	vst v63;
	v63 =	vld [tilespmem:s30+$0x2830];
	_ =	sdelay $0x4  }
0x87: {  	[tilespmem:$0x1CB30] =	vst v63;
	v63 =	vld [tilespmem:s30+$0x2840];
	_ =	sdelay $0x4  }
0x88: {  	[tilespmem:$0x1CB40] =	vst v63;
	v63 =	vld [tilespmem:s30+$0x2850];
	_ =	sdelay $0x4  }
0x89: {  	[tilespmem:$0x1CB50] =	vst v63;
	v63 =	vld [tilespmem:s30+$0x2860];
	_ =	sdelay $0x4  }
0x8a: {  	[tilespmem:$0x1CB60] =	vst v63;
	v63 =	vld [tilespmem:s30+$0x2870];
	_ =	sdelay $0x4  }
0x8b: {  	[tilespmem:$0x1CB70] =	vst v63;
	v63 =	vld [tilespmem:s30+$0x2A00];
	_ =	sdelay $0x4  }
0x8c: {  	[tilespmem:$0x1CB80] =	vst v63;
	v63 =	vld [tilespmem:s30+$0x2A10];
	_ =	sdelay $0x4  }
0x8d: {  	[tilespmem:$0x1CB90] =	vst v63;
	v63 =	vld [tilespmem:s30+$0x2A20];
	_ =	sdelay $0x4  }
0x8e: {  	[tilespmem:$0x1CBA0] =	vst v63;
	v63 =	vld [tilespmem:s30+$0x2A30];
	_ =	sdelay $0x4  }
0x8f: {  	[tilespmem:$0x1CBB0] =	vst v63;
	v63 =	vld [tilespmem:s30+$0x2A40];
	_ =	sdelay $0x4  }
0x90: {  	[tilespmem:$0x1CBC0] =	vst v63;
	v63 =	vld [tilespmem:s30+$0x2A50];
	_ =	sdelay $0x4  }
0x91: {  	[tilespmem:$0x1CBD0] =	vst v63;
	v63 =	vld [tilespmem:s30+$0x2A60];
	_ =	sdelay $0x4  }
0x92: {  	[tilespmem:$0x1CBE0] =	vst v63;
	v63 =	vld [tilespmem:s30+$0x2A70];
	_ =	sdelay $0x4  }
0x93: {  	[tilespmem:$0x1CBF0] =	vst v63;
	v63 =	vld [tilespmem:s30+$0x2C00];
	_ =	sdelay $0x4  }
0x94: {  	[tilespmem:$0x1CC00] =	vst v63;
	v63 =	vld [tilespmem:s30+$0x2C10];
	_ =	sdelay $0x4  }
0x95: {  	[tilespmem:$0x1CC10] =	vst v63;
	v63 =	vld [tilespmem:s30+$0x2C20];
	_ =	sdelay $0x4  }
0x96: {  	[tilespmem:$0x1CC20] =	vst v63;
	v63 =	vld [tilespmem:s30+$0x2C30];
	_ =	sdelay $0x4  }
0x97: {  	[tilespmem:$0x1CC30] =	vst v63;
	v63 =	vld [tilespmem:s30+$0x2C40];
	_ =	sdelay $0x4  }
0x98: {  	[tilespmem:$0x1CC40] =	vst v63;
	v63 =	vld [tilespmem:s30+$0x2C50];
	_ =	sdelay $0x4  }
0x99: {  	[tilespmem:$0x1CC50] =	vst v63;
	v63 =	vld [tilespmem:s30+$0x2C60];
	_ =	sdelay $0x4  }
0x9a: {  	[tilespmem:$0x1CC60] =	vst v63;
	v63 =	vld [tilespmem:s30+$0x2C70];
	_ =	sdelay $0x4  }
0x9b: {  	[tilespmem:$0x1CC70] =	vst v63;
	v63 =	vld [tilespmem:s30+$0x2E00];
	_ =	sdelay $0x4  }
0x9c: {  	[tilespmem:$0x1CC80] =	vst v63;
	v63 =	vld [tilespmem:s30+$0x2E10];
	_ =	sdelay $0x4  }
0x9d: {  	[tilespmem:$0x1CC90] =	vst v63;
	v63 =	vld [tilespmem:s30+$0x2E20];
	_ =	sdelay $0x4  }
0x9e: {  	[tilespmem:$0x1CCA0] =	vst v63;
	v63 =	vld [tilespmem:s30+$0x2E30];
	_ =	sdelay $0x4  }
0x9f: {  	[tilespmem:$0x1CCB0] =	vst v63;
	v63 =	vld [tilespmem:s30+$0x2E40];
	_ =	sdelay $0x4  }
0xa0: {  	[tilespmem:$0x1CCC0] =	vst v63;
	v63 =	vld [tilespmem:s30+$0x2E50];
	_ =	sdelay $0x4  }
0xa1: {  	[tilespmem:$0x1CCD0] =	vst v63;
	v63 =	vld [tilespmem:s30+$0x2E60];
	_ =	sdelay $0x4  }
0xa2: {  	[tilespmem:$0x1CCE0] =	vst v63;
	v63 =	vld [tilespmem:s30+$0x2E70];
	_ =	sdelay $0x4  }
0xa3: {  	[tilespmem:$0x1CCF0] =	vst v63;
	v63 =	vld [tilespmem:s30+$0x3000];
	_ =	sdelay $0x4  }
0xa4: {  	[tilespmem:$0x1CD00] =	vst v63;
	v63 =	vld [tilespmem:s30+$0x3010];
	_ =	sdelay $0x4  }
0xa5: {  	[tilespmem:$0x1CD10] =	vst v63;
	v63 =	vld [tilespmem:s30+$0x3020];
	_ =	sdelay $0x4  }
0xa6: {  	[tilespmem:$0x1CD20] =	vst v63;
	v63 =	vld [tilespmem:s30+$0x3030];
	_ =	sdelay $0x4  }
0xa7: {  	[tilespmem:$0x1CD30] =	vst v63;
	v63 =	vld [tilespmem:s30+$0x3040];
	_ =	sdelay $0x4  }
0xa8: {  	[tilespmem:$0x1CD40] =	vst v63;
	v63 =	vld [tilespmem:s30+$0x3050];
	_ =	sdelay $0x4  }
0xa9: {  	[tilespmem:$0x1CD50] =	vst v63;
	v63 =	vld [tilespmem:s30+$0x3060];
	_ =	sdelay $0x4  }
0xaa: {  	[tilespmem:$0x1CD60] =	vst v63;
	v63 =	vld [tilespmem:s30+$0x3070];
	_ =	sdelay $0x4  }
0xab: {  	[tilespmem:$0x1CD70] =	vst v63;
	v63 =	vld [tilespmem:s30+$0x3200];
	_ =	sdelay $0x4  }
0xac: {  	[tilespmem:$0x1CD80] =	vst v63;
	v63 =	vld [tilespmem:s30+$0x3210];
	_ =	sdelay $0x4  }
0xad: {  	[tilespmem:$0x1CD90] =	vst v63;
	v63 =	vld [tilespmem:s30+$0x3220];
	_ =	sdelay $0x4  }
0xae: {  	[tilespmem:$0x1CDA0] =	vst v63;
	v63 =	vld [tilespmem:s30+$0x3230];
	_ =	sdelay $0x4  }
0xaf: {  	[tilespmem:$0x1CDB0] =	vst v63;
	v63 =	vld [tilespmem:s30+$0x3240];
	_ =	sdelay $0x4  }
0xb0: {  	[tilespmem:$0x1CDC0] =	vst v63;
	v63 =	vld [tilespmem:s30+$0x3250];
	_ =	sdelay $0x4  }
0xb1: {  	[tilespmem:$0x1CDD0] =	vst v63;
	v63 =	vld [tilespmem:s30+$0x3260];
	_ =	sdelay $0x4  }
0xb2: {  	[tilespmem:$0x1CDE0] =	vst v63;
	v63 =	vld [tilespmem:s30+$0x3270];
	_ =	sdelay $0x4  }
0xb3: {  	[tilespmem:$0x1CDF0] =	vst v63;
	v63 =	vld [tilespmem:s30+$0x3400];
	_ =	sdelay $0x4  }
0xb4: {  	[tilespmem:$0x1CE00] =	vst v63;
	v63 =	vld [tilespmem:s30+$0x3410];
	_ =	sdelay $0x4  }
0xb5: {  	[tilespmem:$0x1CE10] =	vst v63;
	v63 =	vld [tilespmem:s30+$0x3420];
	_ =	sdelay $0x4  }
0xb6: {  	[tilespmem:$0x1CE20] =	vst v63;
	v63 =	vld [tilespmem:s30+$0x3430];
	_ =	sdelay $0x4  }
0xb7: {  	[tilespmem:$0x1CE30] =	vst v63;
	v63 =	vld [tilespmem:s30+$0x3440];
	_ =	sdelay $0x4  }
0xb8: {  	[tilespmem:$0x1CE40] =	vst v63;
	v63 =	vld [tilespmem:s30+$0x3450];
	_ =	sdelay $0x4  }
0xb9: {  	[tilespmem:$0x1CE50] =	vst v63;
	v63 =	vld [tilespmem:s30+$0x3460];
	_ =	sdelay $0x4  }
0xba: {  	[tilespmem:$0x1CE60] =	vst v63;
	v63 =	vld [tilespmem:s30+$0x3470];
	_ =	sdelay $0x4  }
0xbb: {  	[tilespmem:$0x1CE70] =	vst v63;
	v63 =	vld [tilespmem:s30+$0x3600];
	_ =	sdelay $0x4  }
0xbc: {  	[tilespmem:$0x1CE80] =	vst v63;
	v63 =	vld [tilespmem:s30+$0x3610];
	_ =	sdelay $0x4  }
0xbd: {  	[tilespmem:$0x1CE90] =	vst v63;
	v63 =	vld [tilespmem:s30+$0x3620];
	_ =	sdelay $0x4  }
0xbe: {  	[tilespmem:$0x1CEA0] =	vst v63;
	v63 =	vld [tilespmem:s30+$0x3630];
	_ =	sdelay $0x4  }
0xbf: {  	[tilespmem:$0x1CEB0] =	vst v63;
	v63 =	vld [tilespmem:s30+$0x3640];
	_ =	sdelay $0x4  }
0xc0: {  	[tilespmem:$0x1CEC0] =	vst v63;
	v63 =	vld [tilespmem:s30+$0x3650];
	_ =	sdelay $0x4  }
0xc1: {  	[tilespmem:$0x1CED0] =	vst v63;
	v63 =	vld [tilespmem:s30+$0x3660];
	_ =	sdelay $0x4  }
0xc2: {  	[tilespmem:$0x1CEE0] =	vst v63;
	v63 =	vld [tilespmem:s30+$0x3670];
	_ =	sdelay $0x4  }
0xc3: {  	[tilespmem:$0x1CEF0] =	vst v63;
	v63 =	vld [tilespmem:s30+$0x3800];
	_ =	sdelay $0x4  }
0xc4: {  	[tilespmem:$0x1CF00] =	vst v63;
	v63 =	vld [tilespmem:s30+$0x3810];
	_ =	sdelay $0x4  }
0xc5: {  	[tilespmem:$0x1CF10] =	vst v63;
	v63 =	vld [tilespmem:s30+$0x3820];
	_ =	sdelay $0x4  }
0xc6: {  	[tilespmem:$0x1CF20] =	vst v63;
	v63 =	vld [tilespmem:s30+$0x3830];
	_ =	sdelay $0x4  }
0xc7: {  	[tilespmem:$0x1CF30] =	vst v63;
	v63 =	vld [tilespmem:s30+$0x3840];
	_ =	sdelay $0x4  }
0xc8: {  	[tilespmem:$0x1CF40] =	vst v63;
	v63 =	vld [tilespmem:s30+$0x3850];
	_ =	sdelay $0x4  }
0xc9: {  	[tilespmem:$0x1CF50] =	vst v63;
	v63 =	vld [tilespmem:s30+$0x3860];
	_ =	sdelay $0x4  }
0xca: {  	[tilespmem:$0x1CF60] =	vst v63;
	v63 =	vld [tilespmem:s30+$0x3870];
	_ =	sdelay $0x4  }
0xcb: {  	[tilespmem:$0x1CF70] =	vst v63;
	v63 =	vld [tilespmem:s30+$0x3A00];
	_ =	sdelay $0x4  }
0xcc: {  	[tilespmem:$0x1CF80] =	vst v63;
	v63 =	vld [tilespmem:s30+$0x3A10];
	_ =	sdelay $0x4  }
0xcd: {  	[tilespmem:$0x1CF90] =	vst v63;
	v63 =	vld [tilespmem:s30+$0x3A20];
	_ =	sdelay $0x4  }
0xce: {  	[tilespmem:$0x1CFA0] =	vst v63;
	v63 =	vld [tilespmem:s30+$0x3A30];
	_ =	sdelay $0x4  }
0xcf: {  	[tilespmem:$0x1CFB0] =	vst v63;
	v63 =	vld [tilespmem:s30+$0x3A40];
	_ =	sdelay $0x4  }
0xd0: {  	[tilespmem:$0x1CFC0] =	vst v63;
	v63 =	vld [tilespmem:s30+$0x3A50];
	_ =	sdelay $0x2  }
0xd1: {  	v8 =	vld [tilespmem:s30+$0x0]  }
0xd2: {  	v10 =	vld [tilespmem:s30+$0x10]  }
0xd3: {  	[tilespmem:$0x1CFD0] =	vst v63;
	v63 =	vld [tilespmem:s30+$0x3A60]  }
0xd4: {  	v12 =	vld [tilespmem:s30+$0x20]  }
0xd5: {  	v14 =	vld [tilespmem:s30+$0x30]  }
0xd6: {  	v16 =	vld [tilespmem:s30+$0x40]  }
0xd7: {  	v20 =	vld [tilespmem:s30+$0x50]  }
0xd8: {  	[tilespmem:$0x1CFE0] =	vst v63;
	v63 =	vld [tilespmem:s30+$0x3A70]  }
0xd9: {  	v24 =	vld [tilespmem:s30+$0x60]  }
0xda: {  	v28 =	vld [tilespmem:s30+$0x70]  }
0xdb: {  	v7 =	vld [tilespmem:s30+$0x200]  }
0xdc: {  	v9 =	vld [tilespmem:s30+$0x210]  }
0xdd: {  	[tilespmem:$0x1CFF0] =	vst v63;
	v63 =	vld [tilespmem:s30+$0x3C00]  }
0xde: {  	v11 =	vld [tilespmem:s30+$0x220]  }
0xdf: {  	v13 =	vld [tilespmem:s30+$0x230]  }
0xe0: {  	v15 =	vld [tilespmem:s30+$0x240]  }
0xe1: {  	v17 =	vld [tilespmem:s30+$0x250]  }
0xe2: {  	[tilespmem:$0x1D000] =	vst v63;
	v63 =	vld [tilespmem:s30+$0x3C10]  }
0xe3: {  	v19 =	vld [tilespmem:s30+$0x260]  }
0xe4: {  	v25 =	vld [tilespmem:s30+$0x270]  }
0xe5: {  	v0 =	vld [tilespmem:s30+$0x400]  }
0xe6: {  	v1 =	vld [tilespmem:s30+$0x410]  }
0xe7: {  	[tilespmem:$0x1D010] =	vst v63;
	v63 =	vld [tilespmem:s30+$0x3C20]  }
0xe8: {  	v2 =	vld [tilespmem:s30+$0x420]  }
0xe9: {  	v3 =	vld [tilespmem:s30+$0x430]  }
0xea: {  	v4 =	vld [tilespmem:s30+$0x440]  }
0xeb: {  	v5 =	vld [tilespmem:s30+$0x450]  }
0xec: {  	[tilespmem:$0x1D020] =	vst v63;
	v63 =	vld [tilespmem:s30+$0x3C30]  }
0xed: {  	v6 =	vld [tilespmem:s30+$0x460]  }
0xee: {  	v34 =	vld [tilespmem:s30+$0x470]  }
0xef: {  	v18 =	vld [tilespmem:s30+$0x600]  }
0xf0: {  	v21 =	vld [tilespmem:s30+$0x610]  }
0xf1: {  	[tilespmem:$0x1D030] =	vst v63;
	v63 =	vld [tilespmem:s30+$0x3C40]  }
0xf2: {  	v22 =	vld [tilespmem:s30+$0x620]  }
0xf3: {  	v23 =	vld [tilespmem:s30+$0x630]  }
0xf4: {  	v26 =	vld [tilespmem:s30+$0x640]  }
0xf5: {  	v27 =	vld [tilespmem:s30+$0x650]  }
0xf6: {  	[tilespmem:$0x1D040] =	vst v63;
	v63 =	vld [tilespmem:s30+$0x3C50]  }
0xf7: {  	v29 =	vld [tilespmem:s30+$0x660]  }
0xf8: {  	v30 =	vld [tilespmem:s30+$0x670]  }
0xf9: {  	v31 =	vld [tilespmem:s30+$0x800]  }
0xfa: {  	v32 =	vld [tilespmem:s30+$0x810]  }
0xfb: {  	[tilespmem:$0x1D050] =	vst v63;
	v63 =	vld [tilespmem:s30+$0x3C60]  }
0xfc: {  	v33 =	vld [tilespmem:s30+$0x820]  }
0xfd: {  	v35 =	vld [tilespmem:s30+$0x830]  }
0xfe: {  	v36 =	vld [tilespmem:s30+$0x840]  }
0xff: {  	v37 =	vld [tilespmem:s30+$0x850]  }
0x100: {  	[tilespmem:$0x1D060] =	vst v63;
	v63 =	vld [tilespmem:s30+$0x3C70]  }
0x101: {  	v38 =	vld [tilespmem:s30+$0x860]  }
0x102: {  	v39 =	vld [tilespmem:s30+$0x870]  }
0x103: {  	v40 =	vld [tilespmem:s30+$0xA00]  }
0x104: {  	v41 =	vld [tilespmem:s30+$0xA10]  }
0x105: {  	[tilespmem:$0x1D070] =	vst v63;
	v63 =	vld [tilespmem:s30+$0x3E00]  }
0x106: {  	v42 =	vld [tilespmem:s30+$0xA20]  }
0x107: {  	v43 =	vld [tilespmem:s30+$0xA30]  }
0x108: {  	v44 =	vld [tilespmem:s30+$0xA40]  }
0x109: {  	v45 =	vld [tilespmem:s30+$0xA50]  }
0x10a: {  	[tilespmem:$0x1D080] =	vst v63;
	v63 =	vld [tilespmem:s30+$0x3E10]  }
0x10b: {  	v46 =	vld [tilespmem:s30+$0xA60]  }
0x10c: {  	v47 =	vld [tilespmem:s30+$0xA70]  }
0x10d: {  	v48 =	vld [tilespmem:s30+$0xC00]  }
0x10e: {  	v49 =	vld [tilespmem:s30+$0xC10]  }
0x10f: {  	[tilespmem:$0x1D090] =	vst v63;
	v63 =	vld [tilespmem:s30+$0x3E20]  }
0x110: {  	v50 =	vld [tilespmem:s30+$0xC20]  }
0x111: {  	v51 =	vld [tilespmem:s30+$0xC30]  }
0x112: {  	v52 =	vld [tilespmem:s30+$0xC40]  }
0x113: {  	v53 =	vld [tilespmem:s30+$0xC50]  }
0x114: {  	[tilespmem:$0x1D0A0] =	vst v63;
	v63 =	vld [tilespmem:s30+$0x3E30]  }
0x115: {  	v54 =	vld [tilespmem:s30+$0xC60]  }
0x116: {  	v55 =	vld [tilespmem:s30+$0xC70]  }
0x117: {  	v56 =	vld [tilespmem:s30+$0xE00]  }
0x118: {  	v57 =	vld [tilespmem:s30+$0xE10]  }
0x119: {  	[tilespmem:$0x1D0B0] =	vst v63;
	v63 =	vld [tilespmem:s30+$0x3E40]  }
0x11a: {  	v58 =	vld [tilespmem:s30+$0xE20]  }
0x11b: {  	v59 =	vld [tilespmem:s30+$0xE30]  }
0x11c: {  	v60 =	vld [tilespmem:s30+$0xE40]  }
0x11d: {  	v61 =	vld [tilespmem:s30+$0xE50]  }
0x11e: {  	v62 =	vld [tilespmem:s30+$0xE60];
	[tilespmem:$0x1D0C0] =	vst v63  }
0x11f: {  	v63 =	vld [tilespmem:s30+$0x3E50];
	_ =	sdelay $0x4  }
0x120: {  	[tilespmem:$0x1D0D0] =	vst v63;
	v63 =	vld [tilespmem:s30+$0x3E60];
	_ =	sdelay $0x4  }
0x121: {  	[tilespmem:$0x1D0E0] =	vst v63;
	v63 =	vld [tilespmem:s30+$0x3E70];
	_ =	sdelay $0x4  }
0x122: {  	[tilespmem:$0x1D0F0] =	vst v63;
	v63 =	vld [tilespmem:s30+$0x80];
	_ =	sdelay $0x4  }
0x123: {  	[tilespmem:$0x1D100] =	vst v63;
	v63 =	vld [tilespmem:s30+$0x90];
	_ =	sdelay $0x4  }
0x124: {  	[tilespmem:$0x1D110] =	vst v63;
	v63 =	vld [tilespmem:s30+$0xA0];
	_ =	sdelay $0x4  }
0x125: {  	[tilespmem:$0x1D120] =	vst v63;
	v63 =	vld [tilespmem:s30+$0xB0];
	_ =	sdelay $0x4  }
0x126: {  	[tilespmem:$0x1D130] =	vst v63;
	v63 =	vld [tilespmem:s30+$0xC0];
	_ =	sdelay $0x4  }
0x127: {  	[tilespmem:$0x1D140] =	vst v63;
	v63 =	vld [tilespmem:s30+$0xD0];
	_ =	sdelay $0x4  }
0x128: {  	[tilespmem:$0x1D150] =	vst v63;
	v63 =	vld [tilespmem:s30+$0xE0];
	_ =	sdelay $0x4  }
0x129: {  	[tilespmem:$0x1D160] =	vst v63;
	v63 =	vld [tilespmem:s30+$0xF0];
	_ =	sdelay $0x4  }
0x12a: {  	[tilespmem:$0x1D170] =	vst v63;
	v63 =	vld [tilespmem:s30+$0x280];
	_ =	sdelay $0x4  }
0x12b: {  	[tilespmem:$0x1D180] =	vst v63;
	v63 =	vld [tilespmem:s30+$0x290];
	_ =	sdelay $0x4  }
0x12c: {  	[tilespmem:$0x1D190] =	vst v63;
	v63 =	vld [tilespmem:s30+$0x2A0];
	_ =	sdelay $0x4  }
0x12d: {  	[tilespmem:$0x1D1A0] =	vst v63;
	v63 =	vld [tilespmem:s30+$0x2B0];
	_ =	sdelay $0x4  }
0x12e: {  	[tilespmem:$0x1D1B0] =	vst v63;
	v63 =	vld [tilespmem:s30+$0x2C0];
	_ =	sdelay $0x4  }
0x12f: {  	[tilespmem:$0x1D1C0] =	vst v63;
	v63 =	vld [tilespmem:s30+$0x2D0];
	_ =	sdelay $0x4  }
0x130: {  	[tilespmem:$0x1D1D0] =	vst v63;
	v63 =	vld [tilespmem:s30+$0x2E0];
	_ =	sdelay $0x4  }
0x131: {  	[tilespmem:$0x1D1E0] =	vst v63;
	v63 =	vld [tilespmem:s30+$0x2F0];
	_ =	sdelay $0x4  }
0x132: {  	[tilespmem:$0x1D1F0] =	vst v63;
	v63 =	vld [tilespmem:s30+$0x480];
	_ =	sdelay $0x4  }
0x133: {  	[tilespmem:$0x1D200] =	vst v63;
	v63 =	vld [tilespmem:s30+$0x490];
	_ =	sdelay $0x4  }
0x134: {  	[tilespmem:$0x1D210] =	vst v63;
	v63 =	vld [tilespmem:s30+$0x4A0];
	_ =	sdelay $0x4  }
0x135: {  	[tilespmem:$0x1D220] =	vst v63;
	v63 =	vld [tilespmem:s30+$0x4B0];
	_ =	sdelay $0x4  }
0x136: {  	[tilespmem:$0x1D230] =	vst v63;
	v63 =	vld [tilespmem:s30+$0x4C0];
	_ =	sdelay $0x4  }
0x137: {  	[tilespmem:$0x1D240] =	vst v63;
	v63 =	vld [tilespmem:s30+$0x4D0];
	_ =	sdelay $0x4  }
0x138: {  	[tilespmem:$0x1D250] =	vst v63;
	v63 =	vld [tilespmem:s30+$0x4E0];
	_ =	sdelay $0x4  }
0x139: {  	[tilespmem:$0x1D260] =	vst v63;
	v63 =	vld [tilespmem:s30+$0x4F0];
	_ =	sdelay $0x4  }
0x13a: {  	[tilespmem:$0x1D270] =	vst v63;
	v63 =	vld [tilespmem:s30+$0x680];
	_ =	sdelay $0x4  }
0x13b: {  	[tilespmem:$0x1D280] =	vst v63;
	v63 =	vld [tilespmem:s30+$0x690];
	_ =	sdelay $0x4  }
0x13c: {  	[tilespmem:$0x1D290] =	vst v63;
	v63 =	vld [tilespmem:s30+$0x6A0];
	_ =	sdelay $0x4  }
0x13d: {  	[tilespmem:$0x1D2A0] =	vst v63;
	v63 =	vld [tilespmem:s30+$0x6B0];
	_ =	sdelay $0x4  }
0x13e: {  	[tilespmem:$0x1D2B0] =	vst v63;
	v63 =	vld [tilespmem:s30+$0x6C0];
	_ =	sdelay $0x4  }
0x13f: {  	[tilespmem:$0x1E1E0] =	vst v63;
	v63 =	vld [tilespmem:s30+$0x6D0];
	_ =	sdelay $0x4  }
0x140: {  	[tilespmem:$0x1E1D0] =	vst v63;
	v63 =	vld [tilespmem:s30+$0x6E0];
	_ =	sdelay $0x4  }
0x141: {  	[tilespmem:$0x1E1C0] =	vst v63;
	v63 =	vld [tilespmem:s30+$0x6F0];
	_ =	sdelay $0x4  }
0x142: {  	[tilespmem:$0x1E1B0] =	vst v63;
	v63 =	vld [tilespmem:s30+$0x880];
	_ =	sdelay $0x4  }
0x143: {  	[tilespmem:$0x1E1A0] =	vst v63;
	v63 =	vld [tilespmem:s30+$0x890];
	_ =	sdelay $0x4  }
0x144: {  	[tilespmem:$0x1E190] =	vst v63;
	v63 =	vld [tilespmem:s30+$0x8A0];
	_ =	sdelay $0x4  }
0x145: {  	[tilespmem:$0x1E180] =	vst v63;
	v63 =	vld [tilespmem:s30+$0x8B0];
	_ =	sdelay $0x4  }
0x146: {  	[tilespmem:$0x1E170] =	vst v63;
	v63 =	vld [tilespmem:s30+$0x8C0];
	_ =	sdelay $0x4  }
0x147: {  	[tilespmem:$0x1E160] =	vst v63;
	v63 =	vld [tilespmem:s30+$0x8D0];
	_ =	sdelay $0x4  }
0x148: {  	[tilespmem:$0x1E150] =	vst v63;
	v63 =	vld [tilespmem:s30+$0x8E0];
	_ =	sdelay $0x4  }
0x149: {  	[tilespmem:$0x1E140] =	vst v63;
	v63 =	vld [tilespmem:s30+$0x8F0];
	_ =	sdelay $0x4  }
0x14a: {  	[tilespmem:$0x1E130] =	vst v63;
	v63 =	vld [tilespmem:s30+$0xA80];
	_ =	sdelay $0x4  }
0x14b: {  	[tilespmem:$0x1E120] =	vst v63;
	v63 =	vld [tilespmem:s30+$0xA90];
	_ =	sdelay $0x4  }
0x14c: {  	[tilespmem:$0x1E110] =	vst v63;
	v63 =	vld [tilespmem:s30+$0xAA0];
	_ =	sdelay $0x4  }
0x14d: {  	[tilespmem:$0x1E100] =	vst v63;
	v63 =	vld [tilespmem:s30+$0xAB0];
	_ =	sdelay $0x4  }
0x14e: {  	[tilespmem:$0x1E0F0] =	vst v63;
	v63 =	vld [tilespmem:s30+$0xAC0];
	_ =	sdelay $0x4  }
0x14f: {  	[tilespmem:$0x1E0E0] =	vst v63;
	v63 =	vld [tilespmem:s30+$0xAD0];
	_ =	sdelay $0x4  }
0x150: {  	[tilespmem:$0x1E0D0] =	vst v63;
	v63 =	vld [tilespmem:s30+$0xAE0];
	_ =	sdelay $0x4  }
0x151: {  	[tilespmem:$0x1E0C0] =	vst v63;
	v63 =	vld [tilespmem:s30+$0xAF0];
	_ =	sdelay $0x4  }
0x152: {  	[tilespmem:$0x1E0B0] =	vst v63;
	v63 =	vld [tilespmem:s30+$0xC80];
	_ =	sdelay $0x4  }
0x153: {  	[tilespmem:$0x1E0A0] =	vst v63;
	v63 =	vld [tilespmem:s30+$0xC90];
	_ =	sdelay $0x4  }
0x154: {  	[tilespmem:$0x1E090] =	vst v63;
	v63 =	vld [tilespmem:s30+$0xCA0];
	_ =	sdelay $0x4  }
0x155: {  	[tilespmem:$0x1E080] =	vst v63;
	v63 =	vld [tilespmem:s30+$0xCB0];
	_ =	sdelay $0x4  }
0x156: {  	[tilespmem:$0x1E070] =	vst v63;
	v63 =	vld [tilespmem:s30+$0x960];
	_ =	sdelay $0x4  }
0x157: {  	[tilespmem:$0x1E360] =	vst v63;
	v63 =	vld [tilespmem:s30+$0x950];
	_ =	sdelay $0x4  }
0x158: {  	[tilespmem:$0x1E350] =	vst v63;
	v63 =	vld [tilespmem:s30+$0x940];
	_ =	sdelay $0x4  }
0x159: {  	[tilespmem:$0x1E340] =	vst v63;
	v63 =	vld [tilespmem:s30+$0x930];
	_ =	sdelay $0x4  }
0x15a: {  	[tilespmem:$0x1E330] =	vst v63;
	v63 =	vld [tilespmem:s30+$0x920];
	_ =	sdelay $0x4  }
0x15b: {  	[tilespmem:$0x1E320] =	vst v63;
	v63 =	vld [tilespmem:s30+$0x910];
	_ =	sdelay $0x4  }
0x15c: {  	[tilespmem:$0x1E310] =	vst v63;
	v63 =	vld [tilespmem:s30+$0x900];
	_ =	sdelay $0x4  }
0x15d: {  	[tilespmem:$0x1E300] =	vst v63;
	v63 =	vld [tilespmem:s30+$0x770];
	_ =	sdelay $0x4  }
0x15e: {  	[tilespmem:$0x1E2F0] =	vst v63;
	v63 =	vld [tilespmem:s30+$0x760];
	_ =	sdelay $0x4  }
0x15f: {  	[tilespmem:$0x1E2E0] =	vst v63;
	v63 =	vld [tilespmem:s30+$0x750];
	_ =	sdelay $0x4  }
0x160: {  	[tilespmem:$0x1E2D0] =	vst v63;
	v63 =	vld [tilespmem:s30+$0x740];
	_ =	sdelay $0x4  }
0x161: {  	[tilespmem:$0x1E2C0] =	vst v63;
	v63 =	vld [tilespmem:s30+$0x730];
	_ =	sdelay $0x4  }
0x162: {  	[tilespmem:$0x1E2B0] =	vst v63;
	v63 =	vld [tilespmem:s30+$0x720];
	_ =	sdelay $0x4  }
0x163: {  	[tilespmem:$0x1E2A0] =	vst v63;
	v63 =	vld [tilespmem:s30+$0x710];
	_ =	sdelay $0x4  }
0x164: {  	[tilespmem:$0x1E290] =	vst v63;
	v63 =	vld [tilespmem:s30+$0x700];
	_ =	sdelay $0x4  }
0x165: {  	[tilespmem:$0x1E280] =	vst v63;
	v63 =	vld [tilespmem:s30+$0x570];
	_ =	sdelay $0x4  }
0x166: {  	[tilespmem:$0x1E270] =	vst v63;
	v63 =	vld [tilespmem:s30+$0x560];
	_ =	sdelay $0x4  }
0x167: {  	[tilespmem:$0x1E260] =	vst v63;
	v63 =	vld [tilespmem:s30+$0x550];
	_ =	sdelay $0x4  }
0x168: {  	[tilespmem:$0x1E250] =	vst v63;
	v63 =	vld [tilespmem:s30+$0x540];
	_ =	sdelay $0x4  }
0x169: {  	[tilespmem:$0x1E240] =	vst v63;
	v63 =	vld [tilespmem:s30+$0x530];
	_ =	sdelay $0x4  }
0x16a: {  	[tilespmem:$0x1E230] =	vst v63;
	v63 =	vld [tilespmem:s30+$0x520];
	_ =	sdelay $0x4  }
0x16b: {  	[tilespmem:$0x1E220] =	vst v63;
	v63 =	vld [tilespmem:s30+$0x510];
	_ =	sdelay $0x4  }
0x16c: {  	[tilespmem:$0x1E210] =	vst v63;
	v63 =	vld [tilespmem:s30+$0x500];
	_ =	sdelay $0x4  }
0x16d: {  	[tilespmem:$0x1E200] =	vst v63;
	v63 =	vld [tilespmem:s30+$0x370];
	_ =	sdelay $0x4  }
0x16e: {  	[tilespmem:$0x1E1F0] =	vst v63;
	v63 =	vld [tilespmem:s30+$0x360];
	_ =	sdelay $0x4  }
0x16f: {  	[tilespmem:$0x1D2C0] =	vst v63;
	v63 =	vld [tilespmem:s30+$0x350];
	_ =	sdelay $0x4  }
0x170: {  	[tilespmem:$0x1D2D0] =	vst v63;
	v63 =	vld [tilespmem:s30+$0x340];
	_ =	sdelay $0x4  }
0x171: {  	[tilespmem:$0x1D2E0] =	vst v63;
	v63 =	vld [tilespmem:s30+$0x330];
	_ =	sdelay $0x4  }
0x172: {  	[tilespmem:$0x1D2F0] =	vst v63;
	v63 =	vld [tilespmem:s30+$0x320];
	_ =	sdelay $0x4  }
0x173: {  	[tilespmem:$0x1D300] =	vst v63;
	v63 =	vld [tilespmem:s30+$0x310];
	_ =	sdelay $0x4  }
0x174: {  	[tilespmem:$0x1D310] =	vst v63;
	v63 =	vld [tilespmem:s30+$0x300];
	_ =	sdelay $0x4  }
0x175: {  	[tilespmem:$0x1D320] =	vst v63;
	v63 =	vld [tilespmem:s30+$0x170];
	_ =	sdelay $0x4  }
0x176: {  	[tilespmem:$0x1D330] =	vst v63;
	v63 =	vld [tilespmem:s30+$0x160];
	_ =	sdelay $0x4  }
0x177: {  	[tilespmem:$0x1D340] =	vst v63;
	v63 =	vld [tilespmem:s30+$0x150];
	_ =	sdelay $0x4  }
0x178: {  	[tilespmem:$0x1D350] =	vst v63;
	v63 =	vld [tilespmem:s30+$0x140];
	_ =	sdelay $0x4  }
0x179: {  	[tilespmem:$0x1D360] =	vst v63;
	v63 =	vld [tilespmem:s30+$0x130];
	_ =	sdelay $0x4  }
0x17a: {  	[tilespmem:$0x1D370] =	vst v63;
	v63 =	vld [tilespmem:s30+$0x120];
	_ =	sdelay $0x4  }
0x17b: {  	[tilespmem:$0x1D380] =	vst v63;
	v63 =	vld [tilespmem:s30+$0x110];
	_ =	sdelay $0x4  }
0x17c: {  	[tilespmem:$0x1D390] =	vst v63;
	v63 =	vld [tilespmem:s30+$0x100];
	_ =	sdelay $0x4  }
0x17d: {  	[tilespmem:$0x1D3A0] =	vst v63;
	v63 =	vld [tilespmem:s30+$0x3EF0];
	_ =	sdelay $0x4  }
0x17e: {  	[tilespmem:$0x1D3B0] =	vst v63;
	v63 =	vld [tilespmem:s30+$0x3EE0];
	_ =	sdelay $0x4  }
0x17f: {  	[tilespmem:$0x1D3C0] =	vst v63;
	v63 =	vld [tilespmem:s30+$0x3ED0];
	_ =	sdelay $0x4  }
0x180: {  	[tilespmem:$0x1D3D0] =	vst v63;
	v63 =	vld [tilespmem:s30+$0x3EC0];
	_ =	sdelay $0x4  }
0x181: {  	[tilespmem:$0x1D3E0] =	vst v63;
	v63 =	vld [tilespmem:s30+$0x3EB0];
	_ =	sdelay $0x4  }
0x182: {  	[tilespmem:$0x1D3F0] =	vst v63;
	v63 =	vld [tilespmem:s30+$0x3EA0];
	_ =	sdelay $0x4  }
0x183: {  	[tilespmem:$0x1D400] =	vst v63;
	v63 =	vld [tilespmem:s30+$0x3E90];
	_ =	sdelay $0x4  }
0x184: {  	[tilespmem:$0x1D410] =	vst v63;
	v63 =	vld [tilespmem:s30+$0x3E80];
	_ =	sdelay $0x4  }
0x185: {  	[tilespmem:$0x1D420] =	vst v63;
	v63 =	vld [tilespmem:s30+$0x3CF0];
	_ =	sdelay $0x4  }
0x186: {  	[tilespmem:$0x1D430] =	vst v63;
	v63 =	vld [tilespmem:s30+$0x3CE0];
	_ =	sdelay $0x4  }
0x187: {  	[tilespmem:$0x1D440] =	vst v63;
	v63 =	vld [tilespmem:s30+$0x3CD0];
	_ =	sdelay $0x4  }
0x188: {  	[tilespmem:$0x1D450] =	vst v63;
	v63 =	vld [tilespmem:s30+$0x3CC0];
	_ =	sdelay $0x4  }
0x189: {  	[tilespmem:$0x1D460] =	vst v63;
	v63 =	vld [tilespmem:s30+$0x3CB0];
	_ =	sdelay $0x4  }
0x18a: {  	[tilespmem:$0x1D470] =	vst v63;
	v63 =	vld [tilespmem:s30+$0x3CA0];
	_ =	sdelay $0x4  }
0x18b: {  	[tilespmem:$0x1D480] =	vst v63;
	v63 =	vld [tilespmem:s30+$0x3C90];
	_ =	sdelay $0x4  }
0x18c: {  	[tilespmem:$0x1D490] =	vst v63;
	v63 =	vld [tilespmem:s30+$0x3C80];
	_ =	sdelay $0x4  }
0x18d: {  	[tilespmem:$0x1D4A0] =	vst v63;
	v63 =	vld [tilespmem:s30+$0x3AF0];
	_ =	sdelay $0x4  }
0x18e: {  	[tilespmem:$0x1D4B0] =	vst v63;
	v63 =	vld [tilespmem:s30+$0x3AE0];
	_ =	sdelay $0x4  }
0x18f: {  	[tilespmem:$0x1D4C0] =	vst v63;
	v63 =	vld [tilespmem:s30+$0x3AD0];
	_ =	sdelay $0x4  }
0x190: {  	[tilespmem:$0x1D4D0] =	vst v63;
	v63 =	vld [tilespmem:s30+$0x3AC0];
	_ =	sdelay $0x4  }
0x191: {  	[tilespmem:$0x1D4E0] =	vst v63;
	v63 =	vld [tilespmem:s30+$0x3AB0];
	_ =	sdelay $0x4  }
0x192: {  	[tilespmem:$0x1D4F0] =	vst v63;
	v63 =	vld [tilespmem:s30+$0x3AA0];
	_ =	sdelay $0x4  }
0x193: {  	[tilespmem:$0x1D500] =	vst v63;
	v63 =	vld [tilespmem:s30+$0x3A90];
	_ =	sdelay $0x4  }
0x194: {  	[tilespmem:$0x1D510] =	vst v63;
	v63 =	vld [tilespmem:s30+$0x3A80];
	_ =	sdelay $0x4  }
0x195: {  	[tilespmem:$0x1D520] =	vst v63;
	v63 =	vld [tilespmem:s30+$0x38F0];
	_ =	sdelay $0x4  }
0x196: {  	[tilespmem:$0x1D530] =	vst v63;
	v63 =	vld [tilespmem:s30+$0x38E0];
	_ =	sdelay $0x4  }
0x197: {  	[tilespmem:$0x1D540] =	vst v63;
	v63 =	vld [tilespmem:s30+$0x38D0];
	_ =	sdelay $0x4  }
0x198: {  	[tilespmem:$0x1D550] =	vst v63;
	v63 =	vld [tilespmem:s30+$0x38C0];
	_ =	sdelay $0x4  }
0x199: {  	[tilespmem:$0x1D560] =	vst v63;
	v63 =	vld [tilespmem:s30+$0x38B0];
	_ =	sdelay $0x4  }
0x19a: {  	[tilespmem:$0x1D570] =	vst v63;
	v63 =	vld [tilespmem:s30+$0x38A0];
	_ =	sdelay $0x4  }
0x19b: {  	[tilespmem:$0x1D580] =	vst v63;
	v63 =	vld [tilespmem:s30+$0x3890];
	_ =	sdelay $0x4  }
0x19c: {  	[tilespmem:$0x1D590] =	vst v63;
	v63 =	vld [tilespmem:s30+$0x3880];
	_ =	sdelay $0x4  }
0x19d: {  	[tilespmem:$0x1D5A0] =	vst v63;
	v63 =	vld [tilespmem:s30+$0x36F0];
	_ =	sdelay $0x4  }
0x19e: {  	[tilespmem:$0x1D5B0] =	vst v63;
	v63 =	vld [tilespmem:s30+$0x36E0];
	_ =	sdelay $0x4  }
0x19f: {  	[tilespmem:$0x1D5C0] =	vst v63;
	v63 =	vld [tilespmem:s30+$0x36D0];
	_ =	sdelay $0x4  }
0x1a0: {  	[tilespmem:$0x1D5D0] =	vst v63;
	v63 =	vld [tilespmem:s30+$0x36C0];
	_ =	sdelay $0x4  }
0x1a1: {  	[tilespmem:$0x1D5E0] =	vst v63;
	v63 =	vld [tilespmem:s30+$0x36B0];
	_ =	sdelay $0x4  }
0x1a2: {  	[tilespmem:$0x1D5F0] =	vst v63;
	v63 =	vld [tilespmem:s30+$0x36A0];
	_ =	sdelay $0x4  }
0x1a3: {  	[tilespmem:$0x1D600] =	vst v63;
	v63 =	vld [tilespmem:s30+$0x3690];
	_ =	sdelay $0x4  }
0x1a4: {  	[tilespmem:$0x1D610] =	vst v63;
	v63 =	vld [tilespmem:s30+$0x3680];
	_ =	sdelay $0x4  }
0x1a5: {  	[tilespmem:$0x1D620] =	vst v63;
	v63 =	vld [tilespmem:s30+$0x34F0];
	_ =	sdelay $0x4  }
0x1a6: {  	[tilespmem:$0x1D630] =	vst v63;
	v63 =	vld [tilespmem:s30+$0x34E0];
	_ =	sdelay $0x4  }
0x1a7: {  	[tilespmem:$0x1D640] =	vst v63;
	v63 =	vld [tilespmem:s30+$0x34D0];
	_ =	sdelay $0x4  }
0x1a8: {  	[tilespmem:$0x1D650] =	vst v63;
	v63 =	vld [tilespmem:s30+$0x34C0];
	_ =	sdelay $0x4  }
0x1a9: {  	[tilespmem:$0x1D660] =	vst v63;
	v63 =	vld [tilespmem:s30+$0x34B0];
	_ =	sdelay $0x4  }
0x1aa: {  	[tilespmem:$0x1D670] =	vst v63;
	v63 =	vld [tilespmem:s30+$0x34A0];
	_ =	sdelay $0x4  }
0x1ab: {  	[tilespmem:$0x1D680] =	vst v63;
	v63 =	vld [tilespmem:s30+$0x3490];
	_ =	sdelay $0x4  }
0x1ac: {  	[tilespmem:$0x1D690] =	vst v63;
	v63 =	vld [tilespmem:s30+$0x3480];
	_ =	sdelay $0x4  }
0x1ad: {  	[tilespmem:$0x1D6A0] =	vst v63;
	v63 =	vld [tilespmem:s30+$0x32F0];
	_ =	sdelay $0x4  }
0x1ae: {  	[tilespmem:$0x1D6B0] =	vst v63;
	v63 =	vld [tilespmem:s30+$0x32E0];
	_ =	sdelay $0x4  }
0x1af: {  	[tilespmem:$0x1D6C0] =	vst v63;
	v63 =	vld [tilespmem:s30+$0x32D0];
	_ =	sdelay $0x4  }
0x1b0: {  	[tilespmem:$0x1D6D0] =	vst v63;
	v63 =	vld [tilespmem:s30+$0x32C0];
	_ =	sdelay $0x4  }
0x1b1: {  	[tilespmem:$0x1D6E0] =	vst v63;
	v63 =	vld [tilespmem:s30+$0x32B0];
	_ =	sdelay $0x4  }
0x1b2: {  	[tilespmem:$0x1D6F0] =	vst v63;
	v63 =	vld [tilespmem:s30+$0x32A0];
	_ =	sdelay $0x4  }
0x1b3: {  	[tilespmem:$0x1D700] =	vst v63;
	v63 =	vld [tilespmem:s30+$0x3290];
	_ =	sdelay $0x4  }
0x1b4: {  	[tilespmem:$0x1D710] =	vst v63;
	v63 =	vld [tilespmem:s30+$0x3280];
	_ =	sdelay $0x4  }
0x1b5: {  	[tilespmem:$0x1D720] =	vst v63;
	v63 =	vld [tilespmem:s30+$0x30F0];
	_ =	sdelay $0x4  }
0x1b6: {  	[tilespmem:$0x1D730] =	vst v63;
	v63 =	vld [tilespmem:s30+$0x30E0];
	_ =	sdelay $0x4  }
0x1b7: {  	[tilespmem:$0x1D740] =	vst v63;
	v63 =	vld [tilespmem:s30+$0x30D0];
	_ =	sdelay $0x4  }
0x1b8: {  	[tilespmem:$0x1D750] =	vst v63;
	v63 =	vld [tilespmem:s30+$0x30C0];
	_ =	sdelay $0x4  }
0x1b9: {  	[tilespmem:$0x1D760] =	vst v63;
	v63 =	vld [tilespmem:s30+$0x30B0];
	_ =	sdelay $0x4  }
0x1ba: {  	[tilespmem:$0x1D770] =	vst v63;
	v63 =	vld [tilespmem:s30+$0x30A0];
	_ =	sdelay $0x4  }
0x1bb: {  	[tilespmem:$0x1D780] =	vst v63;
	v63 =	vld [tilespmem:s30+$0x3090];
	_ =	sdelay $0x4  }
0x1bc: {  	[tilespmem:$0x1D790] =	vst v63;
	v63 =	vld [tilespmem:s30+$0x3080];
	_ =	sdelay $0x4  }
0x1bd: {  	[tilespmem:$0x1D7A0] =	vst v63;
	v63 =	vld [tilespmem:s30+$0x2EF0];
	_ =	sdelay $0x4  }
0x1be: {  	[tilespmem:$0x1D7B0] =	vst v63;
	v63 =	vld [tilespmem:s30+$0x2EE0];
	_ =	sdelay $0x4  }
0x1bf: {  	[tilespmem:$0x1D7C0] =	vst v63;
	v63 =	vld [tilespmem:s30+$0x2ED0];
	_ =	sdelay $0x4  }
0x1c0: {  	[tilespmem:$0x1D7D0] =	vst v63;
	v63 =	vld [tilespmem:s30+$0x2EC0];
	_ =	sdelay $0x4  }
0x1c1: {  	[tilespmem:$0x1D7E0] =	vst v63;
	v63 =	vld [tilespmem:s30+$0x2EB0];
	_ =	sdelay $0x4  }
0x1c2: {  	[tilespmem:$0x1D7F0] =	vst v63;
	v63 =	vld [tilespmem:s30+$0x2EA0];
	_ =	sdelay $0x4  }
0x1c3: {  	[tilespmem:$0x1D800] =	vst v63;
	v63 =	vld [tilespmem:s30+$0x2E90];
	_ =	sdelay $0x4  }
0x1c4: {  	[tilespmem:$0x1D810] =	vst v63;
	v63 =	vld [tilespmem:s30+$0x2E80];
	_ =	sdelay $0x4  }
0x1c5: {  	[tilespmem:$0x1D820] =	vst v63;
	v63 =	vld [tilespmem:s30+$0x2CF0];
	_ =	sdelay $0x4  }
0x1c6: {  	[tilespmem:$0x1D830] =	vst v63;
	v63 =	vld [tilespmem:s30+$0x2CE0];
	_ =	sdelay $0x4  }
0x1c7: {  	[tilespmem:$0x1D840] =	vst v63;
	v63 =	vld [tilespmem:s30+$0x2CD0];
	_ =	sdelay $0x4  }
0x1c8: {  	[tilespmem:$0x1D850] =	vst v63;
	v63 =	vld [tilespmem:s30+$0x2CC0];
	_ =	sdelay $0x4  }
0x1c9: {  	[tilespmem:$0x1D860] =	vst v63;
	v63 =	vld [tilespmem:s30+$0x2CB0];
	_ =	sdelay $0x4  }
0x1ca: {  	[tilespmem:$0x1D870] =	vst v63;
	v63 =	vld [tilespmem:s30+$0x2CA0];
	_ =	sdelay $0x4  }
0x1cb: {  	[tilespmem:$0x1D880] =	vst v63;
	v63 =	vld [tilespmem:s30+$0x2C90];
	_ =	sdelay $0x4  }
0x1cc: {  	[tilespmem:$0x1D890] =	vst v63;
	v63 =	vld [tilespmem:s30+$0x2C80];
	_ =	sdelay $0x4  }
0x1cd: {  	[tilespmem:$0x1D8A0] =	vst v63;
	v63 =	vld [tilespmem:s30+$0x2AF0];
	_ =	sdelay $0x4  }
0x1ce: {  	[tilespmem:$0x1D8B0] =	vst v63;
	v63 =	vld [tilespmem:s30+$0x2AE0];
	_ =	sdelay $0x4  }
0x1cf: {  	[tilespmem:$0x1D8C0] =	vst v63;
	v63 =	vld [tilespmem:s30+$0x2AD0];
	_ =	sdelay $0x4  }
0x1d0: {  	[tilespmem:$0x1D8D0] =	vst v63;
	v63 =	vld [tilespmem:s30+$0x2AC0];
	_ =	sdelay $0x4  }
0x1d1: {  	[tilespmem:$0x1D8E0] =	vst v63;
	v63 =	vld [tilespmem:s30+$0x2AB0];
	_ =	sdelay $0x4  }
0x1d2: {  	[tilespmem:$0x1D8F0] =	vst v63;
	v63 =	vld [tilespmem:s30+$0x2AA0];
	_ =	sdelay $0x4  }
0x1d3: {  	[tilespmem:$0x1D900] =	vst v63;
	v63 =	vld [tilespmem:s30+$0x2A90];
	_ =	sdelay $0x4  }
0x1d4: {  	[tilespmem:$0x1D910] =	vst v63;
	v63 =	vld [tilespmem:s30+$0x2A80];
	_ =	sdelay $0x4  }
0x1d5: {  	[tilespmem:$0x1D920] =	vst v63;
	v63 =	vld [tilespmem:s30+$0x28F0];
	_ =	sdelay $0x4  }
0x1d6: {  	[tilespmem:$0x1D930] =	vst v63;
	v63 =	vld [tilespmem:s30+$0x28E0];
	_ =	sdelay $0x4  }
0x1d7: {  	[tilespmem:$0x1D940] =	vst v63;
	v63 =	vld [tilespmem:s30+$0x28D0];
	_ =	sdelay $0x4  }
0x1d8: {  	[tilespmem:$0x1D950] =	vst v63;
	v63 =	vld [tilespmem:s30+$0x28C0];
	_ =	sdelay $0x4  }
0x1d9: {  	[tilespmem:$0x1D960] =	vst v63;
	v63 =	vld [tilespmem:s30+$0x28B0];
	_ =	sdelay $0x4  }
0x1da: {  	[tilespmem:$0x1D970] =	vst v63;
	v63 =	vld [tilespmem:s30+$0x28A0];
	_ =	sdelay $0x4  }
0x1db: {  	[tilespmem:$0x1D980] =	vst v63;
	v63 =	vld [tilespmem:s30+$0x2890];
	_ =	sdelay $0x4  }
0x1dc: {  	[tilespmem:$0x1D990] =	vst v63;
	v63 =	vld [tilespmem:s30+$0x2880];
	_ =	sdelay $0x4  }
0x1dd: {  	[tilespmem:$0x1D9A0] =	vst v63;
	v63 =	vld [tilespmem:s30+$0x26F0];
	_ =	sdelay $0x4  }
0x1de: {  	[tilespmem:$0x1D9B0] =	vst v63;
	v63 =	vld [tilespmem:s30+$0x26E0];
	_ =	sdelay $0x4  }
0x1df: {  	[tilespmem:$0x1D9C0] =	vst v63;
	v63 =	vld [tilespmem:s30+$0x26D0];
	_ =	sdelay $0x4  }
0x1e0: {  	[tilespmem:$0x1D9D0] =	vst v63;
	v63 =	vld [tilespmem:s30+$0x26C0];
	_ =	sdelay $0x4  }
0x1e1: {  	[tilespmem:$0x1D9E0] =	vst v63;
	v63 =	vld [tilespmem:s30+$0x26B0];
	_ =	sdelay $0x4  }
0x1e2: {  	[tilespmem:$0x1D9F0] =	vst v63;
	v63 =	vld [tilespmem:s30+$0x26A0];
	_ =	sdelay $0x4  }
0x1e3: {  	[tilespmem:$0x1DA00] =	vst v63;
	v63 =	vld [tilespmem:s30+$0x2690];
	_ =	sdelay $0x4  }
0x1e4: {  	[tilespmem:$0x1DA10] =	vst v63;
	v63 =	vld [tilespmem:s30+$0x2680];
	_ =	sdelay $0x4  }
0x1e5: {  	[tilespmem:$0x1DA20] =	vst v63;
	v63 =	vld [tilespmem:s30+$0x24F0];
	_ =	sdelay $0x4  }
0x1e6: {  	[tilespmem:$0x1DA30] =	vst v63;
	v63 =	vld [tilespmem:s30+$0x24E0];
	_ =	sdelay $0x4  }
0x1e7: {  	[tilespmem:$0x1DA40] =	vst v63;
	v63 =	vld [tilespmem:s30+$0x24D0];
	_ =	sdelay $0x4  }
0x1e8: {  	[tilespmem:$0x1DA50] =	vst v63;
	v63 =	vld [tilespmem:s30+$0x24C0];
	_ =	sdelay $0x4  }
0x1e9: {  	[tilespmem:$0x1DA60] =	vst v63;
	v63 =	vld [tilespmem:s30+$0x24B0];
	_ =	sdelay $0x4  }
0x1ea: {  	[tilespmem:$0x1DA70] =	vst v63;
	v63 =	vld [tilespmem:s30+$0x24A0];
	_ =	sdelay $0x4  }
0x1eb: {  	[tilespmem:$0x1DA80] =	vst v63;
	v63 =	vld [tilespmem:s30+$0x2490];
	_ =	sdelay $0x4  }
0x1ec: {  	[tilespmem:$0x1DA90] =	vst v63;
	v63 =	vld [tilespmem:s30+$0x2480];
	_ =	sdelay $0x4  }
0x1ed: {  	[tilespmem:$0x1DAA0] =	vst v63;
	v63 =	vld [tilespmem:s30+$0x22F0];
	_ =	sdelay $0x4  }
0x1ee: {  	[tilespmem:$0x1DAB0] =	vst v63;
	v63 =	vld [tilespmem:s30+$0x22E0];
	_ =	sdelay $0x4  }
0x1ef: {  	[tilespmem:$0x1DAC0] =	vst v63;
	v63 =	vld [tilespmem:s30+$0x22D0];
	_ =	sdelay $0x4  }
0x1f0: {  	[tilespmem:$0x1DAD0] =	vst v63;
	v63 =	vld [tilespmem:s30+$0x22C0];
	_ =	sdelay $0x4  }
0x1f1: {  	[tilespmem:$0x1DAE0] =	vst v63;
	v63 =	vld [tilespmem:s30+$0x22B0];
	_ =	sdelay $0x4  }
0x1f2: {  	[tilespmem:$0x1DAF0] =	vst v63;
	v63 =	vld [tilespmem:s30+$0x22A0];
	_ =	sdelay $0x4  }
0x1f3: {  	[tilespmem:$0x1DB00] =	vst v63;
	v63 =	vld [tilespmem:s30+$0x2290];
	_ =	sdelay $0x4  }
0x1f4: {  	[tilespmem:$0x1DB10] =	vst v63;
	v63 =	vld [tilespmem:s30+$0x2280];
	_ =	sdelay $0x4  }
0x1f5: {  	[tilespmem:$0x1DB20] =	vst v63;
	v63 =	vld [tilespmem:s30+$0x20F0];
	_ =	sdelay $0x4  }
0x1f6: {  	[tilespmem:$0x1DB30] =	vst v63;
	v63 =	vld [tilespmem:s30+$0x20E0];
	_ =	sdelay $0x4  }
0x1f7: {  	[tilespmem:$0x1DB40] =	vst v63;
	v63 =	vld [tilespmem:s30+$0x20D0];
	_ =	sdelay $0x4  }
0x1f8: {  	[tilespmem:$0x1DB50] =	vst v63;
	v63 =	vld [tilespmem:s30+$0x20C0];
	_ =	sdelay $0x4  }
0x1f9: {  	[tilespmem:$0x1DB60] =	vst v63;
	v63 =	vld [tilespmem:s30+$0x20B0];
	_ =	sdelay $0x4  }
0x1fa: {  	[tilespmem:$0x1DB70] =	vst v63;
	v63 =	vld [tilespmem:s30+$0x20A0];
	_ =	sdelay $0x4  }
0x1fb: {  	[tilespmem:$0x1DB80] =	vst v63;
	v63 =	vld [tilespmem:s30+$0x2090];
	_ =	sdelay $0x4  }
0x1fc: {  	[tilespmem:$0x1DB90] =	vst v63;
	v63 =	vld [tilespmem:s30+$0x2080];
	_ =	sdelay $0x4  }
0x1fd: {  	[tilespmem:$0x1DBA0] =	vst v63;
	v63 =	vld [tilespmem:s30+$0x1EF0];
	_ =	sdelay $0x4  }
0x1fe: {  	[tilespmem:$0x1DBB0] =	vst v63;
	v63 =	vld [tilespmem:s30+$0x1EE0];
	_ =	sdelay $0x4  }
0x1ff: {  	[tilespmem:$0x1DBC0] =	vst v63;
	v63 =	vld [tilespmem:s30+$0x1ED0];
	_ =	sdelay $0x4  }
0x200: {  	[tilespmem:$0x1DBD0] =	vst v63;
	v63 =	vld [tilespmem:s30+$0x1EC0];
	_ =	sdelay $0x4  }
0x201: {  	[tilespmem:$0x1DBE0] =	vst v63;
	v63 =	vld [tilespmem:s30+$0x1EB0];
	_ =	sdelay $0x4  }
0x202: {  	[tilespmem:$0x1DBF0] =	vst v63;
	v63 =	vld [tilespmem:s30+$0x1EA0];
	_ =	sdelay $0x4  }
0x203: {  	[tilespmem:$0x1DC00] =	vst v63;
	v63 =	vld [tilespmem:s30+$0x1E90];
	_ =	sdelay $0x4  }
0x204: {  	[tilespmem:$0x1DC10] =	vst v63;
	v63 =	vld [tilespmem:s30+$0x1E80];
	_ =	sdelay $0x4  }
0x205: {  	[tilespmem:$0x1DC20] =	vst v63;
	v63 =	vld [tilespmem:s30+$0x1CF0];
	_ =	sdelay $0x4  }
0x206: {  	[tilespmem:$0x1DC30] =	vst v63;
	v63 =	vld [tilespmem:s30+$0x1CE0];
	_ =	sdelay $0x4  }
0x207: {  	[tilespmem:$0x1DC40] =	vst v63;
	v63 =	vld [tilespmem:s30+$0x1CD0];
	_ =	sdelay $0x4  }
0x208: {  	[tilespmem:$0x1DC50] =	vst v63;
	v63 =	vld [tilespmem:s30+$0x1CC0];
	_ =	sdelay $0x4  }
0x209: {  	[tilespmem:$0x1DC60] =	vst v63;
	v63 =	vld [tilespmem:s30+$0x1CB0];
	_ =	sdelay $0x4  }
0x20a: {  	[tilespmem:$0x1DC70] =	vst v63;
	v63 =	vld [tilespmem:s30+$0x1CA0];
	_ =	sdelay $0x4  }
0x20b: {  	[tilespmem:$0x1DC80] =	vst v63;
	v63 =	vld [tilespmem:s30+$0x1C90];
	_ =	sdelay $0x4  }
0x20c: {  	[tilespmem:$0x1DC90] =	vst v63;
	v63 =	vld [tilespmem:s30+$0x1C80];
	_ =	sdelay $0x4  }
0x20d: {  	[tilespmem:$0x1DCA0] =	vst v63;
	v63 =	vld [tilespmem:s30+$0x1AF0];
	_ =	sdelay $0x4  }
0x20e: {  	[tilespmem:$0x1DCB0] =	vst v63;
	v63 =	vld [tilespmem:s30+$0x1AE0];
	_ =	sdelay $0x4  }
0x20f: {  	[tilespmem:$0x1DCC0] =	vst v63;
	v63 =	vld [tilespmem:s30+$0x1AD0];
	_ =	sdelay $0x4  }
0x210: {  	[tilespmem:$0x1DCD0] =	vst v63;
	v63 =	vld [tilespmem:s30+$0x1AC0];
	_ =	sdelay $0x4  }
0x211: {  	[tilespmem:$0x1DCE0] =	vst v63;
	v63 =	vld [tilespmem:s30+$0x1AB0];
	_ =	sdelay $0x4  }
0x212: {  	[tilespmem:$0x1DCF0] =	vst v63;
	v63 =	vld [tilespmem:s30+$0x1AA0];
	_ =	sdelay $0x4  }
0x213: {  	[tilespmem:$0x1DD00] =	vst v63;
	v63 =	vld [tilespmem:s30+$0x1A90];
	_ =	sdelay $0x4  }
0x214: {  	[tilespmem:$0x1DD10] =	vst v63;
	v63 =	vld [tilespmem:s30+$0x1A80];
	_ =	sdelay $0x4  }
0x215: {  	[tilespmem:$0x1DD20] =	vst v63;
	v63 =	vld [tilespmem:s30+$0x18F0];
	_ =	sdelay $0x4  }
0x216: {  	[tilespmem:$0x1DD30] =	vst v63;
	v63 =	vld [tilespmem:s30+$0x18E0];
	_ =	sdelay $0x4  }
0x217: {  	[tilespmem:$0x1DD40] =	vst v63;
	v63 =	vld [tilespmem:s30+$0x18D0];
	_ =	sdelay $0x4  }
0x218: {  	[tilespmem:$0x1DD50] =	vst v63;
	v63 =	vld [tilespmem:s30+$0x18C0];
	_ =	sdelay $0x4  }
0x219: {  	[tilespmem:$0x1DD60] =	vst v63  }
0x21a: {  	v63 =	vld [tilespmem:s30+$0x18B0];
	_ =	sdelay $0x4  }
0x21b: {  	[tilespmem:$0x1DD70] =	vst v63;
	v63 =	vld [tilespmem:s30+$0x18A0];
	_ =	sdelay $0x4  }
0x21c: {  	[tilespmem:$0x1DD80] =	vst v63;
	v63 =	vld [tilespmem:s30+$0x1890];
	_ =	sdelay $0x4  }
0x21d: {  	[tilespmem:$0x1DD90] =	vst v63;
	v63 =	vld [tilespmem:s30+$0x1880];
	_ =	sdelay $0x4  }
0x21e: {  	[tilespmem:$0x1DDA0] =	vst v63;
	v63 =	vld [tilespmem:s30+$0x16F0];
	_ =	sdelay $0x4  }
0x21f: {  	[tilespmem:$0x1DDB0] =	vst v63;
	v63 =	vld [tilespmem:s30+$0x16E0];
	_ =	sdelay $0x4  }
0x220: {  	[tilespmem:$0x1DDC0] =	vst v63;
	v63 =	vld [tilespmem:s30+$0x16D0];
	_ =	sdelay $0x4  }
0x221: {  	[tilespmem:$0x1DDD0] =	vst v63;
	v63 =	vld [tilespmem:s30+$0x16C0];
	_ =	sdelay $0x4  }
0x222: {  	[tilespmem:$0x1DDE0] =	vst v63;
	v63 =	vld [tilespmem:s30+$0x16B0];
	_ =	sdelay $0x4  }
0x223: {  	[tilespmem:$0x1DDF0] =	vst v63;
	v63 =	vld [tilespmem:s30+$0x16A0];
	_ =	sdelay $0x4  }
0x224: {  	[tilespmem:$0x1DE00] =	vst v63;
	v63 =	vld [tilespmem:s30+$0x1690];
	_ =	sdelay $0x4  }
0x225: {  	[tilespmem:$0x1DE10] =	vst v63;
	v63 =	vld [tilespmem:s30+$0x1680];
	_ =	sdelay $0x4  }
0x226: {  	[tilespmem:$0x1DE20] =	vst v63;
	v63 =	vld [tilespmem:s30+$0x14F0];
	_ =	sdelay $0x4  }
0x227: {  	[tilespmem:$0x1DE30] =	vst v63;
	v63 =	vld [tilespmem:s30+$0x14E0];
	_ =	sdelay $0x4  }
0x228: {  	[tilespmem:$0x1DE40] =	vst v63;
	v63 =	vld [tilespmem:s30+$0x14D0];
	_ =	sdelay $0x4  }
0x229: {  	[tilespmem:$0x1DE50] =	vst v63;
	v63 =	vld [tilespmem:s30+$0x14C0];
	_ =	sdelay $0x4  }
0x22a: {  	[tilespmem:$0x1DE60] =	vst v63;
	v63 =	vld [tilespmem:s30+$0x14B0];
	_ =	sdelay $0x4  }
0x22b: {  	[tilespmem:$0x1DE70] =	vst v63;
	v63 =	vld [tilespmem:s30+$0x14A0];
	_ =	sdelay $0x4  }
0x22c: {  	[tilespmem:$0x1DE80] =	vst v63;
	v63 =	vld [tilespmem:s30+$0x1490];
	_ =	sdelay $0x4  }
0x22d: {  	[tilespmem:$0x1DE90] =	vst v63;
	v63 =	vld [tilespmem:s30+$0x1480];
	_ =	sdelay $0x4  }
0x22e: {  	[tilespmem:$0x1DEA0] =	vst v63;
	v63 =	vld [tilespmem:s30+$0x12F0];
	_ =	sdelay $0x4  }
0x22f: {  	[tilespmem:$0x1DEB0] =	vst v63;
	v63 =	vld [tilespmem:s30+$0x12E0];
	_ =	sdelay $0x4  }
0x230: {  	[tilespmem:$0x1DEC0] =	vst v63;
	v63 =	vld [tilespmem:s30+$0x12D0];
	_ =	sdelay $0x4  }
0x231: {  	[tilespmem:$0x1DED0] =	vst v63;
	v63 =	vld [tilespmem:s30+$0x12C0];
	_ =	sdelay $0x4  }
0x232: {  	[tilespmem:$0x1DEE0] =	vst v63;
	v63 =	vld [tilespmem:s30+$0x12B0];
	_ =	sdelay $0x4  }
0x233: {  	[tilespmem:$0x1DEF0] =	vst v63;
	v63 =	vld [tilespmem:s30+$0x12A0];
	_ =	sdelay $0x4  }
0x234: {  	[tilespmem:$0x1DF00] =	vst v63;
	v63 =	vld [tilespmem:s30+$0x1290];
	_ =	sdelay $0x4  }
0x235: {  	[tilespmem:$0x1DF10] =	vst v63;
	v63 =	vld [tilespmem:s30+$0x1280];
	_ =	sdelay $0x4  }
0x236: {  	[tilespmem:$0x1DF20] =	vst v63;
	v63 =	vld [tilespmem:s30+$0x10F0];
	_ =	sdelay $0x4  }
0x237: {  	[tilespmem:$0x1DF30] =	vst v63;
	v63 =	vld [tilespmem:s30+$0x10E0];
	_ =	sdelay $0x4  }
0x238: {  	[tilespmem:$0x1DF40] =	vst v63;
	v63 =	vld [tilespmem:s30+$0x10D0];
	_ =	sdelay $0x4  }
0x239: {  	[tilespmem:$0x1DF50] =	vst v63;
	v63 =	vld [tilespmem:s30+$0x10C0];
	_ =	sdelay $0x4  }
0x23a: {  	[tilespmem:$0x1DF60] =	vst v63;
	v63 =	vld [tilespmem:s30+$0x10B0];
	_ =	sdelay $0x4  }
0x23b: {  	[tilespmem:$0x1DF70] =	vst v63;
	v63 =	vld [tilespmem:s30+$0x10A0];
	_ =	sdelay $0x4  }
0x23c: {  	[tilespmem:$0x1DF80] =	vst v63;
	v63 =	vld [tilespmem:s30+$0x1090];
	_ =	sdelay $0x4  }
0x23d: {  	[tilespmem:$0x1DF90] =	vst v63;
	v63 =	vld [tilespmem:s30+$0x1080];
	_ =	sdelay $0x4  }
0x23e: {  	[tilespmem:$0x1DFA0] =	vst v63;
	v63 =	vld [tilespmem:s30+$0xEF0];
	_ =	sdelay $0x4  }
0x23f: {  	[tilespmem:$0x1DFB0] =	vst v63;
	v63 =	vld [tilespmem:s30+$0xEE0];
	_ =	sdelay $0x4  }
0x240: {  	[tilespmem:$0x1DFC0] =	vst v63;
	v63 =	vld [tilespmem:s30+$0xED0];
	_ =	sdelay $0x4  }
0x241: {  	[tilespmem:$0x1DFD0] =	vst v63;
	v63 =	vld [tilespmem:s30+$0xEC0];
	_ =	sdelay $0x4  }
0x242: {  	[tilespmem:$0x1DFE0] =	vst v63;
	v63 =	vld [tilespmem:s30+$0xEB0];
	_ =	sdelay $0x4  }
0x243: {  	[tilespmem:$0x1DFF0] =	vst v63;
	v63 =	vld [tilespmem:s30+$0xEA0];
	_ =	sdelay $0x4  }
0x244: {  	[tilespmem:$0x1E000] =	vst v63;
	v63 =	vld [tilespmem:s30+$0xE90];
	_ =	sdelay $0x4  }
0x245: {  	[tilespmem:$0x1E010] =	vst v63;
	v63 =	vld [tilespmem:s30+$0xE80];
	_ =	sdelay $0x4  }
0x246: {  	[tilespmem:$0x1E020] =	vst v63;
	v63 =	vld [tilespmem:s30+$0xCF0];
	_ =	sdelay $0x4  }
0x247: {  	[tilespmem:$0x1E030] =	vst v63;
	v63 =	vld [tilespmem:s30+$0xCE0];
	_ =	sdelay $0x4  }
0x248: {  	[tilespmem:$0x1E040] =	vst v63;
	v63 =	vld [tilespmem:s30+$0xCD0];
	_ =	sdelay $0x4  }
0x249: {  	[tilespmem:$0x1E050] =	vst v63;
	v63 =	vld [tilespmem:s30+$0xCC0];
	_ =	sdelay $0x4  }
0x24a: {  	[tilespmem:$0x1E060] =	vst v63;
	v63 =	vld [tilespmem:s30+$0x970];
	_ =	sdelay $0x4  }
0x24b: {  	[tilespmem:$0x1E370] =	vst v63;
	v63 =	vld [tilespmem:s30+$0xB00];
	_ =	sdelay $0x4  }
0x24c: {  	[tilespmem:$0x1E380] =	vst v63;
	v63 =	vld [tilespmem:s30+$0xB10];
	_ =	sdelay $0x4  }
0x24d: {  	[tilespmem:$0x1E390] =	vst v63;
	v63 =	vld [tilespmem:s30+$0xB20];
	_ =	sdelay $0x4  }
0x24e: {  	[tilespmem:$0x1E3A0] =	vst v63;
	v63 =	vld [tilespmem:s30+$0xB30];
	_ =	sdelay $0x4  }
0x24f: {  	[tilespmem:$0x1E3B0] =	vst v63;
	v63 =	vld [tilespmem:s30+$0xB40];
	_ =	sdelay $0x4  }
0x250: {  	[tilespmem:$0x1E3C0] =	vst v63;
	v63 =	vld [tilespmem:s30+$0xB50];
	_ =	sdelay $0x4  }
0x251: {  	[tilespmem:$0x1E3D0] =	vst v63;
	v63 =	vld [tilespmem:s30+$0xB60];
	_ =	sdelay $0x4  }
0x252: {  	[tilespmem:$0x1E3E0] =	vst v63;
	v63 =	vld [tilespmem:s30+$0xB70];
	_ =	sdelay $0x4  }
0x253: {  	[tilespmem:$0x1E3F0] =	vst v63;
	v63 =	vld [tilespmem:s30+$0xD00];
	_ =	sdelay $0x4  }
0x254: {  	[tilespmem:$0x1E400] =	vst v63;
	v63 =	vld [tilespmem:s30+$0xD10];
	_ =	sdelay $0x4  }
0x255: {  	[tilespmem:$0x1E410] =	vst v63;
	v63 =	vld [tilespmem:s30+$0xD20];
	_ =	sdelay $0x4  }
0x256: {  	[tilespmem:$0x1E420] =	vst v63;
	v63 =	vld [tilespmem:s30+$0xD30];
	_ =	sdelay $0x4  }
0x257: {  	[tilespmem:$0x1E430] =	vst v63;
	v63 =	vld [tilespmem:s30+$0xD40];
	_ =	sdelay $0x4  }
0x258: {  	[tilespmem:$0x1E440] =	vst v63;
	v63 =	vld [tilespmem:s30+$0xD50];
	_ =	sdelay $0x4  }
0x259: {  	[tilespmem:$0x1E450] =	vst v63;
	v63 =	vld [tilespmem:s30+$0xD60];
	_ =	sdelay $0x4  }
0x25a: {  	[tilespmem:$0x1E460] =	vst v63;
	v63 =	vld [tilespmem:s30+$0xD70];
	_ =	sdelay $0x4  }
0x25b: {  	[tilespmem:$0x1E470] =	vst v63;
	v63 =	vld [tilespmem:s30+$0xF00];
	_ =	sdelay $0x4  }
0x25c: {  	[tilespmem:$0x1E480] =	vst v63;
	v63 =	vld [tilespmem:s30+$0xF10];
	_ =	sdelay $0x4  }
0x25d: {  	[tilespmem:$0x1E490] =	vst v63;
	v63 =	vld [tilespmem:s30+$0xF20];
	_ =	sdelay $0x4  }
0x25e: {  	[tilespmem:$0x1E4A0] =	vst v63;
	v63 =	vld [tilespmem:s30+$0xF30];
	_ =	sdelay $0x4  }
0x25f: {  	[tilespmem:$0x1E4B0] =	vst v63;
	v63 =	vld [tilespmem:s30+$0xF40];
	_ =	sdelay $0x4  }
0x260: {  	[tilespmem:$0x1E4C0] =	vst v63;
	v63 =	vld [tilespmem:s30+$0xF50];
	_ =	sdelay $0x4  }
0x261: {  	[tilespmem:$0x1E4D0] =	vst v63;
	v63 =	vld [tilespmem:s30+$0xF60];
	_ =	sdelay $0x4  }
0x262: {  	[tilespmem:$0x1E4E0] =	vst v63;
	v63 =	vld [tilespmem:s30+$0xF70];
	_ =	sdelay $0x4  }
0x263: {  	[tilespmem:$0x1E4F0] =	vst v63;
	v63 =	vld [tilespmem:s30+$0x1100];
	_ =	sdelay $0x4  }
0x264: {  	[tilespmem:$0x1E500] =	vst v63;
	v63 =	vld [tilespmem:s30+$0x1110];
	_ =	sdelay $0x4  }
0x265: {  	[tilespmem:$0x1E510] =	vst v63;
	v63 =	vld [tilespmem:s30+$0x1120];
	_ =	sdelay $0x4  }
0x266: {  	[tilespmem:$0x1E520] =	vst v63;
	v63 =	vld [tilespmem:s30+$0x1130];
	_ =	sdelay $0x4  }
0x267: {  	[tilespmem:$0x1E530] =	vst v63;
	v63 =	vld [tilespmem:s30+$0x1140];
	_ =	sdelay $0x4  }
0x268: {  	[tilespmem:$0x1E540] =	vst v63;
	v63 =	vld [tilespmem:s30+$0x1150];
	_ =	sdelay $0x4  }
0x269: {  	[tilespmem:$0x1E550] =	vst v63;
	v63 =	vld [tilespmem:s30+$0x1160];
	_ =	sdelay $0x4  }
0x26a: {  	[tilespmem:$0x1E560] =	vst v63;
	v63 =	vld [tilespmem:s30+$0x1170];
	_ =	sdelay $0x4  }
0x26b: {  	[tilespmem:$0x1E570] =	vst v63;
	v63 =	vld [tilespmem:s30+$0x1300];
	_ =	sdelay $0x4  }
0x26c: {  	[tilespmem:$0x1E580] =	vst v63;
	v63 =	vld [tilespmem:s30+$0x1310];
	_ =	sdelay $0x4  }
0x26d: {  	[tilespmem:$0x1E590] =	vst v63;
	v63 =	vld [tilespmem:s30+$0x1320];
	_ =	sdelay $0x4  }
0x26e: {  	[tilespmem:$0x1E5A0] =	vst v63;
	v63 =	vld [tilespmem:s30+$0x1330];
	_ =	sdelay $0x4  }
0x26f: {  	[tilespmem:$0x1E5B0] =	vst v63;
	v63 =	vld [tilespmem:s30+$0x1340];
	_ =	sdelay $0x4  }
0x270: {  	[tilespmem:$0x1E5C0] =	vst v63;
	v63 =	vld [tilespmem:s30+$0x1350];
	_ =	sdelay $0x4  }
0x271: {  	[tilespmem:$0x1E5D0] =	vst v63;
	v63 =	vld [tilespmem:s30+$0x1360];
	_ =	sdelay $0x4  }
0x272: {  	[tilespmem:$0x1E5E0] =	vst v63;
	v63 =	vld [tilespmem:s30+$0x1370];
	_ =	sdelay $0x4  }
0x273: {  	[tilespmem:$0x1E5F0] =	vst v63;
	v63 =	vld [tilespmem:s30+$0x1500];
	_ =	sdelay $0x4  }
0x274: {  	[tilespmem:$0x1E600] =	vst v63;
	v63 =	vld [tilespmem:s30+$0x1510];
	_ =	sdelay $0x4  }
0x275: {  	[tilespmem:$0x1E610] =	vst v63;
	v63 =	vld [tilespmem:s30+$0x1520];
	_ =	sdelay $0x4  }
0x276: {  	[tilespmem:$0x1E620] =	vst v63;
	v63 =	vld [tilespmem:s30+$0x1530];
	_ =	sdelay $0x4  }
0x277: {  	[tilespmem:$0x1E630] =	vst v63;
	v63 =	vld [tilespmem:s30+$0x1540];
	_ =	sdelay $0x4  }
0x278: {  	[tilespmem:$0x1E640] =	vst v63;
	v63 =	vld [tilespmem:s30+$0x1550];
	_ =	sdelay $0x4  }
0x279: {  	[tilespmem:$0x1E650] =	vst v63;
	v63 =	vld [tilespmem:s30+$0x1560];
	_ =	sdelay $0x4  }
0x27a: {  	[tilespmem:$0x1E660] =	vst v63;
	v63 =	vld [tilespmem:s30+$0x1570];
	_ =	sdelay $0x4  }
0x27b: {  	[tilespmem:$0x1E670] =	vst v63;
	v63 =	vld [tilespmem:s30+$0x1700];
	_ =	sdelay $0x4  }
0x27c: {  	[tilespmem:$0x1E680] =	vst v63;
	v63 =	vld [tilespmem:s30+$0x1710];
	_ =	sdelay $0x4  }
0x27d: {  	[tilespmem:$0x1E690] =	vst v63;
	v63 =	vld [tilespmem:s30+$0x1720];
	_ =	sdelay $0x4  }
0x27e: {  	[tilespmem:$0x1E6A0] =	vst v63;
	v63 =	vld [tilespmem:s30+$0x1730];
	_ =	sdelay $0x4  }
0x27f: {  	[tilespmem:$0x1E6B0] =	vst v63;
	v63 =	vld [tilespmem:s30+$0x1740];
	_ =	sdelay $0x4  }
0x280: {  	[tilespmem:$0x1E6C0] =	vst v63;
	v63 =	vld [tilespmem:s30+$0x1750];
	_ =	sdelay $0x4  }
0x281: {  	[tilespmem:$0x1E6D0] =	vst v63;
	v63 =	vld [tilespmem:s30+$0x1760];
	_ =	sdelay $0x4  }
0x282: {  	[tilespmem:$0x1E6E0] =	vst v63;
	v63 =	vld [tilespmem:s30+$0x1770];
	_ =	sdelay $0x4  }
0x283: {  	[tilespmem:$0x1E6F0] =	vst v63;
	v63 =	vld [tilespmem:s30+$0x1900];
	_ =	sdelay $0x4  }
0x284: {  	[tilespmem:$0x1E700] =	vst v63;
	v63 =	vld [tilespmem:s30+$0x1910];
	_ =	sdelay $0x4  }
0x285: {  	[tilespmem:$0x1E710] =	vst v63;
	v63 =	vld [tilespmem:s30+$0x1920];
	_ =	sdelay $0x4  }
0x286: {  	[tilespmem:$0x1E720] =	vst v63;
	v63 =	vld [tilespmem:s30+$0x1930];
	_ =	sdelay $0x4  }
0x287: {  	[tilespmem:$0x1E730] =	vst v63;
	v63 =	vld [tilespmem:s30+$0x1940];
	_ =	sdelay $0x4  }
0x288: {  	[tilespmem:$0x1E740] =	vst v63;
	v63 =	vld [tilespmem:s30+$0x1950];
	_ =	sdelay $0x4  }
0x289: {  	[tilespmem:$0x1E750] =	vst v63;
	v63 =	vld [tilespmem:s30+$0x1960];
	_ =	sdelay $0x4  }
0x28a: {  	[tilespmem:$0x1E760] =	vst v63;
	v63 =	vld [tilespmem:s30+$0x1970];
	_ =	sdelay $0x4  }
0x28b: {  	[tilespmem:$0x1E770] =	vst v63;
	v63 =	vld [tilespmem:s30+$0x1B00];
	_ =	sdelay $0x4  }
0x28c: {  	[tilespmem:$0x1E780] =	vst v63;
	v63 =	vld [tilespmem:s30+$0x1B10];
	_ =	sdelay $0x4  }
0x28d: {  	[tilespmem:$0x1E790] =	vst v63;
	v63 =	vld [tilespmem:s30+$0x1B20];
	_ =	sdelay $0x4  }
0x28e: {  	[tilespmem:$0x1E7A0] =	vst v63;
	v63 =	vld [tilespmem:s30+$0x1B30];
	_ =	sdelay $0x4  }
0x28f: {  	[tilespmem:$0x1E7B0] =	vst v63;
	v63 =	vld [tilespmem:s30+$0x1B40];
	_ =	sdelay $0x4  }
0x290: {  	[tilespmem:$0x1E7C0] =	vst v63;
	v63 =	vld [tilespmem:s30+$0x1B50];
	_ =	sdelay $0x4  }
0x291: {  	[tilespmem:$0x1E7D0] =	vst v63;
	v63 =	vld [tilespmem:s30+$0x1B60];
	_ =	sdelay $0x4  }
0x292: {  	[tilespmem:$0x1E7E0] =	vst v63;
	v63 =	vld [tilespmem:s30+$0x1B70];
	_ =	sdelay $0x4  }
0x293: {  	[tilespmem:$0x1E7F0] =	vst v63;
	v63 =	vld [tilespmem:s30+$0x1D00];
	_ =	sdelay $0x4  }
0x294: {  	[tilespmem:$0x1E800] =	vst v63;
	v63 =	vld [tilespmem:s30+$0x1D10];
	_ =	sdelay $0x4  }
0x295: {  	[tilespmem:$0x1E810] =	vst v63;
	v63 =	vld [tilespmem:s30+$0x1D20];
	_ =	sdelay $0x4  }
0x296: {  	[tilespmem:$0x1E820] =	vst v63;
	v63 =	vld [tilespmem:s30+$0x1D30];
	_ =	sdelay $0x4  }
0x297: {  	[tilespmem:$0x1E830] =	vst v63;
	v63 =	vld [tilespmem:s30+$0x1D40];
	_ =	sdelay $0x4  }
0x298: {  	[tilespmem:$0x1E840] =	vst v63;
	v63 =	vld [tilespmem:s30+$0x1D50];
	_ =	sdelay $0x4  }
0x299: {  	[tilespmem:$0x1E850] =	vst v63;
	v63 =	vld [tilespmem:s30+$0x1D60];
	_ =	sdelay $0x4  }
0x29a: {  	[tilespmem:$0x1E860] =	vst v63;
	v63 =	vld [tilespmem:s30+$0x1D70];
	_ =	sdelay $0x4  }
0x29b: {  	[tilespmem:$0x1E870] =	vst v63;
	v63 =	vld [tilespmem:s30+$0x1F00];
	_ =	sdelay $0x4  }
0x29c: {  	[tilespmem:$0x1E880] =	vst v63;
	v63 =	vld [tilespmem:s30+$0x1F10];
	_ =	sdelay $0x4  }
0x29d: {  	[tilespmem:$0x1E890] =	vst v63;
	v63 =	vld [tilespmem:s30+$0x1F20];
	_ =	sdelay $0x4  }
0x29e: {  	[tilespmem:$0x1E8A0] =	vst v63;
	v63 =	vld [tilespmem:s30+$0x1F30];
	_ =	sdelay $0x4  }
0x29f: {  	[tilespmem:$0x1E8B0] =	vst v63;
	v63 =	vld [tilespmem:s30+$0x1F40];
	_ =	sdelay $0x4  }
0x2a0: {  	[tilespmem:$0x1E8C0] =	vst v63;
	v63 =	vld [tilespmem:s30+$0x1F50];
	_ =	sdelay $0x4  }
0x2a1: {  	[tilespmem:$0x1E8D0] =	vst v63;
	v63 =	vld [tilespmem:s30+$0x1F60];
	_ =	sdelay $0x4  }
0x2a2: {  	[tilespmem:$0x1E8E0] =	vst v63;
	v63 =	vld [tilespmem:s30+$0x1F70];
	_ =	sdelay $0x4  }
0x2a3: {  	[tilespmem:$0x1E8F0] =	vst v63;
	v63 =	vld [tilespmem:s30+$0x2100];
	_ =	sdelay $0x4  }
0x2a4: {  	[tilespmem:$0x1E900] =	vst v63;
	v63 =	vld [tilespmem:s30+$0x2110];
	_ =	sdelay $0x4  }
0x2a5: {  	[tilespmem:$0x1E910] =	vst v63;
	v63 =	vld [tilespmem:s30+$0x2120];
	_ =	sdelay $0x4  }
0x2a6: {  	[tilespmem:$0x1E920] =	vst v63;
	v63 =	vld [tilespmem:s30+$0x2130];
	_ =	sdelay $0x4  }
0x2a7: {  	[tilespmem:$0x1E930] =	vst v63;
	v63 =	vld [tilespmem:s30+$0x2140];
	_ =	sdelay $0x4  }
0x2a8: {  	[tilespmem:$0x1E940] =	vst v63;
	v63 =	vld [tilespmem:s30+$0x2150];
	_ =	sdelay $0x4  }
0x2a9: {  	[tilespmem:$0x1E950] =	vst v63;
	v63 =	vld [tilespmem:s30+$0x2160];
	_ =	sdelay $0x4  }
0x2aa: {  	[tilespmem:$0x1E960] =	vst v63;
	v63 =	vld [tilespmem:s30+$0x2170];
	_ =	sdelay $0x4  }
0x2ab: {  	[tilespmem:$0x1E970] =	vst v63;
	v63 =	vld [tilespmem:s30+$0x2300];
	_ =	sdelay $0x4  }
0x2ac: {  	[tilespmem:$0x1E980] =	vst v63;
	v63 =	vld [tilespmem:s30+$0x2310];
	_ =	sdelay $0x4  }
0x2ad: {  	[tilespmem:$0x1E990] =	vst v63;
	v63 =	vld [tilespmem:s30+$0x2320];
	_ =	sdelay $0x4  }
0x2ae: {  	[tilespmem:$0x1E9A0] =	vst v63;
	v63 =	vld [tilespmem:s30+$0x2330];
	_ =	sdelay $0x4  }
0x2af: {  	[tilespmem:$0x1E9B0] =	vst v63;
	v63 =	vld [tilespmem:s30+$0x2340];
	_ =	sdelay $0x4  }
0x2b0: {  	[tilespmem:$0x1E9C0] =	vst v63;
	v63 =	vld [tilespmem:s30+$0x2350];
	_ =	sdelay $0x4  }
0x2b1: {  	[tilespmem:$0x1E9D0] =	vst v63;
	v63 =	vld [tilespmem:s30+$0x2360];
	_ =	sdelay $0x4  }
0x2b2: {  	[tilespmem:$0x1E9E0] =	vst v63;
	v63 =	vld [tilespmem:s30+$0x2370];
	_ =	sdelay $0x4  }
0x2b3: {  	[tilespmem:$0x1E9F0] =	vst v63;
	v63 =	vld [tilespmem:s30+$0x2500];
	_ =	sdelay $0x4  }
0x2b4: {  	[tilespmem:$0x1EA00] =	vst v63;
	v63 =	vld [tilespmem:s30+$0x2510];
	_ =	sdelay $0x4  }
0x2b5: {  	[tilespmem:$0x1EA10] =	vst v63;
	v63 =	vld [tilespmem:s30+$0x2520];
	_ =	sdelay $0x4  }
0x2b6: {  	[tilespmem:$0x1EA20] =	vst v63;
	v63 =	vld [tilespmem:s30+$0x2530];
	_ =	sdelay $0x4  }
0x2b7: {  	[tilespmem:$0x1EA30] =	vst v63;
	v63 =	vld [tilespmem:s30+$0x2540];
	_ =	sdelay $0x4  }
0x2b8: {  	[tilespmem:$0x1EA40] =	vst v63;
	v63 =	vld [tilespmem:s30+$0x2550];
	_ =	sdelay $0x4  }
0x2b9: {  	[tilespmem:$0x1EA50] =	vst v63;
	v63 =	vld [tilespmem:s30+$0x2560];
	_ =	sdelay $0x4  }
0x2ba: {  	[tilespmem:$0x1EA60] =	vst v63;
	v63 =	vld [tilespmem:s30+$0x2570];
	_ =	sdelay $0x4  }
0x2bb: {  	[tilespmem:$0x1EA70] =	vst v63;
	v63 =	vld [tilespmem:s30+$0x2700];
	_ =	sdelay $0x4  }
0x2bc: {  	[tilespmem:$0x1EA80] =	vst v63;
	v63 =	vld [tilespmem:s30+$0x2710];
	_ =	sdelay $0x4  }
0x2bd: {  	[tilespmem:$0x1EA90] =	vst v63;
	v63 =	vld [tilespmem:s30+$0x2720];
	_ =	sdelay $0x4  }
0x2be: {  	[tilespmem:$0x1EAA0] =	vst v63;
	v63 =	vld [tilespmem:s30+$0x2730];
	_ =	sdelay $0x4  }
0x2bf: {  	[tilespmem:$0x1EAB0] =	vst v63;
	v63 =	vld [tilespmem:s30+$0x2740];
	_ =	sdelay $0x4  }
0x2c0: {  	[tilespmem:$0x1EAC0] =	vst v63;
	v63 =	vld [tilespmem:s30+$0x2750];
	_ =	sdelay $0x4  }
0x2c1: {  	[tilespmem:$0x1EAD0] =	vst v63;
	v63 =	vld [tilespmem:s30+$0x2760];
	_ =	sdelay $0x4  }
0x2c2: {  	[tilespmem:$0x1EAE0] =	vst v63;
	v63 =	vld [tilespmem:s30+$0x2770];
	_ =	sdelay $0x4  }
0x2c3: {  	[tilespmem:$0x1EAF0] =	vst v63;
	v63 =	vld [tilespmem:s30+$0x2900];
	_ =	sdelay $0x4  }
0x2c4: {  	[tilespmem:$0x1EB00] =	vst v63;
	v63 =	vld [tilespmem:s30+$0x2910];
	_ =	sdelay $0x4  }
0x2c5: {  	[tilespmem:$0x1EB10] =	vst v63;
	v63 =	vld [tilespmem:s30+$0x2920];
	_ =	sdelay $0x4  }
0x2c6: {  	[tilespmem:$0x1EB20] =	vst v63;
	v63 =	vld [tilespmem:s30+$0x2930];
	_ =	sdelay $0x4  }
0x2c7: {  	[tilespmem:$0x1EB30] =	vst v63;
	v63 =	vld [tilespmem:s30+$0x2940];
	_ =	sdelay $0x4  }
0x2c8: {  	[tilespmem:$0x1EB40] =	vst v63;
	v63 =	vld [tilespmem:s30+$0x2950];
	_ =	sdelay $0x4  }
0x2c9: {  	[tilespmem:$0x1EB50] =	vst v63;
	v63 =	vld [tilespmem:s30+$0x2960];
	_ =	sdelay $0x4  }
0x2ca: {  	[tilespmem:$0x1EB60] =	vst v63;
	v63 =	vld [tilespmem:s30+$0x2970];
	_ =	sdelay $0x4  }
0x2cb: {  	[tilespmem:$0x1EB70] =	vst v63;
	v63 =	vld [tilespmem:s30+$0x2B00];
	_ =	sdelay $0x4  }
0x2cc: {  	[tilespmem:$0x1EB80] =	vst v63;
	v63 =	vld [tilespmem:s30+$0x2B10];
	_ =	sdelay $0x4  }
0x2cd: {  	[tilespmem:$0x1EB90] =	vst v63;
	v63 =	vld [tilespmem:s30+$0x2B20];
	_ =	sdelay $0x4  }
0x2ce: {  	[tilespmem:$0x1EBA0] =	vst v63;
	v63 =	vld [tilespmem:s30+$0x2B30];
	_ =	sdelay $0x4  }
0x2cf: {  	[tilespmem:$0x1EBB0] =	vst v63;
	v63 =	vld [tilespmem:s30+$0x2B40];
	_ =	sdelay $0x4  }
0x2d0: {  	[tilespmem:$0x1EBC0] =	vst v63;
	v63 =	vld [tilespmem:s30+$0x2B50];
	_ =	sdelay $0x4  }
0x2d1: {  	[tilespmem:$0x1EBD0] =	vst v63;
	v63 =	vld [tilespmem:s30+$0x2B60];
	_ =	sdelay $0x4  }
0x2d2: {  	[tilespmem:$0x1EBE0] =	vst v63;
	v63 =	vld [tilespmem:s30+$0x2B70];
	_ =	sdelay $0x4  }
0x2d3: {  	[tilespmem:$0x1EBF0] =	vst v63;
	v63 =	vld [tilespmem:s30+$0x2D00];
	_ =	sdelay $0x4  }
0x2d4: {  	[tilespmem:$0x1EC00] =	vst v63;
	v63 =	vld [tilespmem:s30+$0x2D10];
	_ =	sdelay $0x4  }
0x2d5: {  	[tilespmem:$0x1EC10] =	vst v63;
	v63 =	vld [tilespmem:s30+$0x2D20];
	_ =	sdelay $0x4  }
0x2d6: {  	[tilespmem:$0x1EC20] =	vst v63;
	v63 =	vld [tilespmem:s30+$0x2D30];
	_ =	sdelay $0x4  }
0x2d7: {  	[tilespmem:$0x1EC30] =	vst v63;
	v63 =	vld [tilespmem:s30+$0x2D40];
	_ =	sdelay $0x4  }
0x2d8: {  	[tilespmem:$0x1EC40] =	vst v63;
	v63 =	vld [tilespmem:s30+$0x2D50];
	_ =	sdelay $0x4  }
0x2d9: {  	[tilespmem:$0x1EC50] =	vst v63;
	v63 =	vld [tilespmem:s30+$0x2D60];
	_ =	sdelay $0x4  }
0x2da: {  	[tilespmem:$0x1EC60] =	vst v63;
	v63 =	vld [tilespmem:s30+$0x2D70];
	_ =	sdelay $0x4  }
0x2db: {  	[tilespmem:$0x1EC70] =	vst v63;
	v63 =	vld [tilespmem:s30+$0x2F00];
	_ =	sdelay $0x4  }
0x2dc: {  	[tilespmem:$0x1EC80] =	vst v63;
	v63 =	vld [tilespmem:s30+$0x2F10];
	_ =	sdelay $0x4  }
0x2dd: {  	[tilespmem:$0x1EC90] =	vst v63;
	v63 =	vld [tilespmem:s30+$0x2F20];
	_ =	sdelay $0x4  }
0x2de: {  	[tilespmem:$0x1ECA0] =	vst v63;
	v63 =	vld [tilespmem:s30+$0x2F30];
	_ =	sdelay $0x4  }
0x2df: {  	[tilespmem:$0x1ECB0] =	vst v63;
	v63 =	vld [tilespmem:s30+$0x2F40];
	_ =	sdelay $0x4  }
0x2e0: {  	[tilespmem:$0x1ECC0] =	vst v63;
	v63 =	vld [tilespmem:s30+$0x2F50];
	_ =	sdelay $0x4  }
0x2e1: {  	[tilespmem:$0x1ECD0] =	vst v63;
	v63 =	vld [tilespmem:s30+$0x2F60];
	_ =	sdelay $0x4  }
0x2e2: {  	[tilespmem:$0x1ECE0] =	vst v63;
	v63 =	vld [tilespmem:s30+$0x2F70];
	_ =	sdelay $0x4  }
0x2e3: {  	[tilespmem:$0x1ECF0] =	vst v63;
	v63 =	vld [tilespmem:s30+$0x3100];
	_ =	sdelay $0x4  }
0x2e4: {  	[tilespmem:$0x1ED00] =	vst v63;
	v63 =	vld [tilespmem:s30+$0x3110];
	_ =	sdelay $0x4  }
0x2e5: {  	[tilespmem:$0x1ED10] =	vst v63;
	v63 =	vld [tilespmem:s30+$0x3120];
	_ =	sdelay $0x4  }
0x2e6: {  	[tilespmem:$0x1ED20] =	vst v63;
	v63 =	vld [tilespmem:s30+$0x3130];
	_ =	sdelay $0x4  }
0x2e7: {  	[tilespmem:$0x1ED30] =	vst v63;
	v63 =	vld [tilespmem:s30+$0x3140];
	_ =	sdelay $0x4  }
0x2e8: {  	[tilespmem:$0x1ED40] =	vst v63;
	v63 =	vld [tilespmem:s30+$0x3150];
	_ =	sdelay $0x4  }
0x2e9: {  	[tilespmem:$0x1ED50] =	vst v63;
	v63 =	vld [tilespmem:s30+$0x3160];
	_ =	sdelay $0x4  }
0x2ea: {  	[tilespmem:$0x1ED60] =	vst v63;
	v63 =	vld [tilespmem:s30+$0x3170];
	_ =	sdelay $0x4  }
0x2eb: {  	[tilespmem:$0x1ED70] =	vst v63;
	v63 =	vld [tilespmem:s30+$0x3300];
	_ =	sdelay $0x4  }
0x2ec: {  	[tilespmem:$0x1ED80] =	vst v63;
	v63 =	vld [tilespmem:s30+$0x3310];
	_ =	sdelay $0x4  }
0x2ed: {  	[tilespmem:$0x1ED90] =	vst v63;
	v63 =	vld [tilespmem:s30+$0x3320];
	_ =	sdelay $0x4  }
0x2ee: {  	[tilespmem:$0x1EDA0] =	vst v63;
	v63 =	vld [tilespmem:s30+$0x3330];
	_ =	sdelay $0x4  }
0x2ef: {  	[tilespmem:$0x1EDB0] =	vst v63;
	v63 =	vld [tilespmem:s30+$0x3340];
	_ =	sdelay $0x4  }
0x2f0: {  	[tilespmem:$0x1EDC0] =	vst v63;
	v63 =	vld [tilespmem:s30+$0x3350];
	_ =	sdelay $0x4  }
0x2f1: {  	[tilespmem:$0x1EDD0] =	vst v63;
	v63 =	vld [tilespmem:s30+$0x3360];
	_ =	sdelay $0x4  }
0x2f2: {  	[tilespmem:$0x1EDE0] =	vst v63;
	v63 =	vld [tilespmem:s30+$0x3370];
	_ =	sdelay $0x4  }
0x2f3: {  	[tilespmem:$0x1EDF0] =	vst v63;
	v63 =	vld [tilespmem:s30+$0x3500];
	_ =	sdelay $0x4  }
0x2f4: {  	[tilespmem:$0x1EE00] =	vst v63;
	v63 =	vld [tilespmem:s30+$0x3510];
	_ =	sdelay $0x4  }
0x2f5: {  	[tilespmem:$0x1EE10] =	vst v63;
	v63 =	vld [tilespmem:s30+$0x3520];
	_ =	sdelay $0x4  }
0x2f6: {  	[tilespmem:$0x1EE20] =	vst v63;
	v63 =	vld [tilespmem:s30+$0x3530];
	_ =	sdelay $0x4  }
0x2f7: {  	[tilespmem:$0x1EE30] =	vst v63;
	v63 =	vld [tilespmem:s30+$0x3540];
	_ =	sdelay $0x4  }
0x2f8: {  	[tilespmem:$0x1EE40] =	vst v63;
	v63 =	vld [tilespmem:s30+$0x3550];
	_ =	sdelay $0x4  }
0x2f9: {  	[tilespmem:$0x1EE50] =	vst v63;
	v63 =	vld [tilespmem:s30+$0x3560];
	_ =	sdelay $0x4  }
0x2fa: {  	[tilespmem:$0x1EE60] =	vst v63;
	v63 =	vld [tilespmem:s30+$0x3570];
	_ =	sdelay $0x4  }
0x2fb: {  	[tilespmem:$0x1EE70] =	vst v63;
	v63 =	vld [tilespmem:s30+$0x3700];
	_ =	sdelay $0x4  }
0x2fc: {  	[tilespmem:$0x1EE80] =	vst v63;
	v63 =	vld [tilespmem:s30+$0x3710];
	_ =	sdelay $0x4  }
0x2fd: {  	[tilespmem:$0x1EE90] =	vst v63;
	v63 =	vld [tilespmem:s30+$0x3720];
	_ =	sdelay $0x4  }
0x2fe: {  	[tilespmem:$0x1EEA0] =	vst v63;
	v63 =	vld [tilespmem:s30+$0x3730];
	_ =	sdelay $0x4  }
0x2ff: {  	[tilespmem:$0x1EEB0] =	vst v63;
	v63 =	vld [tilespmem:s30+$0x3740];
	_ =	sdelay $0x4  }
0x300: {  	[tilespmem:$0x1EEC0] =	vst v63;
	v63 =	vld [tilespmem:s30+$0x3750];
	_ =	sdelay $0x4  }
0x301: {  	[tilespmem:$0x1EED0] =	vst v63;
	v63 =	vld [tilespmem:s30+$0x3760];
	_ =	sdelay $0x4  }
0x302: {  	[tilespmem:$0x1EEE0] =	vst v63;
	v63 =	vld [tilespmem:s30+$0x3770];
	_ =	sdelay $0x4  }
0x303: {  	[tilespmem:$0x1EEF0] =	vst v63;
	v63 =	vld [tilespmem:s30+$0x3900];
	_ =	sdelay $0x4  }
0x304: {  	[tilespmem:$0x1EF00] =	vst v63;
	v63 =	vld [tilespmem:s30+$0x3910];
	_ =	sdelay $0x4  }
0x305: {  	[tilespmem:$0x1EF10] =	vst v63;
	v63 =	vld [tilespmem:s30+$0x3920];
	_ =	sdelay $0x4  }
0x306: {  	[tilespmem:$0x1EF20] =	vst v63;
	v63 =	vld [tilespmem:s30+$0x3930];
	_ =	sdelay $0x4  }
0x307: {  	[tilespmem:$0x1EF30] =	vst v63;
	v63 =	vld [tilespmem:s30+$0x3940];
	_ =	sdelay $0x4  }
0x308: {  	[tilespmem:$0x1EF40] =	vst v63;
	v63 =	vld [tilespmem:s30+$0x3950];
	_ =	sdelay $0x4  }
0x309: {  	[tilespmem:$0x1EF50] =	vst v63;
	v63 =	vld [tilespmem:s30+$0x3960];
	_ =	sdelay $0x4  }
0x30a: {  	[tilespmem:$0x1EF60] =	vst v63;
	v63 =	vld [tilespmem:s30+$0x3970];
	_ =	sdelay $0x4  }
0x30b: {  	[tilespmem:$0x1EF70] =	vst v63;
	v63 =	vld [tilespmem:s30+$0x3B00];
	_ =	sdelay $0x4  }
0x30c: {  	[tilespmem:$0x1EF80] =	vst v63;
	v63 =	vld [tilespmem:s30+$0x3B10];
	_ =	sdelay $0x4  }
0x30d: {  	[tilespmem:$0x1EF90] =	vst v63;
	v63 =	vld [tilespmem:s30+$0x3B20];
	_ =	sdelay $0x4  }
0x30e: {  	[tilespmem:$0x1EFA0] =	vst v63;
	v63 =	vld [tilespmem:s30+$0x3B30];
	_ =	sdelay $0x4  }
0x30f: {  	[tilespmem:$0x1EFB0] =	vst v63;
	v63 =	vld [tilespmem:s30+$0x3B40];
	_ =	sdelay $0x4  }
0x310: {  	[tilespmem:$0x1EFC0] =	vst v63;
	v63 =	vld [tilespmem:s30+$0x3B50];
	_ =	sdelay $0x4  }
0x311: {  	[tilespmem:$0x1EFD0] =	vst v63;
	v63 =	vld [tilespmem:s30+$0x3B60];
	_ =	sdelay $0x4  }
0x312: {  	[tilespmem:$0x1EFE0] =	vst v63;
	v63 =	vld [tilespmem:s30+$0x3B70];
	_ =	sdelay $0x4  }
0x313: {  	[tilespmem:$0x1EFF0] =	vst v63;
	v63 =	vld [tilespmem:s30+$0x3D00];
	_ =	sdelay $0x4  }
0x314: {  	[tilespmem:$0x1F000] =	vst v63  }
0x315: {  	v63 =	vld [tilespmem:s30+$0x3D10];
	_ =	sdelay $0x4  }
0x316: {  	[tilespmem:$0x1F010] =	vst v63;
	v63 =	vld [tilespmem:s30+$0x3D20];
	_ =	sdelay $0x4  }
0x317: {  	[tilespmem:$0x1F020] =	vst v63;
	v63 =	vld [tilespmem:s30+$0x3D30];
	_ =	sdelay $0x4  }
0x318: {  	[tilespmem:$0x1F030] =	vst v63;
	v63 =	vld [tilespmem:s30+$0x3D40];
	_ =	sdelay $0x4  }
0x319: {  	[tilespmem:$0x1F040] =	vst v63;
	v63 =	vld [tilespmem:s30+$0x3D50];
	_ =	sdelay $0x4  }
0x31a: {  	[tilespmem:$0x1F050] =	vst v63;
	v63 =	vld [tilespmem:s30+$0x3D60];
	_ =	sdelay $0x4  }
0x31b: {  	[tilespmem:$0x1F060] =	vst v63;
	v63 =	vld [tilespmem:s30+$0x3D70];
	_ =	sdelay $0x4  }
0x31c: {  	[tilespmem:$0x1F070] =	vst v63;
	v63 =	vld [tilespmem:s30+$0x3F00];
	_ =	sdelay $0x4  }
0x31d: {  	[tilespmem:$0x1F080] =	vst v63;
	v63 =	vld [tilespmem:s30+$0x3F10];
	_ =	sdelay $0x4  }
0x31e: {  	[tilespmem:$0x1F090] =	vst v63;
	v63 =	vld [tilespmem:s30+$0x3F20];
	_ =	sdelay $0x4  }
0x31f: {  	[tilespmem:$0x1F0A0] =	vst v63;
	v63 =	vld [tilespmem:s30+$0x3F30];
	_ =	sdelay $0x4  }
0x320: {  	[tilespmem:$0x1F0B0] =	vst v63;
	v63 =	vld [tilespmem:s30+$0x3F40];
	_ =	sdelay $0x4  }
0x321: {  	[tilespmem:$0x1F0C0] =	vst v63;
	v63 =	vld [tilespmem:s30+$0x3F50];
	_ =	sdelay $0x4  }
0x322: {  	[tilespmem:$0x1F0D0] =	vst v63;
	v63 =	vld [tilespmem:s30+$0x3F60];
	_ =	sdelay $0x4  }
0x323: {  	[tilespmem:$0x1F0E0] =	vst v63;
	v63 =	vld [tilespmem:s30+$0x3F70];
	_ =	sdelay $0x4  }
0x324: {  	[tilespmem:$0x1F0F0] =	vst v63;
	v63 =	vld [tilespmem:s30+$0x180];
	_ =	sdelay $0x4  }
0x325: {  	[tilespmem:$0x1F100] =	vst v63;
	v63 =	vld [tilespmem:s30+$0x190];
	_ =	sdelay $0x4  }
0x326: {  	[tilespmem:$0x1F110] =	vst v63;
	v63 =	vld [tilespmem:s30+$0x1A0];
	_ =	sdelay $0x4  }
0x327: {  	[tilespmem:$0x1F120] =	vst v63;
	v63 =	vld [tilespmem:s30+$0x1B0];
	_ =	sdelay $0x4  }
0x328: {  	[tilespmem:$0x1F130] =	vst v63;
	v63 =	vld [tilespmem:s30+$0x1C0];
	_ =	sdelay $0x4  }
0x329: {  	[tilespmem:$0x1F140] =	vst v63;
	v63 =	vld [tilespmem:s30+$0x1D0];
	_ =	sdelay $0x4  }
0x32a: {  	[tilespmem:$0x1F150] =	vst v63;
	v63 =	vld [tilespmem:s30+$0x1E0];
	_ =	sdelay $0x4  }
0x32b: {  	[tilespmem:$0x1F160] =	vst v63;
	v63 =	vld [tilespmem:s30+$0x1F0];
	_ =	sdelay $0x4  }
0x32c: {  	[tilespmem:$0x1F170] =	vst v63;
	v63 =	vld [tilespmem:s30+$0x380];
	_ =	sdelay $0x4  }
0x32d: {  	[tilespmem:$0x1F180] =	vst v63;
	v63 =	vld [tilespmem:s30+$0x390];
	_ =	sdelay $0x4  }
0x32e: {  	[tilespmem:$0x1F190] =	vst v63;
	v63 =	vld [tilespmem:s30+$0x3A0];
	_ =	sdelay $0x4  }
0x32f: {  	[tilespmem:$0x1F1A0] =	vst v63;
	v63 =	vld [tilespmem:s30+$0x3B0];
	_ =	sdelay $0x4  }
0x330: {  	[tilespmem:$0x1F1B0] =	vst v63;
	v63 =	vld [tilespmem:s30+$0x3C0];
	_ =	sdelay $0x4  }
0x331: {  	[tilespmem:$0x1F1C0] =	vst v63;
	v63 =	vld [tilespmem:s30+$0x3D0];
	_ =	sdelay $0x4  }
0x332: {  	[tilespmem:$0x1F1D0] =	vst v63;
	v63 =	vld [tilespmem:s30+$0x3E0];
	_ =	sdelay $0x4  }
0x333: {  	[tilespmem:$0x1F1E0] =	vst v63;
	v63 =	vld [tilespmem:s30+$0x3F0];
	_ =	sdelay $0x4  }
0x334: {  	[tilespmem:$0x1F1F0] =	vst v63;
	v63 =	vld [tilespmem:s30+$0x580];
	_ =	sdelay $0x4  }
0x335: {  	[tilespmem:$0x1FFF0] =	vst v63;
	v63 =	vld [tilespmem:s30+$0x590];
	_ =	sdelay $0x4  }
0x336: {  	[tilespmem:$0x1FFE0] =	vst v63;
	v63 =	vld [tilespmem:s30+$0x5A0];
	_ =	sdelay $0x4  }
0x337: {  	[tilespmem:$0x1FFC0] =	vst v63;
	v63 =	vld [tilespmem:s30+$0x5B0];
	_ =	sdelay $0x4  }
0x338: {  	[tilespmem:$0x1FFB0] =	vst v63;
	v63 =	vld [tilespmem:s30+$0x5C0];
	_ =	sdelay $0x4  }
0x339: {  	[tilespmem:$0x1FFA0] =	vst v63;
	v63 =	vld [tilespmem:s30+$0x5D0];
	_ =	sdelay $0x4  }
0x33a: {  	[tilespmem:$0x1FF90] =	vst v63;
	v63 =	vld [tilespmem:s30+$0x5E0];
	_ =	sdelay $0x4  }
0x33b: {  	[tilespmem:$0x1FF80] =	vst v63;
	v63 =	vld [tilespmem:s30+$0x5F0];
	_ =	sdelay $0x4  }
0x33c: {  	[tilespmem:$0x1FF70] =	vst v63;
	v63 =	vld [tilespmem:s30+$0x780];
	_ =	sdelay $0x4  }
0x33d: {  	[tilespmem:$0x1FF60] =	vst v63;
	v63 =	vld [tilespmem:s30+$0x790];
	_ =	sdelay $0x4  }
0x33e: {  	[tilespmem:$0x1FF50] =	vst v63;
	v63 =	vld [tilespmem:s30+$0x7A0];
	_ =	sdelay $0x4  }
0x33f: {  	[tilespmem:$0x1FF40] =	vst v63;
	v63 =	vld [tilespmem:s30+$0x7B0];
	_ =	sdelay $0x4  }
0x340: {  	[tilespmem:$0x1FF30] =	vst v63;
	v63 =	vld [tilespmem:s30+$0x7C0];
	_ =	sdelay $0x4  }
0x341: {  	[tilespmem:$0x1FF20] =	vst v63;
	v63 =	vld [tilespmem:s30+$0x7D0];
	_ =	sdelay $0x4  }
0x342: {  	[tilespmem:$0x1FF10] =	vst v63;
	v63 =	vld [tilespmem:s30+$0x7E0];
	_ =	sdelay $0x4  }
0x343: {  	[tilespmem:$0x1FF00] =	vst v63;
	v63 =	vld [tilespmem:s30+$0x7F0];
	_ =	sdelay $0x4  }
0x344: {  	[tilespmem:$0x1FEF0] =	vst v63;
	v63 =	vld [tilespmem:s30+$0x980];
	_ =	sdelay $0x4  }
0x345: {  	[tilespmem:$0x1FEE0] =	vst v63;
	v63 =	vld [tilespmem:s30+$0x990];
	_ =	sdelay $0x4  }
0x346: {  	[tilespmem:$0x1FED0] =	vst v63;
	v63 =	vld [tilespmem:s30+$0x9A0];
	_ =	sdelay $0x4  }
0x347: {  	[tilespmem:$0x1FEC0] =	vst v63;
	v63 =	vld [tilespmem:s30+$0x9B0];
	_ =	sdelay $0x4  }
0x348: {  	[tilespmem:$0x1FEB0] =	vst v63;
	v63 =	vld [tilespmem:s30+$0x9C0];
	_ =	sdelay $0x4  }
0x349: {  	[tilespmem:$0x1FEA0] =	vst v63;
	v63 =	vld [tilespmem:s30+$0x9D0];
	_ =	sdelay $0x4  }
0x34a: {  	[tilespmem:$0x1FE90] =	vst v63;
	v63 =	vld [tilespmem:s30+$0x9E0];
	_ =	sdelay $0x4  }
0x34b: {  	[tilespmem:$0x1FE80] =	vst v63;
	v63 =	vld [tilespmem:s30+$0xB80];
	_ =	sdelay $0x4  }
0x34c: {  	[tilespmem:$0x1FE70] =	vst v63;
	v63 =	vld [tilespmem:s30+$0x17F0];
	_ =	sdelay $0x4  }
0x34d: {  	[tilespmem:$0x1FBF0] =	vst v63;
	v63 =	vld [tilespmem:s30+$0xBB0];
	_ =	sdelay $0x4  }
0x34e: {  	[tilespmem:$0x1FE60] =	vst v63;
	v63 =	vld [tilespmem:s30+$0xBC0];
	_ =	sdelay $0x4  }
0x34f: {  	[tilespmem:$0x1FE50] =	vst v63;
	v63 =	vld [tilespmem:s30+$0xBE0];
	_ =	sdelay $0x4  }
0x350: {  	[tilespmem:$0x1FE40] =	vst v63;
	v63 =	vld [tilespmem:s30+$0xD80];
	_ =	sdelay $0x4  }
0x351: {  	[tilespmem:$0x1FE30] =	vst v63;
	v63 =	vld [tilespmem:s30+$0xDA0];
	_ =	sdelay $0x4  }
0x352: {  	[tilespmem:$0x1FE20] =	vst v63;
	v63 =	vld [tilespmem:s30+$0xDC0];
	_ =	sdelay $0x4  }
0x353: {  	[tilespmem:$0x1FE10] =	vst v63;
	v63 =	vld [tilespmem:s30+$0xDE0];
	_ =	sdelay $0x4  }
0x354: {  	[tilespmem:$0x1FE00] =	vst v63;
	v63 =	vld [tilespmem:s30+$0xF80];
	_ =	sdelay $0x4  }
0x355: {  	[tilespmem:$0x1FDF0] =	vst v63;
	v63 =	vld [tilespmem:s30+$0xFA0];
	_ =	sdelay $0x4  }
0x356: {  	[tilespmem:$0x1FDE0] =	vst v63;
	v63 =	vld [tilespmem:s30+$0xFC0];
	_ =	sdelay $0x4  }
0x357: {  	[tilespmem:$0x1FDD0] =	vst v63;
	v63 =	vld [tilespmem:s30+$0xFE0];
	_ =	sdelay $0x4  }
0x358: {  	[tilespmem:$0x1FDC0] =	vst v63;
	v63 =	vld [tilespmem:s30+$0x1180];
	_ =	sdelay $0x4  }
0x359: {  	[tilespmem:$0x1FDB0] =	vst v63;
	v63 =	vld [tilespmem:s30+$0x11A0];
	_ =	sdelay $0x4  }
0x35a: {  	[tilespmem:$0x1FDA0] =	vst v63;
	v63 =	vld [tilespmem:s30+$0x11C0];
	_ =	sdelay $0x4  }
0x35b: {  	[tilespmem:$0x1FD90] =	vst v63;
	v63 =	vld [tilespmem:s30+$0x11E0];
	_ =	sdelay $0x4  }
0x35c: {  	[tilespmem:$0x1FD70] =	vst v63;
	v63 =	vld [tilespmem:s30+$0x1380];
	_ =	sdelay $0x4  }
0x35d: {  	[tilespmem:$0x1FD50] =	vst v63;
	v63 =	vld [tilespmem:s30+$0x13A0];
	_ =	sdelay $0x4  }
0x35e: {  	[tilespmem:$0x1FD30] =	vst v63;
	v63 =	vld [tilespmem:s30+$0x13C0];
	_ =	sdelay $0x4  }
0x35f: {  	[tilespmem:$0x1FD10] =	vst v63;
	v63 =	vld [tilespmem:s30+$0x13E0];
	_ =	sdelay $0x4  }
0x360: {  	[tilespmem:$0x1FCF0] =	vst v63;
	v63 =	vld [tilespmem:s30+$0x1580];
	_ =	sdelay $0x4  }
0x361: {  	[tilespmem:$0x1FCD0] =	vst v63;
	v63 =	vld [tilespmem:s30+$0x15A0];
	_ =	sdelay $0x4  }
0x362: {  	[tilespmem:$0x1FCB0] =	vst v63;
	v63 =	vld [tilespmem:s30+$0x15C0];
	_ =	sdelay $0x4  }
0x363: {  	[tilespmem:$0x1FC90] =	vst v63;
	v63 =	vld [tilespmem:s30+$0x15E0];
	_ =	sdelay $0x4  }
0x364: {  	[tilespmem:$0x1FC70] =	vst v63;
	v63 =	vld [tilespmem:s30+$0x1780];
	_ =	sdelay $0x4  }
0x365: {  	[tilespmem:$0x1FC50] =	vst v63;
	v63 =	vld [tilespmem:s30+$0x17A0];
	_ =	sdelay $0x4  }
0x366: {  	[tilespmem:$0x1FC30] =	vst v63;
	v63 =	vld [tilespmem:s30+$0x17C0];
	_ =	sdelay $0x4  }
0x367: {  	[tilespmem:$0x1FC10] =	vst v63;
	v63 =	vld [tilespmem:s30+$0x1990];
	_ =	sdelay $0x4  }
0x368: {  	[tilespmem:$0x1FBD0] =	vst v63;
	v63 =	vld [tilespmem:s30+$0x19A0];
	_ =	sdelay $0x4  }
0x369: {  	[tilespmem:$0x1FBC0] =	vst v63;
	v63 =	vld [tilespmem:s30+$0x3FF0];
	_ =	sdelay $0x4  }
0x36a: {  	[tilespmem:$0x1FFD0] =	vst v63;
	v63 =	vld [tilespmem:s30+$0x3FE0];
	_ =	sdelay $0x4  }
0x36b: {  	[tilespmem:$0x1F200] =	vst v63;
	v63 =	vld [tilespmem:s30+$0x3FD0];
	_ =	sdelay $0x4  }
0x36c: {  	[tilespmem:$0x1F210] =	vst v63;
	v63 =	vld [tilespmem:s30+$0x3FC0];
	_ =	sdelay $0x4  }
0x36d: {  	[tilespmem:$0x1F220] =	vst v63;
	v63 =	vld [tilespmem:s30+$0x3FB0];
	_ =	sdelay $0x4  }
0x36e: {  	[tilespmem:$0x1F230] =	vst v63;
	v63 =	vld [tilespmem:s30+$0x3FA0];
	_ =	sdelay $0x4  }
0x36f: {  	[tilespmem:$0x1F240] =	vst v63;
	v63 =	vld [tilespmem:s30+$0x3F90];
	_ =	sdelay $0x4  }
0x370: {  	[tilespmem:$0x1F250] =	vst v63;
	v63 =	vld [tilespmem:s30+$0x3F80];
	_ =	sdelay $0x4  }
0x371: {  	[tilespmem:$0x1F260] =	vst v63;
	v63 =	vld [tilespmem:s30+$0x3DF0];
	_ =	sdelay $0x4  }
0x372: {  	[tilespmem:$0x1F270] =	vst v63;
	v63 =	vld [tilespmem:s30+$0x3DE0];
	_ =	sdelay $0x4  }
0x373: {  	[tilespmem:$0x1F280] =	vst v63;
	v63 =	vld [tilespmem:s30+$0x3DD0];
	_ =	sdelay $0x4  }
0x374: {  	[tilespmem:$0x1F290] =	vst v63;
	v63 =	vld [tilespmem:s30+$0x3DC0];
	_ =	sdelay $0x4  }
0x375: {  	[tilespmem:$0x1F2A0] =	vst v63;
	v63 =	vld [tilespmem:s30+$0x3DB0];
	_ =	sdelay $0x4  }
0x376: {  	[tilespmem:$0x1F2B0] =	vst v63;
	v63 =	vld [tilespmem:s30+$0x3DA0];
	_ =	sdelay $0x4  }
0x377: {  	[tilespmem:$0x1F2C0] =	vst v63;
	v63 =	vld [tilespmem:s30+$0x3D90];
	_ =	sdelay $0x4  }
0x378: {  	[tilespmem:$0x1F2D0] =	vst v63;
	v63 =	vld [tilespmem:s30+$0x3D80];
	_ =	sdelay $0x4  }
0x379: {  	[tilespmem:$0x1F2E0] =	vst v63;
	v63 =	vld [tilespmem:s30+$0x3BF0];
	_ =	sdelay $0x4  }
0x37a: {  	[tilespmem:$0x1F2F0] =	vst v63;
	v63 =	vld [tilespmem:s30+$0x3BE0];
	_ =	sdelay $0x4  }
0x37b: {  	[tilespmem:$0x1F300] =	vst v63;
	v63 =	vld [tilespmem:s30+$0x3BD0];
	_ =	sdelay $0x4  }
0x37c: {  	[tilespmem:$0x1F310] =	vst v63;
	v63 =	vld [tilespmem:s30+$0x3BC0];
	_ =	sdelay $0x4  }
0x37d: {  	[tilespmem:$0x1F320] =	vst v63;
	v63 =	vld [tilespmem:s30+$0x3BB0];
	_ =	sdelay $0x4  }
0x37e: {  	[tilespmem:$0x1F330] =	vst v63;
	v63 =	vld [tilespmem:s30+$0x3BA0];
	_ =	sdelay $0x4  }
0x37f: {  	[tilespmem:$0x1F340] =	vst v63;
	v63 =	vld [tilespmem:s30+$0x3B90];
	_ =	sdelay $0x4  }
0x380: {  	[tilespmem:$0x1F350] =	vst v63;
	v63 =	vld [tilespmem:s30+$0x3B80];
	_ =	sdelay $0x4  }
0x381: {  	[tilespmem:$0x1F360] =	vst v63;
	v63 =	vld [tilespmem:s30+$0x39F0];
	_ =	sdelay $0x4  }
0x382: {  	[tilespmem:$0x1F370] =	vst v63;
	v63 =	vld [tilespmem:s30+$0x39E0];
	_ =	sdelay $0x4  }
0x383: {  	[tilespmem:$0x1F380] =	vst v63;
	v63 =	vld [tilespmem:s30+$0x39D0];
	_ =	sdelay $0x4  }
0x384: {  	[tilespmem:$0x1F390] =	vst v63;
	v63 =	vld [tilespmem:s30+$0x39C0];
	_ =	sdelay $0x4  }
0x385: {  	[tilespmem:$0x1F3A0] =	vst v63;
	v63 =	vld [tilespmem:s30+$0x39B0];
	_ =	sdelay $0x4  }
0x386: {  	[tilespmem:$0x1F3B0] =	vst v63;
	v63 =	vld [tilespmem:s30+$0x39A0];
	_ =	sdelay $0x4  }
0x387: {  	[tilespmem:$0x1F3C0] =	vst v63;
	v63 =	vld [tilespmem:s30+$0x3990];
	_ =	sdelay $0x4  }
0x388: {  	[tilespmem:$0x1F3D0] =	vst v63;
	v63 =	vld [tilespmem:s30+$0x3980];
	_ =	sdelay $0x4  }
0x389: {  	[tilespmem:$0x1F3E0] =	vst v63;
	v63 =	vld [tilespmem:s30+$0x37F0];
	_ =	sdelay $0x4  }
0x38a: {  	[tilespmem:$0x1F3F0] =	vst v63;
	v63 =	vld [tilespmem:s30+$0x37E0];
	_ =	sdelay $0x4  }
0x38b: {  	[tilespmem:$0x1F400] =	vst v63;
	v63 =	vld [tilespmem:s30+$0x37D0];
	_ =	sdelay $0x4  }
0x38c: {  	[tilespmem:$0x1F410] =	vst v63;
	v63 =	vld [tilespmem:s30+$0x37C0];
	_ =	sdelay $0x4  }
0x38d: {  	[tilespmem:$0x1F420] =	vst v63;
	v63 =	vld [tilespmem:s30+$0x37B0];
	_ =	sdelay $0x4  }
0x38e: {  	[tilespmem:$0x1F430] =	vst v63;
	v63 =	vld [tilespmem:s30+$0x37A0];
	_ =	sdelay $0x4  }
0x38f: {  	[tilespmem:$0x1F440] =	vst v63;
	v63 =	vld [tilespmem:s30+$0x3790];
	_ =	sdelay $0x4  }
0x390: {  	[tilespmem:$0x1F450] =	vst v63;
	v63 =	vld [tilespmem:s30+$0x3780];
	_ =	sdelay $0x4  }
0x391: {  	[tilespmem:$0x1F460] =	vst v63;
	v63 =	vld [tilespmem:s30+$0x35F0];
	_ =	sdelay $0x4  }
0x392: {  	[tilespmem:$0x1F470] =	vst v63;
	v63 =	vld [tilespmem:s30+$0x35E0];
	_ =	sdelay $0x4  }
0x393: {  	[tilespmem:$0x1F480] =	vst v63;
	v63 =	vld [tilespmem:s30+$0x35D0];
	_ =	sdelay $0x4  }
0x394: {  	[tilespmem:$0x1F490] =	vst v63;
	v63 =	vld [tilespmem:s30+$0x35C0];
	_ =	sdelay $0x4  }
0x395: {  	[tilespmem:$0x1F4A0] =	vst v63;
	v63 =	vld [tilespmem:s30+$0x35B0];
	_ =	sdelay $0x4  }
0x396: {  	[tilespmem:$0x1F4B0] =	vst v63;
	v63 =	vld [tilespmem:s30+$0x35A0];
	_ =	sdelay $0x4  }
0x397: {  	[tilespmem:$0x1F4C0] =	vst v63;
	v63 =	vld [tilespmem:s30+$0x3590];
	_ =	sdelay $0x4  }
0x398: {  	[tilespmem:$0x1F4D0] =	vst v63;
	v63 =	vld [tilespmem:s30+$0x3580];
	_ =	sdelay $0x4  }
0x399: {  	[tilespmem:$0x1F4E0] =	vst v63;
	v63 =	vld [tilespmem:s30+$0x33F0];
	_ =	sdelay $0x4  }
0x39a: {  	[tilespmem:$0x1F4F0] =	vst v63;
	v63 =	vld [tilespmem:s30+$0x33E0];
	_ =	sdelay $0x4  }
0x39b: {  	[tilespmem:$0x1F500] =	vst v63;
	v63 =	vld [tilespmem:s30+$0x33D0];
	_ =	sdelay $0x4  }
0x39c: {  	[tilespmem:$0x1F510] =	vst v63;
	v63 =	vld [tilespmem:s30+$0x33C0];
	_ =	sdelay $0x4  }
0x39d: {  	[tilespmem:$0x1F520] =	vst v63;
	v63 =	vld [tilespmem:s30+$0x33B0];
	_ =	sdelay $0x4  }
0x39e: {  	[tilespmem:$0x1F530] =	vst v63;
	v63 =	vld [tilespmem:s30+$0x33A0];
	_ =	sdelay $0x4  }
0x39f: {  	[tilespmem:$0x1F540] =	vst v63;
	v63 =	vld [tilespmem:s30+$0x3390];
	_ =	sdelay $0x4  }
0x3a0: {  	[tilespmem:$0x1F550] =	vst v63;
	v63 =	vld [tilespmem:s30+$0x3380];
	_ =	sdelay $0x4  }
0x3a1: {  	[tilespmem:$0x1F560] =	vst v63;
	v63 =	vld [tilespmem:s30+$0x31F0];
	_ =	sdelay $0x4  }
0x3a2: {  	[tilespmem:$0x1F570] =	vst v63;
	v63 =	vld [tilespmem:s30+$0x31E0];
	_ =	sdelay $0x4  }
0x3a3: {  	[tilespmem:$0x1F580] =	vst v63;
	v63 =	vld [tilespmem:s30+$0x31D0];
	_ =	sdelay $0x4  }
0x3a4: {  	[tilespmem:$0x1F590] =	vst v63;
	v63 =	vld [tilespmem:s30+$0x31C0];
	_ =	sdelay $0x4  }
0x3a5: {  	[tilespmem:$0x1F5A0] =	vst v63;
	v63 =	vld [tilespmem:s30+$0x31B0];
	_ =	sdelay $0x4  }
0x3a6: {  	[tilespmem:$0x1F5B0] =	vst v63;
	v63 =	vld [tilespmem:s30+$0x31A0];
	_ =	sdelay $0x4  }
0x3a7: {  	[tilespmem:$0x1F5C0] =	vst v63;
	v63 =	vld [tilespmem:s30+$0x3190];
	_ =	sdelay $0x4  }
0x3a8: {  	[tilespmem:$0x1F5D0] =	vst v63;
	v63 =	vld [tilespmem:s30+$0x3180];
	_ =	sdelay $0x4  }
0x3a9: {  	[tilespmem:$0x1F5E0] =	vst v63;
	v63 =	vld [tilespmem:s30+$0x2FF0];
	_ =	sdelay $0x4  }
0x3aa: {  	[tilespmem:$0x1F5F0] =	vst v63;
	v63 =	vld [tilespmem:s30+$0x2FE0];
	_ =	sdelay $0x4  }
0x3ab: {  	[tilespmem:$0x1F600] =	vst v63;
	v63 =	vld [tilespmem:s30+$0x2FD0];
	_ =	sdelay $0x4  }
0x3ac: {  	[tilespmem:$0x1F610] =	vst v63;
	v63 =	vld [tilespmem:s30+$0x2FC0];
	_ =	sdelay $0x4  }
0x3ad: {  	[tilespmem:$0x1F620] =	vst v63;
	v63 =	vld [tilespmem:s30+$0x2FB0];
	_ =	sdelay $0x4  }
0x3ae: {  	[tilespmem:$0x1F630] =	vst v63;
	v63 =	vld [tilespmem:s30+$0x2FA0];
	_ =	sdelay $0x4  }
0x3af: {  	[tilespmem:$0x1F640] =	vst v63;
	v63 =	vld [tilespmem:s30+$0x2F90];
	_ =	sdelay $0x4  }
0x3b0: {  	[tilespmem:$0x1F650] =	vst v63;
	v63 =	vld [tilespmem:s30+$0x2F80];
	_ =	sdelay $0x4  }
0x3b1: {  	[tilespmem:$0x1F660] =	vst v63;
	v63 =	vld [tilespmem:s30+$0x2DF0];
	_ =	sdelay $0x4  }
0x3b2: {  	[tilespmem:$0x1F670] =	vst v63;
	v63 =	vld [tilespmem:s30+$0x2DE0];
	_ =	sdelay $0x4  }
0x3b3: {  	[tilespmem:$0x1F680] =	vst v63;
	v63 =	vld [tilespmem:s30+$0x2DD0];
	_ =	sdelay $0x4  }
0x3b4: {  	[tilespmem:$0x1F690] =	vst v63;
	v63 =	vld [tilespmem:s30+$0x2DC0];
	_ =	sdelay $0x4  }
0x3b5: {  	[tilespmem:$0x1F6A0] =	vst v63;
	v63 =	vld [tilespmem:s30+$0x2DB0];
	_ =	sdelay $0x4  }
0x3b6: {  	[tilespmem:$0x1F6B0] =	vst v63;
	v63 =	vld [tilespmem:s30+$0x2DA0];
	_ =	sdelay $0x4  }
0x3b7: {  	[tilespmem:$0x1F6C0] =	vst v63;
	v63 =	vld [tilespmem:s30+$0x2D90];
	_ =	sdelay $0x4  }
0x3b8: {  	[tilespmem:$0x1F6D0] =	vst v63;
	v63 =	vld [tilespmem:s30+$0x2D80];
	_ =	sdelay $0x4  }
0x3b9: {  	[tilespmem:$0x1F6E0] =	vst v63;
	v63 =	vld [tilespmem:s30+$0x2BF0];
	_ =	sdelay $0x4  }
0x3ba: {  	[tilespmem:$0x1F6F0] =	vst v63;
	v63 =	vld [tilespmem:s30+$0x2BE0];
	_ =	sdelay $0x4  }
0x3bb: {  	[tilespmem:$0x1F700] =	vst v63;
	v63 =	vld [tilespmem:s30+$0x2BD0];
	_ =	sdelay $0x4  }
0x3bc: {  	[tilespmem:$0x1F710] =	vst v63;
	v63 =	vld [tilespmem:s30+$0x2BC0];
	_ =	sdelay $0x4  }
0x3bd: {  	[tilespmem:$0x1F720] =	vst v63;
	v63 =	vld [tilespmem:s30+$0x2BB0];
	_ =	sdelay $0x4  }
0x3be: {  	[tilespmem:$0x1F730] =	vst v63;
	v63 =	vld [tilespmem:s30+$0x2BA0];
	_ =	sdelay $0x4  }
0x3bf: {  	[tilespmem:$0x1F740] =	vst v63;
	v63 =	vld [tilespmem:s30+$0x2B90];
	_ =	sdelay $0x4  }
0x3c0: {  	[tilespmem:$0x1F750] =	vst v63;
	v63 =	vld [tilespmem:s30+$0x2B80];
	_ =	sdelay $0x4  }
0x3c1: {  	[tilespmem:$0x1F760] =	vst v63;
	v63 =	vld [tilespmem:s30+$0x29F0];
	_ =	sdelay $0x4  }
0x3c2: {  	[tilespmem:$0x1F770] =	vst v63;
	v63 =	vld [tilespmem:s30+$0x29E0];
	_ =	sdelay $0x4  }
0x3c3: {  	[tilespmem:$0x1F780] =	vst v63;
	v63 =	vld [tilespmem:s30+$0x29D0];
	_ =	sdelay $0x4  }
0x3c4: {  	[tilespmem:$0x1F790] =	vst v63;
	v63 =	vld [tilespmem:s30+$0x29C0];
	_ =	sdelay $0x4  }
0x3c5: {  	[tilespmem:$0x1F7A0] =	vst v63;
	v63 =	vld [tilespmem:s30+$0x29B0];
	_ =	sdelay $0x4  }
0x3c6: {  	[tilespmem:$0x1F7B0] =	vst v63;
	v63 =	vld [tilespmem:s30+$0x29A0];
	_ =	sdelay $0x4  }
0x3c7: {  	[tilespmem:$0x1F7C0] =	vst v63;
	v63 =	vld [tilespmem:s30+$0x2990];
	_ =	sdelay $0x4  }
0x3c8: {  	[tilespmem:$0x1F7D0] =	vst v63;
	v63 =	vld [tilespmem:s30+$0x2980];
	_ =	sdelay $0x4  }
0x3c9: {  	[tilespmem:$0x1F7E0] =	vst v63;
	v63 =	vld [tilespmem:s30+$0x27F0];
	_ =	sdelay $0x4  }
0x3ca: {  	[tilespmem:$0x1F7F0] =	vst v63;
	v63 =	vld [tilespmem:s30+$0x27E0];
	_ =	sdelay $0x4  }
0x3cb: {  	[tilespmem:$0x1F800] =	vst v63;
	v63 =	vld [tilespmem:s30+$0x27D0];
	_ =	sdelay $0x4  }
0x3cc: {  	[tilespmem:$0x1F810] =	vst v63;
	v63 =	vld [tilespmem:s30+$0x27C0];
	_ =	sdelay $0x4  }
0x3cd: {  	[tilespmem:$0x1F820] =	vst v63;
	v63 =	vld [tilespmem:s30+$0x27B0];
	_ =	sdelay $0x4  }
0x3ce: {  	[tilespmem:$0x1F830] =	vst v63;
	v63 =	vld [tilespmem:s30+$0x27A0];
	_ =	sdelay $0x4  }
0x3cf: {  	[tilespmem:$0x1F840] =	vst v63;
	v63 =	vld [tilespmem:s30+$0x2790];
	_ =	sdelay $0x4  }
0x3d0: {  	[tilespmem:$0x1F850] =	vst v63;
	v63 =	vld [tilespmem:s30+$0x2780];
	_ =	sdelay $0x4  }
0x3d1: {  	[tilespmem:$0x1F860] =	vst v63;
	v63 =	vld [tilespmem:s30+$0x25F0];
	_ =	sdelay $0x4  }
0x3d2: {  	[tilespmem:$0x1F870] =	vst v63;
	v63 =	vld [tilespmem:s30+$0x25E0];
	_ =	sdelay $0x4  }
0x3d3: {  	[tilespmem:$0x1F880] =	vst v63;
	v63 =	vld [tilespmem:s30+$0x25D0];
	_ =	sdelay $0x4  }
0x3d4: {  	[tilespmem:$0x1F890] =	vst v63;
	v63 =	vld [tilespmem:s30+$0x25C0];
	_ =	sdelay $0x4  }
0x3d5: {  	[tilespmem:$0x1F8A0] =	vst v63;
	v63 =	vld [tilespmem:s30+$0x25B0];
	_ =	sdelay $0x4  }
0x3d6: {  	[tilespmem:$0x1F8B0] =	vst v63;
	v63 =	vld [tilespmem:s30+$0x25A0];
	_ =	sdelay $0x4  }
0x3d7: {  	[tilespmem:$0x1F8C0] =	vst v63;
	v63 =	vld [tilespmem:s30+$0x2590];
	_ =	sdelay $0x4  }
0x3d8: {  	[tilespmem:$0x1F8D0] =	vst v63;
	v63 =	vld [tilespmem:s30+$0x2580];
	_ =	sdelay $0x4  }
0x3d9: {  	[tilespmem:$0x1F8E0] =	vst v63;
	v63 =	vld [tilespmem:s30+$0x23F0];
	_ =	sdelay $0x4  }
0x3da: {  	[tilespmem:$0x1F8F0] =	vst v63;
	v63 =	vld [tilespmem:s30+$0x23E0];
	_ =	sdelay $0x4  }
0x3db: {  	[tilespmem:$0x1F900] =	vst v63;
	v63 =	vld [tilespmem:s30+$0x23D0];
	_ =	sdelay $0x4  }
0x3dc: {  	[tilespmem:$0x1F910] =	vst v63;
	v63 =	vld [tilespmem:s30+$0x23C0];
	_ =	sdelay $0x4  }
0x3dd: {  	[tilespmem:$0x1F920] =	vst v63;
	v63 =	vld [tilespmem:s30+$0x23B0];
	_ =	sdelay $0x4  }
0x3de: {  	[tilespmem:$0x1F930] =	vst v63;
	v63 =	vld [tilespmem:s30+$0x23A0];
	_ =	sdelay $0x4  }
0x3df: {  	[tilespmem:$0x1F940] =	vst v63;
	v63 =	vld [tilespmem:s30+$0x2390];
	_ =	sdelay $0x4  }
0x3e0: {  	[tilespmem:$0x1F950] =	vst v63;
	v63 =	vld [tilespmem:s30+$0x2380];
	_ =	sdelay $0x4  }
0x3e1: {  	[tilespmem:$0x1F960] =	vst v63;
	v63 =	vld [tilespmem:s30+$0x21F0];
	_ =	sdelay $0x4  }
0x3e2: {  	[tilespmem:$0x1F970] =	vst v63;
	v63 =	vld [tilespmem:s30+$0x21E0];
	_ =	sdelay $0x4  }
0x3e3: {  	[tilespmem:$0x1F980] =	vst v63;
	v63 =	vld [tilespmem:s30+$0x21D0];
	_ =	sdelay $0x4  }
0x3e4: {  	[tilespmem:$0x1F990] =	vst v63;
	v63 =	vld [tilespmem:s30+$0x21C0];
	_ =	sdelay $0x4  }
0x3e5: {  	[tilespmem:$0x1F9A0] =	vst v63;
	v63 =	vld [tilespmem:s30+$0x21B0];
	_ =	sdelay $0x4  }
0x3e6: {  	[tilespmem:$0x1F9B0] =	vst v63;
	v63 =	vld [tilespmem:s30+$0x21A0];
	_ =	sdelay $0x4  }
0x3e7: {  	[tilespmem:$0x1F9C0] =	vst v63;
	v63 =	vld [tilespmem:s30+$0x2190];
	_ =	sdelay $0x4  }
0x3e8: {  	[tilespmem:$0x1F9D0] =	vst v63;
	v63 =	vld [tilespmem:s30+$0x2180];
	_ =	sdelay $0x4  }
0x3e9: {  	[tilespmem:$0x1F9E0] =	vst v63;
	v63 =	vld [tilespmem:s30+$0x1FF0];
	_ =	sdelay $0x4  }
0x3ea: {  	[tilespmem:$0x1F9F0] =	vst v63;
	v63 =	vld [tilespmem:s30+$0x1FE0];
	_ =	sdelay $0x4  }
0x3eb: {  	[tilespmem:$0x1FA00] =	vst v63;
	v63 =	vld [tilespmem:s30+$0x1FD0];
	_ =	sdelay $0x4  }
0x3ec: {  	[tilespmem:$0x1FA10] =	vst v63;
	v63 =	vld [tilespmem:s30+$0x1FC0];
	_ =	sdelay $0x4  }
0x3ed: {  	[tilespmem:$0x1FA20] =	vst v63;
	v63 =	vld [tilespmem:s30+$0x1FB0];
	_ =	sdelay $0x4  }
0x3ee: {  	[tilespmem:$0x1FA30] =	vst v63;
	v63 =	vld [tilespmem:s30+$0x1FA0];
	_ =	sdelay $0x4  }
0x3ef: {  	[tilespmem:$0x1FA40] =	vst v63;
	v63 =	vld [tilespmem:s30+$0x1F90];
	_ =	sdelay $0x4  }
0x3f0: {  	[tilespmem:$0x1FA50] =	vst v63;
	v63 =	vld [tilespmem:s30+$0x1F80];
	_ =	sdelay $0x4  }
0x3f1: {  	[tilespmem:$0x1FA60] =	vst v63;
	v63 =	vld [tilespmem:s30+$0x1DF0];
	_ =	sdelay $0x4  }
0x3f2: {  	[tilespmem:$0x1FA70] =	vst v63;
	v63 =	vld [tilespmem:s30+$0x1DE0];
	_ =	sdelay $0x4  }
0x3f3: {  	[tilespmem:$0x1FA80] =	vst v63;
	v63 =	vld [tilespmem:s30+$0x1DD0];
	_ =	sdelay $0x4  }
0x3f4: {  	[tilespmem:$0x1FA90] =	vst v63;
	v63 =	vld [tilespmem:s30+$0x1DC0];
	_ =	sdelay $0x4  }
0x3f5: {  	[tilespmem:$0x1FAA0] =	vst v63;
	v63 =	vld [tilespmem:s30+$0x1DB0];
	_ =	sdelay $0x4  }
0x3f6: {  	[tilespmem:$0x1FAB0] =	vst v63;
	v63 =	vld [tilespmem:s30+$0x1DA0];
	_ =	sdelay $0x4  }
0x3f7: {  	[tilespmem:$0x1FAC0] =	vst v63;
	v63 =	vld [tilespmem:s30+$0x1D90];
	_ =	sdelay $0x4  }
0x3f8: {  	[tilespmem:$0x1FAD0] =	vst v63;
	v63 =	vld [tilespmem:s30+$0x1D80];
	_ =	sdelay $0x4  }
0x3f9: {  	[tilespmem:$0x1FAE0] =	vst v63;
	v63 =	vld [tilespmem:s30+$0x1BF0];
	_ =	sdelay $0x4  }
0x3fa: {  	[tilespmem:$0x1FAF0] =	vst v63;
	v63 =	vld [tilespmem:s30+$0x1BE0];
	_ =	sdelay $0x4  }
0x3fb: {  	[tilespmem:$0x1FB00] =	vst v63;
	v63 =	vld [tilespmem:s30+$0x1BD0];
	_ =	sdelay $0x4  }
0x3fc: {  	[tilespmem:$0x1FB10] =	vst v63;
	v63 =	vld [tilespmem:s30+$0x1BC0];
	_ =	sdelay $0x4  }
0x3fd: {  	[tilespmem:$0x1FB20] =	vst v63;
	v63 =	vld [tilespmem:s30+$0x1BB0];
	_ =	sdelay $0x4  }
0x3fe: {  	[tilespmem:$0x1FB30] =	vst v63;
	v63 =	vld [tilespmem:s30+$0x1BA0];
	_ =	sdelay $0x4  }
0x3ff: {  	[tilespmem:$0x1FB40] =	vst v63;
	v63 =	vld [tilespmem:s30+$0x1B90];
	_ =	sdelay $0x4  }
0x400: {  	[tilespmem:$0x1FB50] =	vst v63;
	v63 =	vld [tilespmem:s30+$0x1B80];
	_ =	sdelay $0x4  }
0x401: {  	[tilespmem:$0x1FB60] =	vst v63;
	v63 =	vld [tilespmem:s30+$0x19F0];
	_ =	sdelay $0x4  }
0x402: {  	[tilespmem:$0x1FB70] =	vst v63;
	v63 =	vld [tilespmem:s30+$0x19E0];
	_ =	sdelay $0x4  }
0x403: {  	[tilespmem:$0x1FB80] =	vst v63;
	v63 =	vld [tilespmem:s30+$0x19D0];
	_ =	sdelay $0x4  }
0x404: {  	[tilespmem:$0x1FB90] =	vst v63;
	v63 =	vld [tilespmem:s30+$0x19C0];
	_ =	sdelay $0x4  }
0x405: {  	[tilespmem:$0x1FBA0] =	vst v63;
	v63 =	vld [tilespmem:s30+$0x19B0];
	_ =	sdelay $0x1  }
0x406: {  	s18 =	sand.u32 $0x1, s14;
	v1 =	vmul.f32 $1.562500000e-02, v1  }
0x407: {  	s31 =	sshll.u32 s18, $0xE  }
0x408: {  	[tilespmem:s31+$0x8410] =	vst v1;
	v1 =	vmul.f32 $1.562500000e-02, v3  }
0x409: {  	v0 =	vmul.f32 $1.562500000e-02, v0;
	[tilespmem:$0x1FBB0] =	vst v63;
	v63 =	vld [tilespmem:s30+$0x1980]  }
0x40a: {  	[tilespmem:s31+$0x8430] =	vst v1;
	v1 =	vmul.f32 $1.562500000e-02, v5;
	v5 =	vld [tilespmem:s30+$0x15F0]  }
0x40b: {  	[tilespmem:s31+$0x8400] =	vst v0;
	v0 =	vmul.f32 $1.562500000e-02, v2  }
0x40c: {  	v2 =	vld [tilespmem:s30+$0x17B0]  }
0x40d: {  	[tilespmem:s31+$0x8420] =	vst v0;
	v0 =	vmul.f32 $1.562500000e-02, v4;
	v4 =	vld [tilespmem:s30+$0x1790]  }
0x40e: {  	[tilespmem:$0x1FBE0] =	vst v63;
	v63 =	vld [tilespmem:s30+$0x17E0]  }
0x40f: {  	[tilespmem:$0x1FC60] =	vst v5;
	v5 =	vld [tilespmem:s30+$0x15D0]  }
0x410: {  	[tilespmem:s31+$0x8440] =	vst v0  }
0x411: {  	[tilespmem:$0x1FC20] =	vst v2  }
0x412: {  	[tilespmem:$0x1FC40] =	vst v4  }
0x413: {  	[tilespmem:$0x1FC00] =	vst v63  }
0x414: {  	v4 =	vmul.f32 $1.562500000e-02, v8;
	v63 =	vld [tilespmem:s30+$0x17D0];
	[tilespmem:$0x1FC80] =	vst v5  }
0x415: {  	v8 =	vmul.f32 $1.562500000e-02, v6;
	[tilespmem:s31+$0x8450] =	vst v1  }
0x416: {  	v6 =	vmul.f32 $1.562500000e-02, v10;
	[tilespmem:s31+$0x8000] =	vst v4  }
0x417: {  	v10 =	vmul.f32 $1.562500000e-02, v12;
	[tilespmem:s31+$0x8460] =	vst v8  }
0x418: {  	v21 =	vmul.f32 $1.562500000e-02, v21;
	[tilespmem:s31+$0x8010] =	vst v6  }
0x419: {  	v26 =	vmul.f32 $1.562500000e-02, v26;
	[tilespmem:s31+$0x8020] =	vst v10  }
0x41a: {  	v27 =	vmul.f32 $1.562500000e-02, v27;
	[tilespmem:s31+$0x8610] =	vst v21  }
0x41b: {  	v29 =	vmul.f32 $1.562500000e-02, v29;
	[tilespmem:s31+$0x8640] =	vst v26  }
0x41c: {  	v30 =	vmul.f32 $1.562500000e-02, v30;
	[tilespmem:s31+$0x8650] =	vst v27  }
0x41d: {  	v31 =	vmul.f32 $1.562500000e-02, v31;
	[tilespmem:s31+$0x8660] =	vst v29  }
0x41e: {  	v32 =	vmul.f32 $1.562500000e-02, v32;
	[tilespmem:s31+$0x8670] =	vst v30  }
0x41f: {  	v35 =	vmul.f32 $1.562500000e-02, v35;
	[tilespmem:s31+$0x8800] =	vst v31  }
0x420: {  	v36 =	vmul.f32 $1.562500000e-02, v36;
	[tilespmem:s31+$0x8810] =	vst v32  }
0x421: {  	v37 =	vmul.f32 $1.562500000e-02, v37;
	[tilespmem:s31+$0x8830] =	vst v35  }
0x422: {  	v38 =	vmul.f32 $1.562500000e-02, v38;
	[tilespmem:s31+$0x8840] =	vst v36  }
0x423: {  	v39 =	vmul.f32 $1.562500000e-02, v39;
	[tilespmem:s31+$0x8850] =	vst v37  }
0x424: {  	v40 =	vmul.f32 $1.562500000e-02, v40;
	[tilespmem:s31+$0x8860] =	vst v38  }
0x425: {  	v41 =	vmul.f32 $1.562500000e-02, v41;
	[tilespmem:s31+$0x8870] =	vst v39  }
0x426: {  	v42 =	vmul.f32 $1.562500000e-02, v42;
	[tilespmem:s31+$0x8A00] =	vst v40  }
0x427: {  	v43 =	vmul.f32 $1.562500000e-02, v43;
	[tilespmem:s31+$0x8A10] =	vst v41  }
0x428: {  	v44 =	vmul.f32 $1.562500000e-02, v44;
	[tilespmem:s31+$0x8A20] =	vst v42  }
0x429: {  	v45 =	vmul.f32 $1.562500000e-02, v45;
	[tilespmem:s31+$0x8A30] =	vst v43  }
0x42a: {  	v46 =	vmul.f32 $1.562500000e-02, v46;
	[tilespmem:s31+$0x8A40] =	vst v44  }
0x42b: {  	v47 =	vmul.f32 $1.562500000e-02, v47;
	[tilespmem:s31+$0x8A50] =	vst v45  }
0x42c: {  	v48 =	vmul.f32 $1.562500000e-02, v48;
	[tilespmem:s31+$0x8A60] =	vst v46  }
0x42d: {  	v49 =	vmul.f32 $1.562500000e-02, v49;
	[tilespmem:s31+$0x8A70] =	vst v47  }
0x42e: {  	v50 =	vmul.f32 $1.562500000e-02, v50;
	[tilespmem:s31+$0x8C00] =	vst v48  }
0x42f: {  	v4 =	vmul.f32 $1.562500000e-02, v7;
	[tilespmem:s31+$0x8C10] =	vst v49  }
0x430: {  	v8 =	vmul.f32 $1.562500000e-02, v9;
	[tilespmem:s31+$0x8C20] =	vst v50  }
0x431: {  	v6 =	vmul.f32 $1.562500000e-02, v14;
	[tilespmem:s31+$0x8200] =	vst v4  }
0x432: {  	v10 =	vmul.f32 $1.562500000e-02, v16;
	[tilespmem:s31+$0x8210] =	vst v8  }
0x433: {  	v21 =	vmul.f32 $1.562500000e-02, v55;
	[tilespmem:s31+$0x8030] =	vst v6  }
0x434: {  	v26 =	vmul.f32 $1.562500000e-02, v60;
	[tilespmem:s31+$0x8040] =	vst v10  }
0x435: {  	v27 =	vmul.f32 $1.562500000e-02, v61;
	[tilespmem:s31+$0x8C70] =	vst v21  }
0x436: {  	v4 =	vmul.f32 $1.562500000e-02, v11;
	[tilespmem:s31+$0x8E40] =	vst v26  }
0x437: {  	v8 =	vmul.f32 $1.562500000e-02, v13;
	[tilespmem:s31+$0x8E50] =	vst v27  }
0x438: {  	v11 =	vmul.f32 $1.562500000e-02, v15;
	[tilespmem:s31+$0x8220] =	vst v4  }
0x439: {  	v2 =	vld [tilespmem:s30+$0x15B0];
	v6 =	vmul.f32 $1.562500000e-02, v24;
	[tilespmem:s31+$0x8230] =	vst v8  }
0x43a: {  	v5 =	vld [tilespmem:s30+$0x1590];
	v24 =	vmul.f32 $1.562500000e-02, v22;
	[tilespmem:s31+$0x8240] =	vst v11  }
0x43b: {  	v7 =	vld [tilespmem:s30+$0x13F0];
	v22 =	vmul.f32 $1.562500000e-02, v56;
	[tilespmem:s31+$0x8060] =	vst v6  }
0x43c: {  	v9 =	vld [tilespmem:s30+$0x13D0];
	[tilespmem:s31+$0x8620] =	vst v24  }
0x43d: {  	v12 =	vld [tilespmem:s30+$0x13B0];
	[tilespmem:s31+$0x8E00] =	vst v22  }
0x43e: {  	[tilespmem:$0x1FCA0] =	vst v2  }
0x43f: {  	[tilespmem:$0x1FCC0] =	vst v5  }
0x440: {  	[tilespmem:$0x1FCE0] =	vst v7  }
0x441: {  	v29 =	vld [tilespmem:$0x1C4F0];
	v4 =	vmul.f32 $1.562500000e-02, v20;
	[tilespmem:$0x1FD00] =	vst v9  }
0x442: {  	v30 =	vld [tilespmem:$0x1C500];
	v20 =	vmul.f32 $1.562500000e-02, v18;
	[tilespmem:$0x1FD20] =	vst v12  }
0x443: {  	v31 =	vld [tilespmem:$0x1C510];
	v18 =	vmul.f32 $1.562500000e-02, v52;
	[tilespmem:s31+$0x8050] =	vst v4  }
0x444: {  	v32 =	vld [tilespmem:$0x1C520];
	v24 =	vmul.f32 $1.562500000e-02, v58;
	[tilespmem:s31+$0x8600] =	vst v20  }
0x445: {  	[tilespmem:s31+$0x8C40] =	vst v18;
	v20 =	vmul.f32 $1.562500000e-02, v54  }
0x446: {  	[tilespmem:s31+$0x8E20] =	vst v24;
	v1 =	vmul.f32 $1.562500000e-02, v29  }
0x447: {  	v5 =	vld [tilespmem:s30+$0x1390];
	v0 =	vmul.f32 $1.562500000e-02, v30;
	[tilespmem:s31+$0x8C60] =	vst v20  }
0x448: {  	v7 =	vld [tilespmem:s30+$0x11F0];
	[tilespmem:s31+$0x8E70] =	vst v1;
	v1 =	vmul.f32 $1.562500000e-02, v31  }
0x449: {  	v9 =	vld [tilespmem:s30+$0x11D0];
	[tilespmem:s31+$0x9000] =	vst v0;
	v0 =	vmul.f32 $1.562500000e-02, v32  }
0x44a: {  	[tilespmem:s31+$0x9010] =	vst v1  }
0x44b: {  	v16 =	vld [tilespmem:s30+$0x11B0];
	[tilespmem:s31+$0x9020] =	vst v0  }
0x44c: {  	v14 =	vld [tilespmem:s30+$0xFF0];
	[tilespmem:$0x1FD40] =	vst v5  }
0x44d: {  	v3 =	vld [tilespmem:s30+$0xBA0];
	[tilespmem:$0x1FD60] =	vst v7;
	v5 =	vmul.f32 $1.562500000e-02, v17  }
0x44e: {  	v35 =	vld [tilespmem:$0x1C550];
	[tilespmem:$0x1FD80] =	vst v9;
	v7 =	vmul.f32 $1.562500000e-02, v19  }
0x44f: {  	v36 =	vld [tilespmem:$0x1C560];
	v17 =	vmul.f32 $1.562500000e-02, v28;
	[tilespmem:s31+$0x8250] =	vst v5  }
0x450: {  	v37 =	vld [tilespmem:$0x1C570];
	v19 =	vmul.f32 $1.562500000e-02, v25;
	[tilespmem:s31+$0x8260] =	vst v7  }
0x451: {  	v38 =	vld [tilespmem:$0x1C580];
	v25 =	vmul.f32 $1.562500000e-02, v23;
	[tilespmem:s31+$0x8070] =	vst v17  }
0x452: {  	v39 =	vld [tilespmem:$0x1C590];
	v28 =	vmul.f32 $1.562500000e-02, v34;
	[tilespmem:s31+$0x8270] =	vst v19  }
0x453: {  	v40 =	vld [tilespmem:$0x1C5A0];
	v34 =	vmul.f32 $1.562500000e-02, v33;
	[tilespmem:s31+$0x8630] =	vst v25  }
0x454: {  	v23 =	vmul.f32 $1.562500000e-02, v57;
	v33 =	vld [tilespmem:$0x1C530];
	[tilespmem:s31+$0x8470] =	vst v28  }
0x455: {  	[tilespmem:s31+$0x8820] =	vst v34;
	v17 =	vmul.f32 $1.562500000e-02, v51;
	v34 =	vld [tilespmem:$0x1C540]  }
0x456: {  	v41 =	vld [tilespmem:$0x1C5B0];
	v19 =	vmul.f32 $1.562500000e-02, v53;
	[tilespmem:s31+$0x8E10] =	vst v23  }
0x457: {  	v42 =	vld [tilespmem:$0x1C5C0];
	v25 =	vmul.f32 $1.562500000e-02, v59;
	[tilespmem:s31+$0x8C30] =	vst v17  }
0x458: {  	v43 =	vld [tilespmem:$0x1C5D0];
	v28 =	vmul.f32 $1.562500000e-02, v62;
	[tilespmem:s31+$0x8C50] =	vst v19  }
0x459: {  	v44 =	vld [tilespmem:$0x1C5E0];
	[tilespmem:s31+$0x8E30] =	vst v25;
	v1 =	vmul.f32 $1.562500000e-02, v33  }
0x45a: {  	v45 =	vld [tilespmem:$0x1C5F0];
	[tilespmem:s31+$0x8E60] =	vst v28;
	v0 =	vmul.f32 $1.562500000e-02, v34  }
0x45b: {  	v46 =	vld [tilespmem:$0x1C600];
	[tilespmem:s31+$0x9030] =	vst v1;
	v1 =	vmul.f32 $1.562500000e-02, v35  }
0x45c: {  	v47 =	vld [tilespmem:$0x1C610];
	[tilespmem:s31+$0x9040] =	vst v0;
	v0 =	vmul.f32 $1.562500000e-02, v36  }
0x45d: {  	v48 =	vld [tilespmem:$0x1C620];
	[tilespmem:s31+$0x9050] =	vst v1;
	v1 =	vmul.f32 $1.562500000e-02, v37  }
0x45e: {  	v49 =	vld [tilespmem:$0x1C630];
	[tilespmem:s31+$0x9060] =	vst v0;
	v0 =	vmul.f32 $1.562500000e-02, v38  }
0x45f: {  	v50 =	vld [tilespmem:$0x1C640];
	[tilespmem:s31+$0x9070] =	vst v1;
	v1 =	vmul.f32 $1.562500000e-02, v39  }
0x460: {  	v55 =	vld [tilespmem:$0x1C690];
	[tilespmem:s31+$0x9200] =	vst v0;
	v0 =	vmul.f32 $1.562500000e-02, v40  }
0x461: {  	v60 =	vld [tilespmem:$0x1C6E0];
	[tilespmem:s31+$0x9210] =	vst v1;
	v1 =	vmul.f32 $1.562500000e-02, v41  }
0x462: {  	v61 =	vld [tilespmem:$0x1C6F0];
	[tilespmem:s31+$0x9220] =	vst v0;
	v0 =	vmul.f32 $1.562500000e-02, v42  }
0x463: {  	v15 =	vld [tilespmem:s30+$0x1190];
	[tilespmem:s31+$0x9230] =	vst v1;
	v1 =	vmul.f32 $1.562500000e-02, v43  }
0x464: {  	v13 =	vld [tilespmem:s30+$0xFD0];
	[tilespmem:s31+$0x9240] =	vst v0;
	v0 =	vmul.f32 $1.562500000e-02, v44  }
0x465: {  	v10 =	vld [tilespmem:s30+$0xDF0];
	[tilespmem:s31+$0x9250] =	vst v1;
	v1 =	vmul.f32 $1.562500000e-02, v45  }
0x466: {  	v51 =	vld [tilespmem:$0x1C650];
	[tilespmem:s31+$0x9260] =	vst v0;
	v0 =	vmul.f32 $1.562500000e-02, v46  }
0x467: {  	v52 =	vld [tilespmem:$0x1C660];
	[tilespmem:s31+$0x9270] =	vst v1;
	v1 =	vmul.f32 $1.562500000e-02, v47  }
0x468: {  	v53 =	vld [tilespmem:$0x1C670];
	[tilespmem:s31+$0x9400] =	vst v0;
	v0 =	vmul.f32 $1.562500000e-02, v48  }
0x469: {  	v54 =	vld [tilespmem:$0x1C680];
	[tilespmem:s31+$0x9410] =	vst v1;
	v1 =	vmul.f32 $1.562500000e-02, v49  }
0x46a: {  	v56 =	vld [tilespmem:$0x1C6A0];
	[tilespmem:s31+$0x9420] =	vst v0;
	v0 =	vmul.f32 $1.562500000e-02, v50  }
0x46b: {  	v21 =	vld [tilespmem:$0x1C750];
	[tilespmem:s31+$0x9430] =	vst v1;
	v1 =	vmul.f32 $1.562500000e-02, v51  }
0x46c: {  	v57 =	vld [tilespmem:$0x1C6B0];
	[tilespmem:s31+$0x9440] =	vst v0;
	v0 =	vmul.f32 $1.562500000e-02, v52  }
0x46d: {  	v58 =	vld [tilespmem:$0x1C6C0];
	[tilespmem:s31+$0x9450] =	vst v1;
	v1 =	vmul.f32 $1.562500000e-02, v53  }
0x46e: {  	v59 =	vld [tilespmem:$0x1C6D0];
	[tilespmem:s31+$0x9460] =	vst v0;
	v0 =	vmul.f32 $1.562500000e-02, v54  }
0x46f: {  	v26 =	vld [tilespmem:$0x1C7A0];
	[tilespmem:s31+$0x9470] =	vst v1;
	v1 =	vmul.f32 $1.562500000e-02, v55  }
0x470: {  	v27 =	vld [tilespmem:$0x1C7B0];
	[tilespmem:s31+$0x9600] =	vst v0;
	v0 =	vmul.f32 $1.562500000e-02, v56  }
0x471: {  	v62 =	vld [tilespmem:$0x1C700];
	[tilespmem:s31+$0x9610] =	vst v1;
	v1 =	vmul.f32 $1.562500000e-02, v57  }
0x472: {  	v17 =	vld [tilespmem:$0x1C710];
	[tilespmem:s31+$0x9620] =	vst v0;
	v0 =	vmul.f32 $1.562500000e-02, v58  }
0x473: {  	v18 =	vld [tilespmem:$0x1C720];
	[tilespmem:s31+$0x9630] =	vst v1;
	v1 =	vmul.f32 $1.562500000e-02, v59  }
0x474: {  	v19 =	vld [tilespmem:$0x1C730];
	[tilespmem:s31+$0x9640] =	vst v0;
	v0 =	vmul.f32 $1.562500000e-02, v60  }
0x475: {  	v20 =	vld [tilespmem:$0x1C740];
	[tilespmem:s31+$0x9650] =	vst v1;
	v1 =	vmul.f32 $1.562500000e-02, v61  }
0x476: {  	v11 =	vld [tilespmem:s30+$0xF90];
	[tilespmem:s31+$0x9660] =	vst v0;
	v0 =	vmul.f32 $1.562500000e-02, v62  }
0x477: {  	v22 =	vld [tilespmem:$0x1C760];
	[tilespmem:s31+$0x9670] =	vst v1;
	v1 =	vmul.f32 $1.562500000e-02, v17  }
0x478: {  	v23 =	vld [tilespmem:$0x1C770];
	[tilespmem:s31+$0x9800] =	vst v0;
	v0 =	vmul.f32 $1.562500000e-02, v18  }
0x479: {  	v24 =	vld [tilespmem:$0x1C780];
	[tilespmem:s31+$0x9810] =	vst v1;
	v1 =	vmul.f32 $1.562500000e-02, v19  }
0x47a: {  	v25 =	vld [tilespmem:$0x1C790];
	[tilespmem:s31+$0x9820] =	vst v0;
	v0 =	vmul.f32 $1.562500000e-02, v20  }
0x47b: {  	v8 =	vld [tilespmem:s30+$0xDB0];
	[tilespmem:s31+$0x9830] =	vst v1;
	v1 =	vmul.f32 $1.562500000e-02, v21  }
0x47c: {  	v6 =	vld [tilespmem:s30+$0xBF0];
	[tilespmem:s31+$0x9840] =	vst v0;
	v0 =	vmul.f32 $1.562500000e-02, v22  }
0x47d: {  	v28 =	vld [tilespmem:$0x1C7C0];
	[tilespmem:s31+$0x9850] =	vst v1;
	v1 =	vmul.f32 $1.562500000e-02, v23  }
0x47e: {  	v29 =	vld [tilespmem:$0x1C7D0];
	[tilespmem:s31+$0x9860] =	vst v0;
	v0 =	vmul.f32 $1.562500000e-02, v24  }
0x47f: {  	v30 =	vld [tilespmem:$0x1C7E0];
	[tilespmem:s31+$0x9870] =	vst v1;
	v1 =	vmul.f32 $1.562500000e-02, v25  }
0x480: {  	v31 =	vld [tilespmem:$0x1C7F0];
	[tilespmem:s31+$0x9A00] =	vst v0;
	v0 =	vmul.f32 $1.562500000e-02, v26  }
0x481: {  	v32 =	vld [tilespmem:$0x1C800];
	[tilespmem:s31+$0x9A10] =	vst v1;
	v1 =	vmul.f32 $1.562500000e-02, v27  }
0x482: {  	v33 =	vld [tilespmem:$0x1C810];
	[tilespmem:s31+$0x9A20] =	vst v0;
	v0 =	vmul.f32 $1.562500000e-02, v28  }
0x483: {  	v34 =	vld [tilespmem:$0x1C820];
	[tilespmem:s31+$0x9A30] =	vst v1;
	v1 =	vmul.f32 $1.562500000e-02, v29  }
0x484: {  	v35 =	vld [tilespmem:$0x1C830];
	[tilespmem:s31+$0x9A40] =	vst v0;
	v0 =	vmul.f32 $1.562500000e-02, v30  }
0x485: {  	v36 =	vld [tilespmem:$0x1C840];
	[tilespmem:s31+$0x9A50] =	vst v1;
	v1 =	vmul.f32 $1.562500000e-02, v31  }
0x486: {  	v37 =	vld [tilespmem:$0x1C850];
	[tilespmem:s31+$0x9A60] =	vst v0;
	v0 =	vmul.f32 $1.562500000e-02, v32  }
0x487: {  	v38 =	vld [tilespmem:$0x1C860];
	[tilespmem:s31+$0x9A70] =	vst v1;
	v1 =	vmul.f32 $1.562500000e-02, v33  }
0x488: {  	v39 =	vld [tilespmem:$0x1C870];
	[tilespmem:s31+$0x9C00] =	vst v0;
	v0 =	vmul.f32 $1.562500000e-02, v34  }
0x489: {  	v40 =	vld [tilespmem:$0x1C880];
	[tilespmem:s31+$0x9C10] =	vst v1;
	v1 =	vmul.f32 $1.562500000e-02, v35  }
0x48a: {  	v41 =	vld [tilespmem:$0x1C890];
	[tilespmem:s31+$0x9C20] =	vst v0;
	v0 =	vmul.f32 $1.562500000e-02, v36  }
0x48b: {  	v42 =	vld [tilespmem:$0x1C8A0];
	[tilespmem:s31+$0x9C30] =	vst v1;
	v1 =	vmul.f32 $1.562500000e-02, v37  }
0x48c: {  	v43 =	vld [tilespmem:$0x1C8B0];
	[tilespmem:s31+$0x9C40] =	vst v0;
	v0 =	vmul.f32 $1.562500000e-02, v38  }
0x48d: {  	v44 =	vld [tilespmem:$0x1C8C0];
	[tilespmem:s31+$0x9C50] =	vst v1;
	v1 =	vmul.f32 $1.562500000e-02, v39  }
0x48e: {  	v45 =	vld [tilespmem:$0x1C8D0];
	[tilespmem:s31+$0x9C60] =	vst v0;
	v0 =	vmul.f32 $1.562500000e-02, v40  }
0x48f: {  	v46 =	vld [tilespmem:$0x1C8E0];
	[tilespmem:s31+$0x9C70] =	vst v1;
	v1 =	vmul.f32 $1.562500000e-02, v41  }
0x490: {  	v47 =	vld [tilespmem:$0x1C8F0];
	[tilespmem:s31+$0x9E00] =	vst v0;
	v0 =	vmul.f32 $1.562500000e-02, v42  }
0x491: {  	v48 =	vld [tilespmem:$0x1C900];
	[tilespmem:s31+$0x9E10] =	vst v1;
	v1 =	vmul.f32 $1.562500000e-02, v43  }
0x492: {  	v49 =	vld [tilespmem:$0x1C910];
	[tilespmem:s31+$0x9E20] =	vst v0;
	v0 =	vmul.f32 $1.562500000e-02, v44  }
0x493: {  	v50 =	vld [tilespmem:$0x1C920];
	[tilespmem:s31+$0x9E30] =	vst v1;
	v1 =	vmul.f32 $1.562500000e-02, v45  }
0x494: {  	v51 =	vld [tilespmem:$0x1C930];
	[tilespmem:s31+$0x9E40] =	vst v0;
	v0 =	vmul.f32 $1.562500000e-02, v46  }
0x495: {  	v52 =	vld [tilespmem:$0x1C940];
	[tilespmem:s31+$0x9E50] =	vst v1;
	v1 =	vmul.f32 $1.562500000e-02, v47  }
0x496: {  	v53 =	vld [tilespmem:$0x1C950];
	[tilespmem:s31+$0x9E60] =	vst v0;
	v0 =	vmul.f32 $1.562500000e-02, v48  }
0x497: {  	v54 =	vld [tilespmem:$0x1C960];
	[tilespmem:s31+$0x9E70] =	vst v1;
	v1 =	vmul.f32 $1.562500000e-02, v49  }
0x498: {  	v55 =	vld [tilespmem:$0x1C970];
	[tilespmem:s31+$0xA000] =	vst v0;
	v0 =	vmul.f32 $1.562500000e-02, v50  }
0x499: {  	v56 =	vld [tilespmem:$0x1C980];
	[tilespmem:s31+$0xA010] =	vst v1;
	v1 =	vmul.f32 $1.562500000e-02, v51  }
0x49a: {  	v57 =	vld [tilespmem:$0x1C990];
	[tilespmem:s31+$0xA020] =	vst v0;
	v0 =	vmul.f32 $1.562500000e-02, v52  }
0x49b: {  	v58 =	vld [tilespmem:$0x1C9A0];
	[tilespmem:s31+$0xA030] =	vst v1;
	v1 =	vmul.f32 $1.562500000e-02, v53  }
0x49c: {  	v59 =	vld [tilespmem:$0x1C9B0];
	[tilespmem:s31+$0xA040] =	vst v0;
	v0 =	vmul.f32 $1.562500000e-02, v54  }
0x49d: {  	v60 =	vld [tilespmem:$0x1C9C0];
	[tilespmem:s31+$0xA050] =	vst v1;
	v1 =	vmul.f32 $1.562500000e-02, v55  }
0x49e: {  	v61 =	vld [tilespmem:$0x1C9D0];
	[tilespmem:s31+$0xA060] =	vst v0;
	v0 =	vmul.f32 $1.562500000e-02, v56  }
0x49f: {  	v62 =	vld [tilespmem:$0x1C9E0];
	[tilespmem:s31+$0xA070] =	vst v1;
	v1 =	vmul.f32 $1.562500000e-02, v57  }
0x4a0: {  	v17 =	vld [tilespmem:$0x1C9F0];
	[tilespmem:s31+$0xA200] =	vst v0;
	v0 =	vmul.f32 $1.562500000e-02, v58  }
0x4a1: {  	v18 =	vld [tilespmem:$0x1CA00];
	[tilespmem:s31+$0xA210] =	vst v1;
	v1 =	vmul.f32 $1.562500000e-02, v59  }
0x4a2: {  	v19 =	vld [tilespmem:$0x1CA10];
	[tilespmem:s31+$0xA220] =	vst v0;
	v0 =	vmul.f32 $1.562500000e-02, v60  }
0x4a3: {  	v20 =	vld [tilespmem:$0x1CA20];
	[tilespmem:s31+$0xA230] =	vst v1;
	v1 =	vmul.f32 $1.562500000e-02, v61  }
0x4a4: {  	v21 =	vld [tilespmem:$0x1CA30];
	[tilespmem:s31+$0xA240] =	vst v0;
	v0 =	vmul.f32 $1.562500000e-02, v62  }
0x4a5: {  	v22 =	vld [tilespmem:$0x1CA40];
	[tilespmem:s31+$0xA250] =	vst v1;
	v1 =	vmul.f32 $1.562500000e-02, v17  }
0x4a6: {  	v23 =	vld [tilespmem:$0x1CA50];
	[tilespmem:s31+$0xA260] =	vst v0;
	v0 =	vmul.f32 $1.562500000e-02, v18  }
0x4a7: {  	v24 =	vld [tilespmem:$0x1CA60];
	[tilespmem:s31+$0xA270] =	vst v1;
	v1 =	vmul.f32 $1.562500000e-02, v19  }
0x4a8: {  	v25 =	vld [tilespmem:$0x1CA70];
	[tilespmem:s31+$0xA400] =	vst v0;
	v0 =	vmul.f32 $1.562500000e-02, v20  }
0x4a9: {  	v26 =	vld [tilespmem:$0x1CA80];
	[tilespmem:s31+$0xA410] =	vst v1;
	v1 =	vmul.f32 $1.562500000e-02, v21  }
0x4aa: {  	v27 =	vld [tilespmem:$0x1CA90];
	[tilespmem:s31+$0xA420] =	vst v0;
	v0 =	vmul.f32 $1.562500000e-02, v22  }
0x4ab: {  	v28 =	vld [tilespmem:$0x1CAA0];
	[tilespmem:s31+$0xA430] =	vst v1;
	v1 =	vmul.f32 $1.562500000e-02, v23  }
0x4ac: {  	v29 =	vld [tilespmem:$0x1CAB0];
	[tilespmem:s31+$0xA440] =	vst v0;
	v0 =	vmul.f32 $1.562500000e-02, v24  }
0x4ad: {  	v30 =	vld [tilespmem:$0x1CAC0];
	[tilespmem:s31+$0xA450] =	vst v1;
	v1 =	vmul.f32 $1.562500000e-02, v25  }
0x4ae: {  	v31 =	vld [tilespmem:$0x1CAD0];
	[tilespmem:s31+$0xA460] =	vst v0;
	v0 =	vmul.f32 $1.562500000e-02, v26  }
0x4af: {  	v32 =	vld [tilespmem:$0x1CAE0];
	[tilespmem:s31+$0xA470] =	vst v1;
	v1 =	vmul.f32 $1.562500000e-02, v27  }
0x4b0: {  	v33 =	vld [tilespmem:$0x1CAF0];
	[tilespmem:s31+$0xA600] =	vst v0;
	v0 =	vmul.f32 $1.562500000e-02, v28  }
0x4b1: {  	v34 =	vld [tilespmem:$0x1CB00];
	[tilespmem:s31+$0xA610] =	vst v1;
	v1 =	vmul.f32 $1.562500000e-02, v29  }
0x4b2: {  	v35 =	vld [tilespmem:$0x1CB10];
	[tilespmem:s31+$0xA620] =	vst v0;
	v0 =	vmul.f32 $1.562500000e-02, v30  }
0x4b3: {  	v36 =	vld [tilespmem:$0x1CB20];
	[tilespmem:s31+$0xA630] =	vst v1;
	v1 =	vmul.f32 $1.562500000e-02, v31  }
0x4b4: {  	v37 =	vld [tilespmem:$0x1CB30];
	[tilespmem:s31+$0xA640] =	vst v0;
	v0 =	vmul.f32 $1.562500000e-02, v32  }
0x4b5: {  	v38 =	vld [tilespmem:$0x1CB40];
	[tilespmem:s31+$0xA650] =	vst v1;
	v1 =	vmul.f32 $1.562500000e-02, v33  }
0x4b6: {  	v39 =	vld [tilespmem:$0x1CB50];
	[tilespmem:s31+$0xA660] =	vst v0;
	v0 =	vmul.f32 $1.562500000e-02, v34  }
0x4b7: {  	v40 =	vld [tilespmem:$0x1CB60];
	[tilespmem:s31+$0xA670] =	vst v1;
	v1 =	vmul.f32 $1.562500000e-02, v35  }
0x4b8: {  	v41 =	vld [tilespmem:$0x1CB70];
	[tilespmem:s31+$0xA800] =	vst v0;
	v0 =	vmul.f32 $1.562500000e-02, v36  }
0x4b9: {  	v42 =	vld [tilespmem:$0x1CB80];
	[tilespmem:s31+$0xA810] =	vst v1;
	v1 =	vmul.f32 $1.562500000e-02, v37  }
0x4ba: {  	v43 =	vld [tilespmem:$0x1CB90];
	[tilespmem:s31+$0xA820] =	vst v0;
	v0 =	vmul.f32 $1.562500000e-02, v38  }
0x4bb: {  	v44 =	vld [tilespmem:$0x1CBA0];
	[tilespmem:s31+$0xA830] =	vst v1;
	v1 =	vmul.f32 $1.562500000e-02, v39  }
0x4bc: {  	v45 =	vld [tilespmem:$0x1CBB0];
	[tilespmem:s31+$0xA840] =	vst v0;
	v0 =	vmul.f32 $1.562500000e-02, v40  }
0x4bd: {  	v46 =	vld [tilespmem:$0x1CBC0];
	[tilespmem:s31+$0xA850] =	vst v1;
	v1 =	vmul.f32 $1.562500000e-02, v41  }
0x4be: {  	v47 =	vld [tilespmem:$0x1CBD0];
	[tilespmem:s31+$0xA860] =	vst v0;
	v0 =	vmul.f32 $1.562500000e-02, v42  }
0x4bf: {  	v48 =	vld [tilespmem:$0x1CBE0];
	[tilespmem:s31+$0xA870] =	vst v1;
	v1 =	vmul.f32 $1.562500000e-02, v43  }
0x4c0: {  	v49 =	vld [tilespmem:$0x1CBF0];
	[tilespmem:s31+$0xAA00] =	vst v0;
	v0 =	vmul.f32 $1.562500000e-02, v44  }
0x4c1: {  	v50 =	vld [tilespmem:$0x1CC00];
	[tilespmem:s31+$0xAA10] =	vst v1;
	v1 =	vmul.f32 $1.562500000e-02, v45  }
0x4c2: {  	v51 =	vld [tilespmem:$0x1CC10];
	[tilespmem:s31+$0xAA20] =	vst v0;
	v0 =	vmul.f32 $1.562500000e-02, v46  }
0x4c3: {  	v52 =	vld [tilespmem:$0x1CC20];
	[tilespmem:s31+$0xAA30] =	vst v1;
	v1 =	vmul.f32 $1.562500000e-02, v47  }
0x4c4: {  	v53 =	vld [tilespmem:$0x1CC30];
	[tilespmem:s31+$0xAA40] =	vst v0;
	v0 =	vmul.f32 $1.562500000e-02, v48  }
0x4c5: {  	v54 =	vld [tilespmem:$0x1CC40];
	[tilespmem:s31+$0xAA50] =	vst v1;
	v1 =	vmul.f32 $1.562500000e-02, v49  }
0x4c6: {  	v55 =	vld [tilespmem:$0x1CC50];
	[tilespmem:s31+$0xAA60] =	vst v0;
	v0 =	vmul.f32 $1.562500000e-02, v50  }
0x4c7: {  	v56 =	vld [tilespmem:$0x1CC60];
	[tilespmem:s31+$0xAA70] =	vst v1;
	v1 =	vmul.f32 $1.562500000e-02, v51  }
0x4c8: {  	v57 =	vld [tilespmem:$0x1CC70];
	[tilespmem:s31+$0xAC00] =	vst v0;
	v0 =	vmul.f32 $1.562500000e-02, v52  }
0x4c9: {  	v58 =	vld [tilespmem:$0x1CC80];
	[tilespmem:s31+$0xAC10] =	vst v1;
	v1 =	vmul.f32 $1.562500000e-02, v53  }
0x4ca: {  	v59 =	vld [tilespmem:$0x1CC90];
	[tilespmem:s31+$0xAC20] =	vst v0;
	v0 =	vmul.f32 $1.562500000e-02, v54  }
0x4cb: {  	v60 =	vld [tilespmem:$0x1CCA0];
	[tilespmem:s31+$0xAC30] =	vst v1;
	v1 =	vmul.f32 $1.562500000e-02, v55  }
0x4cc: {  	v61 =	vld [tilespmem:$0x1CCB0];
	[tilespmem:s31+$0xAC40] =	vst v0;
	v0 =	vmul.f32 $1.562500000e-02, v56  }
0x4cd: {  	v62 =	vld [tilespmem:$0x1CCC0];
	[tilespmem:s31+$0xAC50] =	vst v1;
	v1 =	vmul.f32 $1.562500000e-02, v57  }
0x4ce: {  	v17 =	vld [tilespmem:$0x1CCD0];
	[tilespmem:s31+$0xAC60] =	vst v0;
	v0 =	vmul.f32 $1.562500000e-02, v58  }
0x4cf: {  	v18 =	vld [tilespmem:$0x1CCE0];
	[tilespmem:s31+$0xAC70] =	vst v1;
	v1 =	vmul.f32 $1.562500000e-02, v59  }
0x4d0: {  	v19 =	vld [tilespmem:$0x1CCF0];
	[tilespmem:s31+$0xAE00] =	vst v0;
	v0 =	vmul.f32 $1.562500000e-02, v60  }
0x4d1: {  	v20 =	vld [tilespmem:$0x1CD00];
	[tilespmem:s31+$0xAE10] =	vst v1;
	v1 =	vmul.f32 $1.562500000e-02, v61  }
0x4d2: {  	v21 =	vld [tilespmem:$0x1CD10];
	[tilespmem:s31+$0xAE20] =	vst v0;
	v0 =	vmul.f32 $1.562500000e-02, v62  }
0x4d3: {  	v22 =	vld [tilespmem:$0x1CD20];
	[tilespmem:s31+$0xAE30] =	vst v1;
	v1 =	vmul.f32 $1.562500000e-02, v17  }
0x4d4: {  	v23 =	vld [tilespmem:$0x1CD30];
	[tilespmem:s31+$0xAE40] =	vst v0;
	v0 =	vmul.f32 $1.562500000e-02, v18  }
0x4d5: {  	v24 =	vld [tilespmem:$0x1CD40];
	[tilespmem:s31+$0xAE50] =	vst v1;
	v1 =	vmul.f32 $1.562500000e-02, v19  }
0x4d6: {  	v25 =	vld [tilespmem:$0x1CD50];
	[tilespmem:s31+$0xAE60] =	vst v0;
	v0 =	vmul.f32 $1.562500000e-02, v20  }
0x4d7: {  	v26 =	vld [tilespmem:$0x1CD60];
	[tilespmem:s31+$0xAE70] =	vst v1;
	v1 =	vmul.f32 $1.562500000e-02, v21  }
0x4d8: {  	v27 =	vld [tilespmem:$0x1CD70];
	[tilespmem:s31+$0xB000] =	vst v0;
	v0 =	vmul.f32 $1.562500000e-02, v22  }
0x4d9: {  	v28 =	vld [tilespmem:$0x1CD80];
	[tilespmem:s31+$0xB010] =	vst v1;
	v1 =	vmul.f32 $1.562500000e-02, v23  }
0x4da: {  	v29 =	vld [tilespmem:$0x1CD90];
	[tilespmem:s31+$0xB020] =	vst v0;
	v0 =	vmul.f32 $1.562500000e-02, v24  }
0x4db: {  	v30 =	vld [tilespmem:$0x1CDA0];
	[tilespmem:s31+$0xB030] =	vst v1;
	v1 =	vmul.f32 $1.562500000e-02, v25  }
0x4dc: {  	v31 =	vld [tilespmem:$0x1CDB0];
	[tilespmem:s31+$0xB040] =	vst v0;
	v0 =	vmul.f32 $1.562500000e-02, v26  }
0x4dd: {  	v32 =	vld [tilespmem:$0x1CDC0];
	[tilespmem:s31+$0xB050] =	vst v1;
	v1 =	vmul.f32 $1.562500000e-02, v27  }
0x4de: {  	v33 =	vld [tilespmem:$0x1CDD0];
	[tilespmem:s31+$0xB060] =	vst v0;
	v0 =	vmul.f32 $1.562500000e-02, v28  }
0x4df: {  	v34 =	vld [tilespmem:$0x1CDE0];
	[tilespmem:s31+$0xB070] =	vst v1;
	v1 =	vmul.f32 $1.562500000e-02, v29  }
0x4e0: {  	v35 =	vld [tilespmem:$0x1CDF0];
	[tilespmem:s31+$0xB200] =	vst v0;
	v0 =	vmul.f32 $1.562500000e-02, v30  }
0x4e1: {  	v36 =	vld [tilespmem:$0x1CE00];
	[tilespmem:s31+$0xB210] =	vst v1;
	v1 =	vmul.f32 $1.562500000e-02, v31  }
0x4e2: {  	v37 =	vld [tilespmem:$0x1CE10];
	[tilespmem:s31+$0xB220] =	vst v0;
	v0 =	vmul.f32 $1.562500000e-02, v32  }
0x4e3: {  	v38 =	vld [tilespmem:$0x1CE20];
	[tilespmem:s31+$0xB230] =	vst v1;
	v1 =	vmul.f32 $1.562500000e-02, v33  }
0x4e4: {  	v39 =	vld [tilespmem:$0x1CE30];
	[tilespmem:s31+$0xB240] =	vst v0;
	v0 =	vmul.f32 $1.562500000e-02, v34  }
0x4e5: {  	v40 =	vld [tilespmem:$0x1CE40];
	[tilespmem:s31+$0xB250] =	vst v1;
	v1 =	vmul.f32 $1.562500000e-02, v35  }
0x4e6: {  	v41 =	vld [tilespmem:$0x1CE50];
	[tilespmem:s31+$0xB260] =	vst v0;
	v0 =	vmul.f32 $1.562500000e-02, v36  }
0x4e7: {  	v42 =	vld [tilespmem:$0x1CE60];
	[tilespmem:s31+$0xB270] =	vst v1;
	v1 =	vmul.f32 $1.562500000e-02, v37  }
0x4e8: {  	v43 =	vld [tilespmem:$0x1CE70];
	[tilespmem:s31+$0xB400] =	vst v0;
	v0 =	vmul.f32 $1.562500000e-02, v38  }
0x4e9: {  	v44 =	vld [tilespmem:$0x1CE80];
	[tilespmem:s31+$0xB410] =	vst v1;
	v1 =	vmul.f32 $1.562500000e-02, v39  }
0x4ea: {  	v45 =	vld [tilespmem:$0x1CE90];
	[tilespmem:s31+$0xB420] =	vst v0;
	v0 =	vmul.f32 $1.562500000e-02, v40  }
0x4eb: {  	v46 =	vld [tilespmem:$0x1CEA0];
	[tilespmem:s31+$0xB430] =	vst v1;
	v1 =	vmul.f32 $1.562500000e-02, v41  }
0x4ec: {  	v47 =	vld [tilespmem:$0x1CEB0];
	[tilespmem:s31+$0xB440] =	vst v0;
	v0 =	vmul.f32 $1.562500000e-02, v42  }
0x4ed: {  	v48 =	vld [tilespmem:$0x1CEC0];
	[tilespmem:s31+$0xB450] =	vst v1;
	v1 =	vmul.f32 $1.562500000e-02, v43  }
0x4ee: {  	v49 =	vld [tilespmem:$0x1CED0];
	[tilespmem:s31+$0xB460] =	vst v0;
	v0 =	vmul.f32 $1.562500000e-02, v44  }
0x4ef: {  	v50 =	vld [tilespmem:$0x1CEE0];
	[tilespmem:s31+$0xB470] =	vst v1;
	v1 =	vmul.f32 $1.562500000e-02, v45  }
0x4f0: {  	v51 =	vld [tilespmem:$0x1CEF0];
	[tilespmem:s31+$0xB600] =	vst v0;
	v0 =	vmul.f32 $1.562500000e-02, v46  }
0x4f1: {  	v52 =	vld [tilespmem:$0x1CF00];
	[tilespmem:s31+$0xB610] =	vst v1;
	v1 =	vmul.f32 $1.562500000e-02, v47  }
0x4f2: {  	v53 =	vld [tilespmem:$0x1CF10];
	[tilespmem:s31+$0xB620] =	vst v0;
	v0 =	vmul.f32 $1.562500000e-02, v48  }
0x4f3: {  	v54 =	vld [tilespmem:$0x1CF20];
	[tilespmem:s31+$0xB630] =	vst v1;
	v1 =	vmul.f32 $1.562500000e-02, v49  }
0x4f4: {  	v55 =	vld [tilespmem:$0x1CF30];
	[tilespmem:s31+$0xB640] =	vst v0;
	v0 =	vmul.f32 $1.562500000e-02, v50  }
0x4f5: {  	v56 =	vld [tilespmem:$0x1CF40];
	[tilespmem:s31+$0xB650] =	vst v1;
	v1 =	vmul.f32 $1.562500000e-02, v51  }
0x4f6: {  	v57 =	vld [tilespmem:$0x1CF50];
	[tilespmem:s31+$0xB660] =	vst v0;
	v0 =	vmul.f32 $1.562500000e-02, v52  }
0x4f7: {  	v58 =	vld [tilespmem:$0x1CF60];
	[tilespmem:s31+$0xB670] =	vst v1;
	v1 =	vmul.f32 $1.562500000e-02, v53  }
0x4f8: {  	v59 =	vld [tilespmem:$0x1CF70];
	[tilespmem:s31+$0xB800] =	vst v0;
	v0 =	vmul.f32 $1.562500000e-02, v54  }
0x4f9: {  	v60 =	vld [tilespmem:$0x1CF80];
	[tilespmem:s31+$0xB810] =	vst v1;
	v1 =	vmul.f32 $1.562500000e-02, v55  }
0x4fa: {  	v61 =	vld [tilespmem:$0x1CF90];
	[tilespmem:s31+$0xB820] =	vst v0;
	v0 =	vmul.f32 $1.562500000e-02, v56  }
0x4fb: {  	v62 =	vld [tilespmem:$0x1CFA0];
	[tilespmem:s31+$0xB830] =	vst v1;
	v1 =	vmul.f32 $1.562500000e-02, v57  }
0x4fc: {  	v17 =	vld [tilespmem:$0x1CFB0];
	[tilespmem:s31+$0xB840] =	vst v0;
	v0 =	vmul.f32 $1.562500000e-02, v58  }
0x4fd: {  	v18 =	vld [tilespmem:$0x1CFC0];
	[tilespmem:s31+$0xB850] =	vst v1;
	v1 =	vmul.f32 $1.562500000e-02, v59  }
0x4fe: {  	v19 =	vld [tilespmem:$0x1CFD0];
	[tilespmem:s31+$0xB860] =	vst v0;
	v0 =	vmul.f32 $1.562500000e-02, v60  }
0x4ff: {  	v20 =	vld [tilespmem:$0x1CFE0];
	[tilespmem:s31+$0xB870] =	vst v1;
	v1 =	vmul.f32 $1.562500000e-02, v61  }
0x500: {  	v21 =	vld [tilespmem:$0x1CFF0];
	[tilespmem:s31+$0xBA00] =	vst v0;
	v0 =	vmul.f32 $1.562500000e-02, v62  }
0x501: {  	v22 =	vld [tilespmem:$0x1D000];
	[tilespmem:s31+$0xBA10] =	vst v1;
	v1 =	vmul.f32 $1.562500000e-02, v17  }
0x502: {  	v23 =	vld [tilespmem:$0x1D010];
	[tilespmem:s31+$0xBA20] =	vst v0;
	v0 =	vmul.f32 $1.562500000e-02, v18  }
0x503: {  	v24 =	vld [tilespmem:$0x1D020];
	[tilespmem:s31+$0xBA30] =	vst v1;
	v1 =	vmul.f32 $1.562500000e-02, v19  }
0x504: {  	v25 =	vld [tilespmem:$0x1D030];
	[tilespmem:s31+$0xBA40] =	vst v0;
	v0 =	vmul.f32 $1.562500000e-02, v20  }
0x505: {  	v26 =	vld [tilespmem:$0x1D040];
	[tilespmem:s31+$0xBA50] =	vst v1;
	v1 =	vmul.f32 $1.562500000e-02, v21  }
0x506: {  	v27 =	vld [tilespmem:$0x1D050];
	[tilespmem:s31+$0xBA60] =	vst v0;
	v0 =	vmul.f32 $1.562500000e-02, v22  }
0x507: {  	v28 =	vld [tilespmem:$0x1D060];
	[tilespmem:s31+$0xBA70] =	vst v1;
	v1 =	vmul.f32 $1.562500000e-02, v23  }
0x508: {  	v29 =	vld [tilespmem:$0x1D070];
	[tilespmem:s31+$0xBC00] =	vst v0;
	v0 =	vmul.f32 $1.562500000e-02, v24  }
0x509: {  	v30 =	vld [tilespmem:$0x1D080];
	[tilespmem:s31+$0xBC10] =	vst v1;
	v1 =	vmul.f32 $1.562500000e-02, v25  }
0x50a: {  	v31 =	vld [tilespmem:$0x1D090];
	[tilespmem:s31+$0xBC20] =	vst v0;
	v0 =	vmul.f32 $1.562500000e-02, v26  }
0x50b: {  	v32 =	vld [tilespmem:$0x1D0A0];
	[tilespmem:s31+$0xBC30] =	vst v1;
	v1 =	vmul.f32 $1.562500000e-02, v27  }
0x50c: {  	v33 =	vld [tilespmem:$0x1D0B0];
	[tilespmem:s31+$0xBC40] =	vst v0;
	v0 =	vmul.f32 $1.562500000e-02, v28  }
0x50d: {  	v34 =	vld [tilespmem:$0x1D0C0];
	[tilespmem:s31+$0xBC50] =	vst v1;
	v1 =	vmul.f32 $1.562500000e-02, v29  }
0x50e: {  	v35 =	vld [tilespmem:$0x1D0D0];
	[tilespmem:s31+$0xBC60] =	vst v0;
	v0 =	vmul.f32 $1.562500000e-02, v30  }
0x50f: {  	v36 =	vld [tilespmem:$0x1D0E0];
	[tilespmem:s31+$0xBC70] =	vst v1;
	v1 =	vmul.f32 $1.562500000e-02, v31  }
0x510: {  	v37 =	vld [tilespmem:$0x1D0F0];
	[tilespmem:s31+$0xBE00] =	vst v0;
	v0 =	vmul.f32 $1.562500000e-02, v32  }
0x511: {  	v38 =	vld [tilespmem:$0x1D100];
	[tilespmem:s31+$0xBE10] =	vst v1;
	v1 =	vmul.f32 $1.562500000e-02, v33  }
0x512: {  	v39 =	vld [tilespmem:$0x1D110];
	[tilespmem:s31+$0xBE20] =	vst v0;
	v0 =	vmul.f32 $1.562500000e-02, v34  }
0x513: {  	v40 =	vld [tilespmem:$0x1D120];
	[tilespmem:s31+$0xBE30] =	vst v1;
	v1 =	vmul.f32 $1.562500000e-02, v35  }
0x514: {  	v41 =	vld [tilespmem:$0x1D130];
	[tilespmem:s31+$0xBE40] =	vst v0;
	v0 =	vmul.f32 $1.562500000e-02, v36  }
0x515: {  	v42 =	vld [tilespmem:$0x1D140];
	[tilespmem:s31+$0xBE50] =	vst v1;
	v1 =	vmul.f32 $1.562500000e-02, v37  }
0x516: {  	v43 =	vld [tilespmem:$0x1D150];
	[tilespmem:s31+$0xBE60] =	vst v0;
	v0 =	vmul.f32 $1.562500000e-02, v38  }
0x517: {  	v44 =	vld [tilespmem:$0x1D160];
	[tilespmem:s31+$0xBE70] =	vst v1;
	v1 =	vmul.f32 $1.562500000e-02, v39  }
0x518: {  	v45 =	vld [tilespmem:$0x1D170];
	[tilespmem:s31+$0x8080] =	vst v0;
	v0 =	vmul.f32 $1.562500000e-02, v40  }
0x519: {  	v46 =	vld [tilespmem:$0x1D180];
	[tilespmem:s31+$0x8090] =	vst v1;
	v1 =	vmul.f32 $1.562500000e-02, v41  }
0x51a: {  	v47 =	vld [tilespmem:$0x1D190];
	[tilespmem:s31+$0x80A0] =	vst v0;
	v0 =	vmul.f32 $1.562500000e-02, v42  }
0x51b: {  	v48 =	vld [tilespmem:$0x1D1A0];
	[tilespmem:s31+$0x80B0] =	vst v1;
	v1 =	vmul.f32 $1.562500000e-02, v43  }
0x51c: {  	v49 =	vld [tilespmem:$0x1D1B0];
	[tilespmem:s31+$0x80C0] =	vst v0;
	v0 =	vmul.f32 $1.562500000e-02, v44  }
0x51d: {  	v12 =	vld [tilespmem:s30+$0xFB0];
	[tilespmem:s31+$0x80D0] =	vst v1;
	v1 =	vmul.f32 $1.562500000e-02, v45  }
0x51e: {  	v4 =	vld [tilespmem:s30+$0xB90];
	[tilespmem:s31+$0x80E0] =	vst v0;
	v0 =	vmul.f32 $1.562500000e-02, v46  }
0x51f: {  	v2 =	vld [tilespmem:s30+$0x9F0];
	[tilespmem:s31+$0x80F0] =	vst v1;
	v1 =	vmul.f32 $1.562500000e-02, v47  }
0x520: {  	v9 =	vld [tilespmem:s30+$0xDD0];
	[tilespmem:s31+$0x8280] =	vst v0;
	v0 =	vmul.f32 $1.562500000e-02, v48  }
0x521: {  	v7 =	vld [tilespmem:s30+$0xD90];
	[tilespmem:s31+$0x8290] =	vst v1;
	v1 =	vmul.f32 $1.562500000e-02, v49  }
0x522: {  	v5 =	vld [tilespmem:s30+$0xBD0];
	[tilespmem:s31+$0x82A0] =	vst v0  }
0x523: {  	v50 =	vld [tilespmem:$0x1D1C0];
	[tilespmem:s31+$0x82B0] =	vst v1  }
0x524: {  	v1 =	vld [tilespmem:$0x1D1D0]  }
0x525: {  	v51 =	vld [tilespmem:$0x1D1E0]  }
0x526: {  	v52 =	vld [tilespmem:$0x1D1F0]  }
0x527: {  	v53 =	vld [tilespmem:$0x1D200]  }
0x528: {  	v0 =	vmul.f32 $1.562500000e-02, v50;
	v54 =	vld [tilespmem:$0x1D210]  }
0x529: {  	v55 =	vld [tilespmem:$0x1D220];
	v1 =	vmul.f32 $1.562500000e-02, v1  }
0x52a: {  	v56 =	vld [tilespmem:$0x1D230];
	[tilespmem:s31+$0x82C0] =	vst v0;
	v0 =	vmul.f32 $1.562500000e-02, v51  }
0x52b: {  	v57 =	vld [tilespmem:$0x1D240];
	[tilespmem:s31+$0x82D0] =	vst v1;
	v1 =	vmul.f32 $1.562500000e-02, v52  }
0x52c: {  	v58 =	vld [tilespmem:$0x1D250];
	[tilespmem:s31+$0x82E0] =	vst v0;
	v0 =	vmul.f32 $1.562500000e-02, v53  }
0x52d: {  	v59 =	vld [tilespmem:$0x1D260];
	[tilespmem:s31+$0x82F0] =	vst v1;
	v1 =	vmul.f32 $1.562500000e-02, v54  }
0x52e: {  	v60 =	vld [tilespmem:$0x1D270];
	[tilespmem:s31+$0x8480] =	vst v0;
	v0 =	vmul.f32 $1.562500000e-02, v55  }
0x52f: {  	v61 =	vld [tilespmem:$0x1D280];
	[tilespmem:s31+$0x8490] =	vst v1;
	v1 =	vmul.f32 $1.562500000e-02, v56  }
0x530: {  	v62 =	vld [tilespmem:$0x1D290];
	[tilespmem:s31+$0x84A0] =	vst v0;
	v0 =	vmul.f32 $1.562500000e-02, v57  }
0x531: {  	v17 =	vld [tilespmem:$0x1D2A0];
	[tilespmem:s31+$0x84B0] =	vst v1;
	v1 =	vmul.f32 $1.562500000e-02, v58  }
0x532: {  	v18 =	vld [tilespmem:$0x1D2B0];
	[tilespmem:s31+$0x84C0] =	vst v0;
	v0 =	vmul.f32 $1.562500000e-02, v59  }
0x533: {  	v19 =	vld [tilespmem:$0x1D2C0];
	[tilespmem:s31+$0x84D0] =	vst v1;
	v1 =	vmul.f32 $1.562500000e-02, v60  }
0x534: {  	v20 =	vld [tilespmem:$0x1D2D0];
	[tilespmem:s31+$0x84E0] =	vst v0;
	v0 =	vmul.f32 $1.562500000e-02, v61  }
0x535: {  	v21 =	vld [tilespmem:$0x1D2E0];
	[tilespmem:s31+$0x84F0] =	vst v1;
	v1 =	vmul.f32 $1.562500000e-02, v62  }
0x536: {  	v22 =	vld [tilespmem:$0x1D2F0];
	[tilespmem:s31+$0x8680] =	vst v0;
	v0 =	vmul.f32 $1.562500000e-02, v17  }
0x537: {  	v23 =	vld [tilespmem:$0x1D300];
	[tilespmem:s31+$0x8690] =	vst v1;
	v1 =	vmul.f32 $1.562500000e-02, v18  }
0x538: {  	v24 =	vld [tilespmem:$0x1D310];
	[tilespmem:s31+$0x86A0] =	vst v0;
	v0 =	vmul.f32 $1.562500000e-02, v19  }
0x539: {  	v25 =	vld [tilespmem:$0x1D320];
	[tilespmem:s31+$0x86B0] =	vst v1;
	v1 =	vmul.f32 $1.562500000e-02, v20  }
0x53a: {  	v26 =	vld [tilespmem:$0x1D330];
	[tilespmem:s31+$0x8360] =	vst v0;
	v0 =	vmul.f32 $1.562500000e-02, v21  }
0x53b: {  	v27 =	vld [tilespmem:$0x1D340];
	[tilespmem:s31+$0x8350] =	vst v1;
	v1 =	vmul.f32 $1.562500000e-02, v22  }
0x53c: {  	v28 =	vld [tilespmem:$0x1D350];
	[tilespmem:s31+$0x8340] =	vst v0;
	v0 =	vmul.f32 $1.562500000e-02, v23  }
0x53d: {  	v29 =	vld [tilespmem:$0x1D360];
	[tilespmem:s31+$0x8330] =	vst v1;
	v1 =	vmul.f32 $1.562500000e-02, v24  }
0x53e: {  	v30 =	vld [tilespmem:$0x1D370];
	[tilespmem:s31+$0x8320] =	vst v0;
	v0 =	vmul.f32 $1.562500000e-02, v25  }
0x53f: {  	v31 =	vld [tilespmem:$0x1D380];
	[tilespmem:s31+$0x8310] =	vst v1;
	v1 =	vmul.f32 $1.562500000e-02, v26  }
0x540: {  	v32 =	vld [tilespmem:$0x1D390];
	[tilespmem:s31+$0x8300] =	vst v0;
	v0 =	vmul.f32 $1.562500000e-02, v27  }
0x541: {  	v33 =	vld [tilespmem:$0x1D3A0];
	[tilespmem:s31+$0x8170] =	vst v1;
	v1 =	vmul.f32 $1.562500000e-02, v28  }
0x542: {  	v34 =	vld [tilespmem:$0x1D3B0];
	[tilespmem:s31+$0x8160] =	vst v0;
	v0 =	vmul.f32 $1.562500000e-02, v29  }
0x543: {  	v35 =	vld [tilespmem:$0x1D3C0];
	[tilespmem:s31+$0x8150] =	vst v1;
	v1 =	vmul.f32 $1.562500000e-02, v30  }
0x544: {  	v36 =	vld [tilespmem:$0x1D3D0];
	[tilespmem:s31+$0x8140] =	vst v0;
	v0 =	vmul.f32 $1.562500000e-02, v31  }
0x545: {  	v37 =	vld [tilespmem:$0x1D3E0];
	[tilespmem:s31+$0x8130] =	vst v1;
	v1 =	vmul.f32 $1.562500000e-02, v32  }
0x546: {  	v38 =	vld [tilespmem:$0x1D3F0];
	[tilespmem:s31+$0x8120] =	vst v0;
	v0 =	vmul.f32 $1.562500000e-02, v33  }
0x547: {  	v39 =	vld [tilespmem:$0x1D400];
	[tilespmem:s31+$0x8110] =	vst v1;
	v1 =	vmul.f32 $1.562500000e-02, v34  }
0x548: {  	v40 =	vld [tilespmem:$0x1D410];
	[tilespmem:s31+$0x8100] =	vst v0;
	v0 =	vmul.f32 $1.562500000e-02, v35  }
0x549: {  	v41 =	vld [tilespmem:$0x1D420];
	[tilespmem:s31+$0xBEF0] =	vst v1;
	v1 =	vmul.f32 $1.562500000e-02, v36  }
0x54a: {  	v42 =	vld [tilespmem:$0x1D430];
	[tilespmem:s31+$0xBEE0] =	vst v0;
	v0 =	vmul.f32 $1.562500000e-02, v37  }
0x54b: {  	v43 =	vld [tilespmem:$0x1D440];
	[tilespmem:s31+$0xBED0] =	vst v1;
	v1 =	vmul.f32 $1.562500000e-02, v38  }
0x54c: {  	v44 =	vld [tilespmem:$0x1D450];
	[tilespmem:s31+$0xBEC0] =	vst v0;
	v0 =	vmul.f32 $1.562500000e-02, v39  }
0x54d: {  	v45 =	vld [tilespmem:$0x1D460];
	[tilespmem:s31+$0xBEB0] =	vst v1;
	v1 =	vmul.f32 $1.562500000e-02, v40  }
0x54e: {  	v46 =	vld [tilespmem:$0x1D470];
	[tilespmem:s31+$0xBEA0] =	vst v0;
	v0 =	vmul.f32 $1.562500000e-02, v41  }
0x54f: {  	v47 =	vld [tilespmem:$0x1D480];
	[tilespmem:s31+$0xBE90] =	vst v1;
	v1 =	vmul.f32 $1.562500000e-02, v42  }
0x550: {  	v48 =	vld [tilespmem:$0x1D490];
	[tilespmem:s31+$0xBE80] =	vst v0;
	v0 =	vmul.f32 $1.562500000e-02, v43  }
0x551: {  	v49 =	vld [tilespmem:$0x1D4A0];
	[tilespmem:s31+$0xBCF0] =	vst v1;
	v1 =	vmul.f32 $1.562500000e-02, v44  }
0x552: {  	v50 =	vld [tilespmem:$0x1D4B0];
	[tilespmem:s31+$0xBCE0] =	vst v0;
	v0 =	vmul.f32 $1.562500000e-02, v45  }
0x553: {  	v51 =	vld [tilespmem:$0x1D4C0];
	[tilespmem:s31+$0xBCD0] =	vst v1;
	v1 =	vmul.f32 $1.562500000e-02, v46  }
0x554: {  	v52 =	vld [tilespmem:$0x1D4D0];
	[tilespmem:s31+$0xBCC0] =	vst v0;
	v0 =	vmul.f32 $1.562500000e-02, v47  }
0x555: {  	v53 =	vld [tilespmem:$0x1D4E0];
	[tilespmem:s31+$0xBCB0] =	vst v1;
	v1 =	vmul.f32 $1.562500000e-02, v48  }
0x556: {  	v54 =	vld [tilespmem:$0x1D4F0];
	[tilespmem:s31+$0xBCA0] =	vst v0;
	v0 =	vmul.f32 $1.562500000e-02, v49  }
0x557: {  	v55 =	vld [tilespmem:$0x1D500];
	[tilespmem:s31+$0xBC90] =	vst v1;
	v1 =	vmul.f32 $1.562500000e-02, v50  }
0x558: {  	v56 =	vld [tilespmem:$0x1D510];
	[tilespmem:s31+$0xBC80] =	vst v0;
	v0 =	vmul.f32 $1.562500000e-02, v51  }
0x559: {  	v57 =	vld [tilespmem:$0x1D520];
	[tilespmem:s31+$0xBAF0] =	vst v1;
	v1 =	vmul.f32 $1.562500000e-02, v52  }
0x55a: {  	v58 =	vld [tilespmem:$0x1D530];
	[tilespmem:s31+$0xBAE0] =	vst v0;
	v0 =	vmul.f32 $1.562500000e-02, v53  }
0x55b: {  	v59 =	vld [tilespmem:$0x1D540];
	[tilespmem:s31+$0xBAD0] =	vst v1;
	v1 =	vmul.f32 $1.562500000e-02, v54  }
0x55c: {  	v60 =	vld [tilespmem:$0x1D550];
	[tilespmem:s31+$0xBAC0] =	vst v0;
	v0 =	vmul.f32 $1.562500000e-02, v55  }
0x55d: {  	v61 =	vld [tilespmem:$0x1D560];
	[tilespmem:s31+$0xBAB0] =	vst v1;
	v1 =	vmul.f32 $1.562500000e-02, v56  }
0x55e: {  	v62 =	vld [tilespmem:$0x1D570];
	[tilespmem:s31+$0xBAA0] =	vst v0;
	v0 =	vmul.f32 $1.562500000e-02, v57  }
0x55f: {  	v17 =	vld [tilespmem:$0x1D580];
	[tilespmem:s31+$0xBA90] =	vst v1;
	v1 =	vmul.f32 $1.562500000e-02, v58  }
0x560: {  	v18 =	vld [tilespmem:$0x1D590];
	[tilespmem:s31+$0xBA80] =	vst v0;
	v0 =	vmul.f32 $1.562500000e-02, v59  }
0x561: {  	v19 =	vld [tilespmem:$0x1D5A0];
	[tilespmem:s31+$0xB8F0] =	vst v1;
	v1 =	vmul.f32 $1.562500000e-02, v60  }
0x562: {  	v20 =	vld [tilespmem:$0x1D5B0];
	[tilespmem:s31+$0xB8E0] =	vst v0;
	v0 =	vmul.f32 $1.562500000e-02, v61  }
0x563: {  	v21 =	vld [tilespmem:$0x1D5C0];
	[tilespmem:s31+$0xB8D0] =	vst v1;
	v1 =	vmul.f32 $1.562500000e-02, v62  }
0x564: {  	v22 =	vld [tilespmem:$0x1D5D0];
	[tilespmem:s31+$0xB8C0] =	vst v0;
	v0 =	vmul.f32 $1.562500000e-02, v17  }
0x565: {  	v23 =	vld [tilespmem:$0x1D5E0];
	[tilespmem:s31+$0xB8B0] =	vst v1;
	v1 =	vmul.f32 $1.562500000e-02, v18  }
0x566: {  	v24 =	vld [tilespmem:$0x1D5F0];
	[tilespmem:s31+$0xB8A0] =	vst v0;
	v0 =	vmul.f32 $1.562500000e-02, v19  }
0x567: {  	v25 =	vld [tilespmem:$0x1D600];
	[tilespmem:s31+$0xB890] =	vst v1;
	v1 =	vmul.f32 $1.562500000e-02, v20  }
0x568: {  	v26 =	vld [tilespmem:$0x1D610];
	[tilespmem:s31+$0xB880] =	vst v0;
	v0 =	vmul.f32 $1.562500000e-02, v21  }
0x569: {  	v27 =	vld [tilespmem:$0x1D620];
	[tilespmem:s31+$0xB6F0] =	vst v1;
	v1 =	vmul.f32 $1.562500000e-02, v22  }
0x56a: {  	v28 =	vld [tilespmem:$0x1D630];
	[tilespmem:s31+$0xB6E0] =	vst v0;
	v0 =	vmul.f32 $1.562500000e-02, v23  }
0x56b: {  	v29 =	vld [tilespmem:$0x1D640];
	[tilespmem:s31+$0xB6D0] =	vst v1;
	v1 =	vmul.f32 $1.562500000e-02, v24  }
0x56c: {  	v30 =	vld [tilespmem:$0x1D650];
	[tilespmem:s31+$0xB6C0] =	vst v0;
	v0 =	vmul.f32 $1.562500000e-02, v25  }
0x56d: {  	v31 =	vld [tilespmem:$0x1D660];
	[tilespmem:s31+$0xB6B0] =	vst v1;
	v1 =	vmul.f32 $1.562500000e-02, v26  }
0x56e: {  	v32 =	vld [tilespmem:$0x1D670];
	[tilespmem:s31+$0xB6A0] =	vst v0;
	v0 =	vmul.f32 $1.562500000e-02, v27  }
0x56f: {  	v33 =	vld [tilespmem:$0x1D680];
	[tilespmem:s31+$0xB690] =	vst v1;
	v1 =	vmul.f32 $1.562500000e-02, v28  }
0x570: {  	v34 =	vld [tilespmem:$0x1D690];
	[tilespmem:s31+$0xB680] =	vst v0;
	v0 =	vmul.f32 $1.562500000e-02, v29  }
0x571: {  	v35 =	vld [tilespmem:$0x1D6A0];
	[tilespmem:s31+$0xB4F0] =	vst v1;
	v1 =	vmul.f32 $1.562500000e-02, v30  }
0x572: {  	v36 =	vld [tilespmem:$0x1D6B0];
	[tilespmem:s31+$0xB4E0] =	vst v0;
	v0 =	vmul.f32 $1.562500000e-02, v31  }
0x573: {  	v37 =	vld [tilespmem:$0x1D6C0];
	[tilespmem:s31+$0xB4D0] =	vst v1;
	v1 =	vmul.f32 $1.562500000e-02, v32  }
0x574: {  	v38 =	vld [tilespmem:$0x1D6D0];
	[tilespmem:s31+$0xB4C0] =	vst v0;
	v0 =	vmul.f32 $1.562500000e-02, v33  }
0x575: {  	v39 =	vld [tilespmem:$0x1D6E0];
	[tilespmem:s31+$0xB4B0] =	vst v1;
	v1 =	vmul.f32 $1.562500000e-02, v34  }
0x576: {  	v40 =	vld [tilespmem:$0x1D6F0];
	[tilespmem:s31+$0xB4A0] =	vst v0;
	v0 =	vmul.f32 $1.562500000e-02, v35  }
0x577: {  	v41 =	vld [tilespmem:$0x1D700];
	[tilespmem:s31+$0xB490] =	vst v1;
	v1 =	vmul.f32 $1.562500000e-02, v36  }
0x578: {  	v42 =	vld [tilespmem:$0x1D710];
	[tilespmem:s31+$0xB480] =	vst v0;
	v0 =	vmul.f32 $1.562500000e-02, v37  }
0x579: {  	v43 =	vld [tilespmem:$0x1D720];
	[tilespmem:s31+$0xB2F0] =	vst v1;
	v1 =	vmul.f32 $1.562500000e-02, v38  }
0x57a: {  	v44 =	vld [tilespmem:$0x1D730];
	[tilespmem:s31+$0xB2E0] =	vst v0;
	v0 =	vmul.f32 $1.562500000e-02, v39  }
0x57b: {  	v45 =	vld [tilespmem:$0x1D740];
	[tilespmem:s31+$0xB2D0] =	vst v1;
	v1 =	vmul.f32 $1.562500000e-02, v40  }
0x57c: {  	v46 =	vld [tilespmem:$0x1D750];
	[tilespmem:s31+$0xB2C0] =	vst v0;
	v0 =	vmul.f32 $1.562500000e-02, v41  }
0x57d: {  	v47 =	vld [tilespmem:$0x1D760];
	[tilespmem:s31+$0xB2B0] =	vst v1;
	v1 =	vmul.f32 $1.562500000e-02, v42  }
0x57e: {  	v48 =	vld [tilespmem:$0x1D770];
	[tilespmem:s31+$0xB2A0] =	vst v0;
	v0 =	vmul.f32 $1.562500000e-02, v43  }
0x57f: {  	v49 =	vld [tilespmem:$0x1D780];
	[tilespmem:s31+$0xB290] =	vst v1;
	v1 =	vmul.f32 $1.562500000e-02, v44  }
0x580: {  	v50 =	vld [tilespmem:$0x1D790];
	[tilespmem:s31+$0xB280] =	vst v0;
	v0 =	vmul.f32 $1.562500000e-02, v45  }
0x581: {  	v51 =	vld [tilespmem:$0x1D7A0];
	[tilespmem:s31+$0xB0F0] =	vst v1;
	v1 =	vmul.f32 $1.562500000e-02, v46  }
0x582: {  	v52 =	vld [tilespmem:$0x1D7B0];
	[tilespmem:s31+$0xB0E0] =	vst v0;
	v0 =	vmul.f32 $1.562500000e-02, v47  }
0x583: {  	v53 =	vld [tilespmem:$0x1D7C0];
	[tilespmem:s31+$0xB0D0] =	vst v1;
	v1 =	vmul.f32 $1.562500000e-02, v48  }
0x584: {  	v54 =	vld [tilespmem:$0x1D7D0];
	[tilespmem:s31+$0xB0C0] =	vst v0;
	v0 =	vmul.f32 $1.562500000e-02, v49  }
0x585: {  	v55 =	vld [tilespmem:$0x1D7E0];
	[tilespmem:s31+$0xB0B0] =	vst v1;
	v1 =	vmul.f32 $1.562500000e-02, v50  }
0x586: {  	v56 =	vld [tilespmem:$0x1D7F0];
	[tilespmem:s31+$0xB0A0] =	vst v0;
	v0 =	vmul.f32 $1.562500000e-02, v51  }
0x587: {  	v57 =	vld [tilespmem:$0x1D800];
	[tilespmem:s31+$0xB090] =	vst v1;
	v1 =	vmul.f32 $1.562500000e-02, v52  }
0x588: {  	v58 =	vld [tilespmem:$0x1D810];
	[tilespmem:s31+$0xB080] =	vst v0;
	v0 =	vmul.f32 $1.562500000e-02, v53  }
0x589: {  	v59 =	vld [tilespmem:$0x1D820];
	[tilespmem:s31+$0xAEF0] =	vst v1;
	v1 =	vmul.f32 $1.562500000e-02, v54  }
0x58a: {  	v60 =	vld [tilespmem:$0x1D830];
	[tilespmem:s31+$0xAEE0] =	vst v0;
	v0 =	vmul.f32 $1.562500000e-02, v55  }
0x58b: {  	v61 =	vld [tilespmem:$0x1D840];
	[tilespmem:s31+$0xAED0] =	vst v1;
	v1 =	vmul.f32 $1.562500000e-02, v56  }
0x58c: {  	v62 =	vld [tilespmem:$0x1D850];
	[tilespmem:s31+$0xAEC0] =	vst v0;
	v0 =	vmul.f32 $1.562500000e-02, v57  }
0x58d: {  	v17 =	vld [tilespmem:$0x1D860];
	[tilespmem:s31+$0xAEB0] =	vst v1;
	v1 =	vmul.f32 $1.562500000e-02, v58  }
0x58e: {  	v18 =	vld [tilespmem:$0x1D870];
	[tilespmem:s31+$0xAEA0] =	vst v0;
	v0 =	vmul.f32 $1.562500000e-02, v59  }
0x58f: {  	v19 =	vld [tilespmem:$0x1D880];
	[tilespmem:s31+$0xAE90] =	vst v1;
	v1 =	vmul.f32 $1.562500000e-02, v60  }
0x590: {  	v20 =	vld [tilespmem:$0x1D890];
	[tilespmem:s31+$0xAE80] =	vst v0;
	v0 =	vmul.f32 $1.562500000e-02, v61  }
0x591: {  	v21 =	vld [tilespmem:$0x1D8A0];
	[tilespmem:s31+$0xACF0] =	vst v1;
	v1 =	vmul.f32 $1.562500000e-02, v62  }
0x592: {  	v22 =	vld [tilespmem:$0x1D8B0];
	[tilespmem:s31+$0xACE0] =	vst v0;
	v0 =	vmul.f32 $1.562500000e-02, v17  }
0x593: {  	v23 =	vld [tilespmem:$0x1D8C0];
	[tilespmem:s31+$0xACD0] =	vst v1;
	v1 =	vmul.f32 $1.562500000e-02, v18  }
0x594: {  	v24 =	vld [tilespmem:$0x1D8D0];
	[tilespmem:s31+$0xACC0] =	vst v0;
	v0 =	vmul.f32 $1.562500000e-02, v19  }
0x595: {  	v25 =	vld [tilespmem:$0x1D8E0];
	[tilespmem:s31+$0xACB0] =	vst v1;
	v1 =	vmul.f32 $1.562500000e-02, v20  }
0x596: {  	v26 =	vld [tilespmem:$0x1D8F0];
	[tilespmem:s31+$0xACA0] =	vst v0;
	v0 =	vmul.f32 $1.562500000e-02, v21  }
0x597: {  	v27 =	vld [tilespmem:$0x1D900];
	[tilespmem:s31+$0xAC90] =	vst v1;
	v1 =	vmul.f32 $1.562500000e-02, v22  }
0x598: {  	v28 =	vld [tilespmem:$0x1D910];
	[tilespmem:s31+$0xAC80] =	vst v0;
	v0 =	vmul.f32 $1.562500000e-02, v23  }
0x599: {  	v29 =	vld [tilespmem:$0x1D920];
	[tilespmem:s31+$0xAAF0] =	vst v1;
	v1 =	vmul.f32 $1.562500000e-02, v24  }
0x59a: {  	v30 =	vld [tilespmem:$0x1D930];
	[tilespmem:s31+$0xAAE0] =	vst v0;
	v0 =	vmul.f32 $1.562500000e-02, v25  }
0x59b: {  	v31 =	vld [tilespmem:$0x1D940];
	[tilespmem:s31+$0xAAD0] =	vst v1;
	v1 =	vmul.f32 $1.562500000e-02, v26  }
0x59c: {  	v32 =	vld [tilespmem:$0x1D950];
	[tilespmem:s31+$0xAAC0] =	vst v0;
	v0 =	vmul.f32 $1.562500000e-02, v27  }
0x59d: {  	v33 =	vld [tilespmem:$0x1D960];
	[tilespmem:s31+$0xAAB0] =	vst v1;
	v1 =	vmul.f32 $1.562500000e-02, v28  }
0x59e: {  	v34 =	vld [tilespmem:$0x1D970];
	[tilespmem:s31+$0xAAA0] =	vst v0;
	v0 =	vmul.f32 $1.562500000e-02, v29  }
0x59f: {  	v35 =	vld [tilespmem:$0x1D980];
	[tilespmem:s31+$0xAA90] =	vst v1;
	v1 =	vmul.f32 $1.562500000e-02, v30  }
0x5a0: {  	v36 =	vld [tilespmem:$0x1D990];
	[tilespmem:s31+$0xAA80] =	vst v0;
	v0 =	vmul.f32 $1.562500000e-02, v31  }
0x5a1: {  	v37 =	vld [tilespmem:$0x1D9A0];
	[tilespmem:s31+$0xA8F0] =	vst v1;
	v1 =	vmul.f32 $1.562500000e-02, v32  }
0x5a2: {  	v38 =	vld [tilespmem:$0x1D9B0];
	[tilespmem:s31+$0xA8E0] =	vst v0;
	v0 =	vmul.f32 $1.562500000e-02, v33  }
0x5a3: {  	v39 =	vld [tilespmem:$0x1D9C0];
	[tilespmem:s31+$0xA8D0] =	vst v1;
	v1 =	vmul.f32 $1.562500000e-02, v34  }
0x5a4: {  	v40 =	vld [tilespmem:$0x1D9D0];
	[tilespmem:s31+$0xA8C0] =	vst v0;
	v0 =	vmul.f32 $1.562500000e-02, v35  }
0x5a5: {  	v41 =	vld [tilespmem:$0x1D9E0];
	[tilespmem:s31+$0xA8B0] =	vst v1;
	v1 =	vmul.f32 $1.562500000e-02, v36  }
0x5a6: {  	v42 =	vld [tilespmem:$0x1D9F0];
	[tilespmem:s31+$0xA8A0] =	vst v0;
	v0 =	vmul.f32 $1.562500000e-02, v37  }
0x5a7: {  	v43 =	vld [tilespmem:$0x1DA00];
	[tilespmem:s31+$0xA890] =	vst v1;
	v1 =	vmul.f32 $1.562500000e-02, v38  }
0x5a8: {  	v44 =	vld [tilespmem:$0x1DA10];
	[tilespmem:s31+$0xA880] =	vst v0;
	v0 =	vmul.f32 $1.562500000e-02, v39  }
0x5a9: {  	v45 =	vld [tilespmem:$0x1DA20];
	[tilespmem:s31+$0xA6F0] =	vst v1;
	v1 =	vmul.f32 $1.562500000e-02, v40  }
0x5aa: {  	v46 =	vld [tilespmem:$0x1DA30];
	[tilespmem:s31+$0xA6E0] =	vst v0;
	v0 =	vmul.f32 $1.562500000e-02, v41  }
0x5ab: {  	v47 =	vld [tilespmem:$0x1DA40];
	[tilespmem:s31+$0xA6D0] =	vst v1;
	v1 =	vmul.f32 $1.562500000e-02, v42  }
0x5ac: {  	v48 =	vld [tilespmem:$0x1DA50];
	[tilespmem:s31+$0xA6C0] =	vst v0;
	v0 =	vmul.f32 $1.562500000e-02, v43  }
0x5ad: {  	v49 =	vld [tilespmem:$0x1DA60];
	[tilespmem:s31+$0xA6B0] =	vst v1;
	v1 =	vmul.f32 $1.562500000e-02, v44  }
0x5ae: {  	v50 =	vld [tilespmem:$0x1DA70];
	[tilespmem:s31+$0xA6A0] =	vst v0;
	v0 =	vmul.f32 $1.562500000e-02, v45  }
0x5af: {  	v51 =	vld [tilespmem:$0x1DA80];
	[tilespmem:s31+$0xA690] =	vst v1;
	v1 =	vmul.f32 $1.562500000e-02, v46  }
0x5b0: {  	v52 =	vld [tilespmem:$0x1DA90];
	[tilespmem:s31+$0xA680] =	vst v0;
	v0 =	vmul.f32 $1.562500000e-02, v47  }
0x5b1: {  	v53 =	vld [tilespmem:$0x1DAA0];
	[tilespmem:s31+$0xA4F0] =	vst v1;
	v1 =	vmul.f32 $1.562500000e-02, v48  }
0x5b2: {  	v54 =	vld [tilespmem:$0x1DAB0];
	[tilespmem:s31+$0xA4E0] =	vst v0;
	v0 =	vmul.f32 $1.562500000e-02, v49  }
0x5b3: {  	v55 =	vld [tilespmem:$0x1DAC0];
	[tilespmem:s31+$0xA4D0] =	vst v1;
	v1 =	vmul.f32 $1.562500000e-02, v50  }
0x5b4: {  	v56 =	vld [tilespmem:$0x1DAD0];
	[tilespmem:s31+$0xA4C0] =	vst v0;
	v0 =	vmul.f32 $1.562500000e-02, v51  }
0x5b5: {  	v57 =	vld [tilespmem:$0x1DAE0];
	[tilespmem:s31+$0xA4B0] =	vst v1;
	v1 =	vmul.f32 $1.562500000e-02, v52  }
0x5b6: {  	v58 =	vld [tilespmem:$0x1DAF0];
	[tilespmem:s31+$0xA4A0] =	vst v0;
	v0 =	vmul.f32 $1.562500000e-02, v53  }
0x5b7: {  	v59 =	vld [tilespmem:$0x1DB00];
	[tilespmem:s31+$0xA490] =	vst v1;
	v1 =	vmul.f32 $1.562500000e-02, v54  }
0x5b8: {  	v60 =	vld [tilespmem:$0x1DB10];
	[tilespmem:s31+$0xA480] =	vst v0;
	v0 =	vmul.f32 $1.562500000e-02, v55  }
0x5b9: {  	v61 =	vld [tilespmem:$0x1DB20];
	[tilespmem:s31+$0xA2F0] =	vst v1;
	v1 =	vmul.f32 $1.562500000e-02, v56  }
0x5ba: {  	v62 =	vld [tilespmem:$0x1DB30];
	[tilespmem:s31+$0xA2E0] =	vst v0;
	v0 =	vmul.f32 $1.562500000e-02, v57  }
0x5bb: {  	v17 =	vld [tilespmem:$0x1DB40];
	[tilespmem:s31+$0xA2D0] =	vst v1;
	v1 =	vmul.f32 $1.562500000e-02, v58  }
0x5bc: {  	v18 =	vld [tilespmem:$0x1DB50];
	[tilespmem:s31+$0xA2C0] =	vst v0;
	v0 =	vmul.f32 $1.562500000e-02, v59  }
0x5bd: {  	v19 =	vld [tilespmem:$0x1DB60];
	[tilespmem:s31+$0xA2B0] =	vst v1;
	v1 =	vmul.f32 $1.562500000e-02, v60  }
0x5be: {  	v20 =	vld [tilespmem:$0x1DB70];
	[tilespmem:s31+$0xA2A0] =	vst v0;
	v0 =	vmul.f32 $1.562500000e-02, v61  }
0x5bf: {  	v21 =	vld [tilespmem:$0x1DB80];
	[tilespmem:s31+$0xA290] =	vst v1;
	v1 =	vmul.f32 $1.562500000e-02, v62  }
0x5c0: {  	v22 =	vld [tilespmem:$0x1DB90];
	[tilespmem:s31+$0xA280] =	vst v0;
	v0 =	vmul.f32 $1.562500000e-02, v17  }
0x5c1: {  	v23 =	vld [tilespmem:$0x1DBA0];
	[tilespmem:s31+$0xA0F0] =	vst v1;
	v1 =	vmul.f32 $1.562500000e-02, v18  }
0x5c2: {  	v24 =	vld [tilespmem:$0x1DBB0];
	[tilespmem:s31+$0xA0E0] =	vst v0;
	v0 =	vmul.f32 $1.562500000e-02, v19  }
0x5c3: {  	v25 =	vld [tilespmem:$0x1DBC0];
	[tilespmem:s31+$0xA0D0] =	vst v1;
	v1 =	vmul.f32 $1.562500000e-02, v20  }
0x5c4: {  	v26 =	vld [tilespmem:$0x1DBD0];
	[tilespmem:s31+$0xA0C0] =	vst v0;
	v0 =	vmul.f32 $1.562500000e-02, v21  }
0x5c5: {  	v27 =	vld [tilespmem:$0x1DBE0];
	[tilespmem:s31+$0xA0B0] =	vst v1;
	v1 =	vmul.f32 $1.562500000e-02, v22  }
0x5c6: {  	v28 =	vld [tilespmem:$0x1DBF0];
	[tilespmem:s31+$0xA0A0] =	vst v0;
	v0 =	vmul.f32 $1.562500000e-02, v23  }
0x5c7: {  	v29 =	vld [tilespmem:$0x1DC00];
	[tilespmem:s31+$0xA090] =	vst v1;
	v1 =	vmul.f32 $1.562500000e-02, v24  }
0x5c8: {  	v30 =	vld [tilespmem:$0x1DC10];
	[tilespmem:s31+$0xA080] =	vst v0;
	v0 =	vmul.f32 $1.562500000e-02, v25  }
0x5c9: {  	v31 =	vld [tilespmem:$0x1DC20];
	[tilespmem:s31+$0x9EF0] =	vst v1;
	v1 =	vmul.f32 $1.562500000e-02, v26  }
0x5ca: {  	v32 =	vld [tilespmem:$0x1DC30];
	[tilespmem:s31+$0x9EE0] =	vst v0;
	v0 =	vmul.f32 $1.562500000e-02, v27  }
0x5cb: {  	v33 =	vld [tilespmem:$0x1DC40];
	[tilespmem:s31+$0x9ED0] =	vst v1;
	v1 =	vmul.f32 $1.562500000e-02, v28  }
0x5cc: {  	v34 =	vld [tilespmem:$0x1DC50];
	[tilespmem:s31+$0x9EC0] =	vst v0;
	v0 =	vmul.f32 $1.562500000e-02, v29  }
0x5cd: {  	v35 =	vld [tilespmem:$0x1DC60];
	[tilespmem:s31+$0x9EB0] =	vst v1;
	v1 =	vmul.f32 $1.562500000e-02, v30  }
0x5ce: {  	v36 =	vld [tilespmem:$0x1DC70];
	[tilespmem:s31+$0x9EA0] =	vst v0;
	v0 =	vmul.f32 $1.562500000e-02, v31  }
0x5cf: {  	v37 =	vld [tilespmem:$0x1DC80];
	[tilespmem:s31+$0x9E90] =	vst v1;
	v1 =	vmul.f32 $1.562500000e-02, v32  }
0x5d0: {  	v38 =	vld [tilespmem:$0x1DC90];
	[tilespmem:s31+$0x9E80] =	vst v0;
	v0 =	vmul.f32 $1.562500000e-02, v33  }
0x5d1: {  	v39 =	vld [tilespmem:$0x1DCA0];
	[tilespmem:s31+$0x9CF0] =	vst v1;
	v1 =	vmul.f32 $1.562500000e-02, v34  }
0x5d2: {  	v40 =	vld [tilespmem:$0x1DCB0];
	[tilespmem:s31+$0x9CE0] =	vst v0;
	v0 =	vmul.f32 $1.562500000e-02, v35  }
0x5d3: {  	v41 =	vld [tilespmem:$0x1DCC0];
	[tilespmem:s31+$0x9CD0] =	vst v1;
	v1 =	vmul.f32 $1.562500000e-02, v36  }
0x5d4: {  	v42 =	vld [tilespmem:$0x1DCD0];
	[tilespmem:s31+$0x9CC0] =	vst v0;
	v0 =	vmul.f32 $1.562500000e-02, v37  }
0x5d5: {  	v43 =	vld [tilespmem:$0x1DCE0];
	[tilespmem:s31+$0x9CB0] =	vst v1;
	v1 =	vmul.f32 $1.562500000e-02, v38  }
0x5d6: {  	v44 =	vld [tilespmem:$0x1DCF0];
	[tilespmem:s31+$0x9CA0] =	vst v0;
	v0 =	vmul.f32 $1.562500000e-02, v39  }
0x5d7: {  	v45 =	vld [tilespmem:$0x1DD00];
	[tilespmem:s31+$0x9C90] =	vst v1;
	v1 =	vmul.f32 $1.562500000e-02, v40  }
0x5d8: {  	v46 =	vld [tilespmem:$0x1DD10];
	[tilespmem:s31+$0x9C80] =	vst v0;
	v0 =	vmul.f32 $1.562500000e-02, v41  }
0x5d9: {  	v47 =	vld [tilespmem:$0x1DD20];
	[tilespmem:s31+$0x9AF0] =	vst v1;
	v1 =	vmul.f32 $1.562500000e-02, v42  }
0x5da: {  	v48 =	vld [tilespmem:$0x1DD30];
	[tilespmem:s31+$0x9AE0] =	vst v0;
	v0 =	vmul.f32 $1.562500000e-02, v43  }
0x5db: {  	v49 =	vld [tilespmem:$0x1DD40];
	[tilespmem:s31+$0x9AD0] =	vst v1;
	v1 =	vmul.f32 $1.562500000e-02, v44  }
0x5dc: {  	v50 =	vld [tilespmem:$0x1DD50];
	[tilespmem:s31+$0x9AC0] =	vst v0;
	v0 =	vmul.f32 $1.562500000e-02, v45  }
0x5dd: {  	v51 =	vld [tilespmem:$0x1DD60];
	[tilespmem:s31+$0x9AB0] =	vst v1;
	v1 =	vmul.f32 $1.562500000e-02, v46  }
0x5de: {  	v52 =	vld [tilespmem:$0x1DD70];
	[tilespmem:s31+$0x9AA0] =	vst v0;
	v0 =	vmul.f32 $1.562500000e-02, v47  }
0x5df: {  	v53 =	vld [tilespmem:$0x1DD80];
	[tilespmem:s31+$0x9A90] =	vst v1;
	v1 =	vmul.f32 $1.562500000e-02, v48  }
0x5e0: {  	v54 =	vld [tilespmem:$0x1DD90];
	[tilespmem:s31+$0x9A80] =	vst v0;
	v0 =	vmul.f32 $1.562500000e-02, v49  }
0x5e1: {  	v55 =	vld [tilespmem:$0x1DDA0];
	[tilespmem:s31+$0x98F0] =	vst v1;
	v1 =	vmul.f32 $1.562500000e-02, v50  }
0x5e2: {  	v56 =	vld [tilespmem:$0x1DDB0];
	[tilespmem:s31+$0x98E0] =	vst v0;
	v0 =	vmul.f32 $1.562500000e-02, v51  }
0x5e3: {  	v57 =	vld [tilespmem:$0x1DDC0];
	[tilespmem:s31+$0x98D0] =	vst v1;
	v1 =	vmul.f32 $1.562500000e-02, v52  }
0x5e4: {  	v58 =	vld [tilespmem:$0x1DDD0];
	[tilespmem:s31+$0x98C0] =	vst v0;
	v0 =	vmul.f32 $1.562500000e-02, v53  }
0x5e5: {  	v59 =	vld [tilespmem:$0x1DDE0];
	[tilespmem:s31+$0x98B0] =	vst v1;
	v1 =	vmul.f32 $1.562500000e-02, v54  }
0x5e6: {  	v60 =	vld [tilespmem:$0x1DDF0];
	[tilespmem:s31+$0x98A0] =	vst v0;
	v0 =	vmul.f32 $1.562500000e-02, v55  }
0x5e7: {  	v61 =	vld [tilespmem:$0x1DE00];
	[tilespmem:s31+$0x9890] =	vst v1;
	v1 =	vmul.f32 $1.562500000e-02, v56  }
0x5e8: {  	v62 =	vld [tilespmem:$0x1DE10];
	[tilespmem:s31+$0x9880] =	vst v0;
	v0 =	vmul.f32 $1.562500000e-02, v57  }
0x5e9: {  	v17 =	vld [tilespmem:$0x1DE20];
	[tilespmem:s31+$0x96F0] =	vst v1;
	v1 =	vmul.f32 $1.562500000e-02, v58  }
0x5ea: {  	v18 =	vld [tilespmem:$0x1DE30];
	[tilespmem:s31+$0x96E0] =	vst v0;
	v0 =	vmul.f32 $1.562500000e-02, v59  }
0x5eb: {  	v19 =	vld [tilespmem:$0x1DE40];
	[tilespmem:s31+$0x96D0] =	vst v1;
	v1 =	vmul.f32 $1.562500000e-02, v60  }
0x5ec: {  	v20 =	vld [tilespmem:$0x1DE50];
	[tilespmem:s31+$0x96C0] =	vst v0;
	v0 =	vmul.f32 $1.562500000e-02, v61  }
0x5ed: {  	v21 =	vld [tilespmem:$0x1DE60];
	[tilespmem:s31+$0x96B0] =	vst v1;
	v1 =	vmul.f32 $1.562500000e-02, v62  }
0x5ee: {  	v22 =	vld [tilespmem:$0x1DE70];
	[tilespmem:s31+$0x96A0] =	vst v0;
	v0 =	vmul.f32 $1.562500000e-02, v17  }
0x5ef: {  	v23 =	vld [tilespmem:$0x1DE80];
	[tilespmem:s31+$0x9690] =	vst v1;
	v1 =	vmul.f32 $1.562500000e-02, v18  }
0x5f0: {  	v24 =	vld [tilespmem:$0x1DE90];
	[tilespmem:s31+$0x9680] =	vst v0;
	v0 =	vmul.f32 $1.562500000e-02, v19  }
0x5f1: {  	v25 =	vld [tilespmem:$0x1DEA0];
	[tilespmem:s31+$0x94F0] =	vst v1;
	v1 =	vmul.f32 $1.562500000e-02, v20  }
0x5f2: {  	v26 =	vld [tilespmem:$0x1DEB0];
	[tilespmem:s31+$0x94E0] =	vst v0;
	v0 =	vmul.f32 $1.562500000e-02, v21  }
0x5f3: {  	v27 =	vld [tilespmem:$0x1DEC0];
	[tilespmem:s31+$0x94D0] =	vst v1;
	v1 =	vmul.f32 $1.562500000e-02, v22  }
0x5f4: {  	v28 =	vld [tilespmem:$0x1DED0];
	[tilespmem:s31+$0x94C0] =	vst v0;
	v0 =	vmul.f32 $1.562500000e-02, v23  }
0x5f5: {  	v29 =	vld [tilespmem:$0x1DEE0];
	[tilespmem:s31+$0x94B0] =	vst v1;
	v1 =	vmul.f32 $1.562500000e-02, v24  }
0x5f6: {  	v30 =	vld [tilespmem:$0x1DEF0];
	[tilespmem:s31+$0x94A0] =	vst v0;
	v0 =	vmul.f32 $1.562500000e-02, v25  }
0x5f7: {  	v31 =	vld [tilespmem:$0x1DF00];
	[tilespmem:s31+$0x9490] =	vst v1;
	v1 =	vmul.f32 $1.562500000e-02, v26  }
0x5f8: {  	v32 =	vld [tilespmem:$0x1DF10];
	[tilespmem:s31+$0x9480] =	vst v0;
	v0 =	vmul.f32 $1.562500000e-02, v27  }
0x5f9: {  	v33 =	vld [tilespmem:$0x1DF20];
	[tilespmem:s31+$0x92F0] =	vst v1;
	v1 =	vmul.f32 $1.562500000e-02, v28  }
0x5fa: {  	v34 =	vld [tilespmem:$0x1DF30];
	[tilespmem:s31+$0x92E0] =	vst v0;
	v0 =	vmul.f32 $1.562500000e-02, v29  }
0x5fb: {  	v35 =	vld [tilespmem:$0x1DF40];
	[tilespmem:s31+$0x92D0] =	vst v1;
	v1 =	vmul.f32 $1.562500000e-02, v30  }
0x5fc: {  	v36 =	vld [tilespmem:$0x1DF50];
	[tilespmem:s31+$0x92C0] =	vst v0;
	v0 =	vmul.f32 $1.562500000e-02, v31  }
0x5fd: {  	v37 =	vld [tilespmem:$0x1DF60];
	[tilespmem:s31+$0x92B0] =	vst v1;
	v1 =	vmul.f32 $1.562500000e-02, v32  }
0x5fe: {  	v38 =	vld [tilespmem:$0x1DF70];
	[tilespmem:s31+$0x92A0] =	vst v0;
	v0 =	vmul.f32 $1.562500000e-02, v33  }
0x5ff: {  	v39 =	vld [tilespmem:$0x1DF80];
	[tilespmem:s31+$0x9290] =	vst v1;
	v1 =	vmul.f32 $1.562500000e-02, v34  }
0x600: {  	v40 =	vld [tilespmem:$0x1DF90];
	[tilespmem:s31+$0x9280] =	vst v0;
	v0 =	vmul.f32 $1.562500000e-02, v35  }
0x601: {  	v41 =	vld [tilespmem:$0x1DFA0];
	[tilespmem:s31+$0x90F0] =	vst v1;
	v1 =	vmul.f32 $1.562500000e-02, v36  }
0x602: {  	v42 =	vld [tilespmem:$0x1DFB0];
	[tilespmem:s31+$0x90E0] =	vst v0;
	v0 =	vmul.f32 $1.562500000e-02, v37  }
0x603: {  	v43 =	vld [tilespmem:$0x1DFC0];
	[tilespmem:s31+$0x90D0] =	vst v1;
	v1 =	vmul.f32 $1.562500000e-02, v38  }
0x604: {  	v44 =	vld [tilespmem:$0x1DFD0];
	[tilespmem:s31+$0x90C0] =	vst v0;
	v0 =	vmul.f32 $1.562500000e-02, v39  }
0x605: {  	v45 =	vld [tilespmem:$0x1DFE0];
	[tilespmem:s31+$0x90B0] =	vst v1;
	v1 =	vmul.f32 $1.562500000e-02, v40  }
0x606: {  	v46 =	vld [tilespmem:$0x1DFF0];
	[tilespmem:s31+$0x90A0] =	vst v0;
	v0 =	vmul.f32 $1.562500000e-02, v41  }
0x607: {  	v47 =	vld [tilespmem:$0x1E000];
	[tilespmem:s31+$0x9090] =	vst v1;
	v1 =	vmul.f32 $1.562500000e-02, v42  }
0x608: {  	v48 =	vld [tilespmem:$0x1E010];
	[tilespmem:s31+$0x9080] =	vst v0;
	v0 =	vmul.f32 $1.562500000e-02, v43  }
0x609: {  	v49 =	vld [tilespmem:$0x1E020];
	[tilespmem:s31+$0x8EF0] =	vst v1;
	v1 =	vmul.f32 $1.562500000e-02, v44  }
0x60a: {  	v50 =	vld [tilespmem:$0x1E030];
	[tilespmem:s31+$0x8EE0] =	vst v0;
	v0 =	vmul.f32 $1.562500000e-02, v45  }
0x60b: {  	v51 =	vld [tilespmem:$0x1E040];
	[tilespmem:s31+$0x8ED0] =	vst v1;
	v1 =	vmul.f32 $1.562500000e-02, v46  }
0x60c: {  	v52 =	vld [tilespmem:$0x1E050];
	[tilespmem:s31+$0x8EC0] =	vst v0;
	v0 =	vmul.f32 $1.562500000e-02, v47  }
0x60d: {  	v53 =	vld [tilespmem:$0x1E060];
	[tilespmem:s31+$0x8EB0] =	vst v1;
	v1 =	vmul.f32 $1.562500000e-02, v48  }
0x60e: {  	v54 =	vld [tilespmem:$0x1E070];
	[tilespmem:s31+$0x8EA0] =	vst v0;
	v0 =	vmul.f32 $1.562500000e-02, v49  }
0x60f: {  	v55 =	vld [tilespmem:$0x1E080];
	[tilespmem:s31+$0x8E90] =	vst v1;
	v1 =	vmul.f32 $1.562500000e-02, v50  }
0x610: {  	v56 =	vld [tilespmem:$0x1E090];
	[tilespmem:s31+$0x8E80] =	vst v0;
	v0 =	vmul.f32 $1.562500000e-02, v51  }
0x611: {  	v57 =	vld [tilespmem:$0x1E0A0];
	[tilespmem:s31+$0x8CF0] =	vst v1;
	v1 =	vmul.f32 $1.562500000e-02, v52  }
0x612: {  	v58 =	vld [tilespmem:$0x1E0B0];
	[tilespmem:s31+$0x8CE0] =	vst v0;
	v0 =	vmul.f32 $1.562500000e-02, v53  }
0x613: {  	v59 =	vld [tilespmem:$0x1E0C0];
	[tilespmem:s31+$0x8CD0] =	vst v1;
	v1 =	vmul.f32 $1.562500000e-02, v54  }
0x614: {  	v60 =	vld [tilespmem:$0x1E0D0];
	[tilespmem:s31+$0x8CC0] =	vst v0;
	v0 =	vmul.f32 $1.562500000e-02, v55  }
0x615: {  	v61 =	vld [tilespmem:$0x1E0E0];
	[tilespmem:s31+$0x8CB0] =	vst v1;
	v1 =	vmul.f32 $1.562500000e-02, v56  }
0x616: {  	v62 =	vld [tilespmem:$0x1E0F0];
	[tilespmem:s31+$0x8CA0] =	vst v0;
	v0 =	vmul.f32 $1.562500000e-02, v57  }
0x617: {  	v17 =	vld [tilespmem:$0x1E100];
	[tilespmem:s31+$0x8C90] =	vst v1;
	v1 =	vmul.f32 $1.562500000e-02, v58  }
0x618: {  	v18 =	vld [tilespmem:$0x1E110];
	[tilespmem:s31+$0x8C80] =	vst v0;
	v0 =	vmul.f32 $1.562500000e-02, v59  }
0x619: {  	v19 =	vld [tilespmem:$0x1E120];
	[tilespmem:s31+$0x8AF0] =	vst v1;
	v1 =	vmul.f32 $1.562500000e-02, v60  }
0x61a: {  	v20 =	vld [tilespmem:$0x1E130];
	[tilespmem:s31+$0x8AE0] =	vst v0;
	v0 =	vmul.f32 $1.562500000e-02, v61  }
0x61b: {  	v21 =	vld [tilespmem:$0x1E140];
	[tilespmem:s31+$0x8AD0] =	vst v1;
	v1 =	vmul.f32 $1.562500000e-02, v62  }
0x61c: {  	v22 =	vld [tilespmem:$0x1E150];
	[tilespmem:s31+$0x8AC0] =	vst v0;
	v0 =	vmul.f32 $1.562500000e-02, v17  }
0x61d: {  	[tilespmem:s31+$0x8AB0] =	vst v1;
	v1 =	vmul.f32 $1.562500000e-02, v18  }
0x61e: {  	[tilespmem:s31+$0x8AA0] =	vst v0;
	v0 =	vmul.f32 $1.562500000e-02, v19  }
0x61f: {  	[tilespmem:s31+$0x8A90] =	vst v1;
	v1 =	vmul.f32 $1.562500000e-02, v20  }
0x620: {  	[tilespmem:s31+$0x8A80] =	vst v0;
	v0 =	vmul.f32 $1.562500000e-02, v21  }
0x621: {  	[tilespmem:s31+$0x88F0] =	vst v1;
	v1 =	vmul.f32 $1.562500000e-02, v22  }
0x622: {  	[tilespmem:s31+$0x88E0] =	vst v0  }
0x623: {  	v23 =	vld [tilespmem:$0x1E160];
	[tilespmem:s31+$0x88D0] =	vst v1  }
0x624: {  	v1 =	vld [tilespmem:$0x1E170]  }
0x625: {  	v24 =	vld [tilespmem:$0x1E180]  }
0x626: {  	v25 =	vld [tilespmem:$0x1E190]  }
0x627: {  	v26 =	vld [tilespmem:$0x1E1A0]  }
0x628: {  	v0 =	vmul.f32 $1.562500000e-02, v23;
	v27 =	vld [tilespmem:$0x1E1B0]  }
0x629: {  	v28 =	vld [tilespmem:$0x1E1C0];
	v1 =	vmul.f32 $1.562500000e-02, v1  }
0x62a: {  	[tilespmem:s31+$0x88C0] =	vst v0;
	v29 =	vld [tilespmem:$0x1E1D0];
	v0 =	vmul.f32 $1.562500000e-02, v24  }
0x62b: {  	v30 =	vld [tilespmem:$0x1E1E0];
	[tilespmem:s31+$0x88B0] =	vst v1;
	v1 =	vmul.f32 $1.562500000e-02, v25  }
0x62c: {  	v31 =	vld [tilespmem:$0x1E1F0];
	[tilespmem:s31+$0x88A0] =	vst v0;
	v0 =	vmul.f32 $1.562500000e-02, v26  }
0x62d: {  	v32 =	vld [tilespmem:$0x1E200];
	[tilespmem:s31+$0x8890] =	vst v1;
	v1 =	vmul.f32 $1.562500000e-02, v27  }
0x62e: {  	v33 =	vld [tilespmem:$0x1E210];
	[tilespmem:s31+$0x8880] =	vst v0;
	v0 =	vmul.f32 $1.562500000e-02, v28  }
0x62f: {  	v34 =	vld [tilespmem:$0x1E220];
	[tilespmem:s31+$0x86F0] =	vst v1;
	v1 =	vmul.f32 $1.562500000e-02, v29  }
0x630: {  	v35 =	vld [tilespmem:$0x1E230];
	[tilespmem:s31+$0x86E0] =	vst v0;
	v0 =	vmul.f32 $1.562500000e-02, v30  }
0x631: {  	v36 =	vld [tilespmem:$0x1E240];
	[tilespmem:s31+$0x86D0] =	vst v1;
	v1 =	vmul.f32 $1.562500000e-02, v31  }
0x632: {  	v37 =	vld [tilespmem:$0x1E250];
	[tilespmem:s31+$0x86C0] =	vst v0;
	v0 =	vmul.f32 $1.562500000e-02, v32  }
0x633: {  	v38 =	vld [tilespmem:$0x1E260];
	[tilespmem:s31+$0x8370] =	vst v1;
	v1 =	vmul.f32 $1.562500000e-02, v33  }
0x634: {  	v39 =	vld [tilespmem:$0x1E270];
	[tilespmem:s31+$0x8500] =	vst v0;
	v0 =	vmul.f32 $1.562500000e-02, v34  }
0x635: {  	v40 =	vld [tilespmem:$0x1E280];
	[tilespmem:s31+$0x8510] =	vst v1;
	v1 =	vmul.f32 $1.562500000e-02, v35  }
0x636: {  	v41 =	vld [tilespmem:$0x1E290];
	[tilespmem:s31+$0x8520] =	vst v0;
	v0 =	vmul.f32 $1.562500000e-02, v36  }
0x637: {  	v42 =	vld [tilespmem:$0x1E2A0];
	[tilespmem:s31+$0x8530] =	vst v1;
	v1 =	vmul.f32 $1.562500000e-02, v37  }
0x638: {  	v43 =	vld [tilespmem:$0x1E2B0];
	[tilespmem:s31+$0x8540] =	vst v0;
	v0 =	vmul.f32 $1.562500000e-02, v38  }
0x639: {  	v44 =	vld [tilespmem:$0x1E2C0];
	[tilespmem:s31+$0x8550] =	vst v1;
	v1 =	vmul.f32 $1.562500000e-02, v39  }
0x63a: {  	v45 =	vld [tilespmem:$0x1E2D0];
	[tilespmem:s31+$0x8560] =	vst v0;
	v0 =	vmul.f32 $1.562500000e-02, v40  }
0x63b: {  	v46 =	vld [tilespmem:$0x1E2E0];
	[tilespmem:s31+$0x8570] =	vst v1;
	v1 =	vmul.f32 $1.562500000e-02, v41  }
0x63c: {  	v47 =	vld [tilespmem:$0x1E2F0];
	[tilespmem:s31+$0x8700] =	vst v0;
	v0 =	vmul.f32 $1.562500000e-02, v42  }
0x63d: {  	v48 =	vld [tilespmem:$0x1E300];
	[tilespmem:s31+$0x8710] =	vst v1;
	v1 =	vmul.f32 $1.562500000e-02, v43  }
0x63e: {  	v49 =	vld [tilespmem:$0x1E310];
	[tilespmem:s31+$0x8720] =	vst v0;
	v0 =	vmul.f32 $1.562500000e-02, v44  }
0x63f: {  	v50 =	vld [tilespmem:$0x1E320];
	[tilespmem:s31+$0x8730] =	vst v1;
	v1 =	vmul.f32 $1.562500000e-02, v45  }
0x640: {  	v51 =	vld [tilespmem:$0x1E330];
	[tilespmem:s31+$0x8740] =	vst v0;
	v0 =	vmul.f32 $1.562500000e-02, v46  }
0x641: {  	v52 =	vld [tilespmem:$0x1E340];
	[tilespmem:s31+$0x8750] =	vst v1;
	v1 =	vmul.f32 $1.562500000e-02, v47  }
0x642: {  	v53 =	vld [tilespmem:$0x1E350];
	[tilespmem:s31+$0x8760] =	vst v0;
	v0 =	vmul.f32 $1.562500000e-02, v48  }
0x643: {  	v54 =	vld [tilespmem:$0x1E360];
	[tilespmem:s31+$0x8770] =	vst v1;
	v1 =	vmul.f32 $1.562500000e-02, v49  }
0x644: {  	v55 =	vld [tilespmem:$0x1E370];
	[tilespmem:s31+$0x8900] =	vst v0;
	v0 =	vmul.f32 $1.562500000e-02, v50  }
0x645: {  	v56 =	vld [tilespmem:$0x1E380];
	[tilespmem:s31+$0x8910] =	vst v1;
	v1 =	vmul.f32 $1.562500000e-02, v51  }
0x646: {  	v57 =	vld [tilespmem:$0x1E390];
	[tilespmem:s31+$0x8920] =	vst v0;
	v0 =	vmul.f32 $1.562500000e-02, v52  }
0x647: {  	v58 =	vld [tilespmem:$0x1E3A0];
	[tilespmem:s31+$0x8930] =	vst v1;
	v1 =	vmul.f32 $1.562500000e-02, v53  }
0x648: {  	v59 =	vld [tilespmem:$0x1E3B0];
	[tilespmem:s31+$0x8940] =	vst v0;
	v0 =	vmul.f32 $1.562500000e-02, v54  }
0x649: {  	v60 =	vld [tilespmem:$0x1E3C0];
	[tilespmem:s31+$0x8950] =	vst v1;
	v1 =	vmul.f32 $1.562500000e-02, v55  }
0x64a: {  	v61 =	vld [tilespmem:$0x1E3D0];
	[tilespmem:s31+$0x8960] =	vst v0;
	v0 =	vmul.f32 $1.562500000e-02, v56  }
0x64b: {  	v62 =	vld [tilespmem:$0x1E3E0];
	[tilespmem:s31+$0x8970] =	vst v1;
	v1 =	vmul.f32 $1.562500000e-02, v57  }
0x64c: {  	v17 =	vld [tilespmem:$0x1E3F0];
	[tilespmem:s31+$0x8B00] =	vst v0;
	v0 =	vmul.f32 $1.562500000e-02, v58  }
0x64d: {  	v18 =	vld [tilespmem:$0x1E400];
	[tilespmem:s31+$0x8B10] =	vst v1;
	v1 =	vmul.f32 $1.562500000e-02, v59  }
0x64e: {  	v19 =	vld [tilespmem:$0x1E410];
	[tilespmem:s31+$0x8B20] =	vst v0;
	v0 =	vmul.f32 $1.562500000e-02, v60  }
0x64f: {  	v20 =	vld [tilespmem:$0x1E420];
	[tilespmem:s31+$0x8B30] =	vst v1;
	v1 =	vmul.f32 $1.562500000e-02, v61  }
0x650: {  	v21 =	vld [tilespmem:$0x1E430];
	[tilespmem:s31+$0x8B40] =	vst v0;
	v0 =	vmul.f32 $1.562500000e-02, v62  }
0x651: {  	v22 =	vld [tilespmem:$0x1E440];
	[tilespmem:s31+$0x8B50] =	vst v1;
	v1 =	vmul.f32 $1.562500000e-02, v17  }
0x652: {  	v23 =	vld [tilespmem:$0x1E450];
	[tilespmem:s31+$0x8B60] =	vst v0;
	v0 =	vmul.f32 $1.562500000e-02, v18  }
0x653: {  	v24 =	vld [tilespmem:$0x1E460];
	[tilespmem:s31+$0x8B70] =	vst v1;
	v1 =	vmul.f32 $1.562500000e-02, v19  }
0x654: {  	v25 =	vld [tilespmem:$0x1E470];
	[tilespmem:s31+$0x8D00] =	vst v0;
	v0 =	vmul.f32 $1.562500000e-02, v20  }
0x655: {  	v26 =	vld [tilespmem:$0x1E480];
	[tilespmem:s31+$0x8D10] =	vst v1;
	v1 =	vmul.f32 $1.562500000e-02, v21  }
0x656: {  	v27 =	vld [tilespmem:$0x1E490];
	[tilespmem:s31+$0x8D20] =	vst v0;
	v0 =	vmul.f32 $1.562500000e-02, v22  }
0x657: {  	v28 =	vld [tilespmem:$0x1E4A0];
	[tilespmem:s31+$0x8D30] =	vst v1;
	v1 =	vmul.f32 $1.562500000e-02, v23  }
0x658: {  	v29 =	vld [tilespmem:$0x1E4B0];
	[tilespmem:s31+$0x8D40] =	vst v0;
	v0 =	vmul.f32 $1.562500000e-02, v24  }
0x659: {  	v30 =	vld [tilespmem:$0x1E4C0];
	[tilespmem:s31+$0x8D50] =	vst v1;
	v1 =	vmul.f32 $1.562500000e-02, v25  }
0x65a: {  	v31 =	vld [tilespmem:$0x1E4D0];
	[tilespmem:s31+$0x8D60] =	vst v0;
	v0 =	vmul.f32 $1.562500000e-02, v26  }
0x65b: {  	v32 =	vld [tilespmem:$0x1E4E0];
	[tilespmem:s31+$0x8D70] =	vst v1;
	v1 =	vmul.f32 $1.562500000e-02, v27  }
0x65c: {  	v33 =	vld [tilespmem:$0x1E4F0];
	[tilespmem:s31+$0x8F00] =	vst v0;
	v0 =	vmul.f32 $1.562500000e-02, v28  }
0x65d: {  	v34 =	vld [tilespmem:$0x1E500];
	[tilespmem:s31+$0x8F10] =	vst v1;
	v1 =	vmul.f32 $1.562500000e-02, v29  }
0x65e: {  	v35 =	vld [tilespmem:$0x1E510];
	[tilespmem:s31+$0x8F20] =	vst v0;
	v0 =	vmul.f32 $1.562500000e-02, v30  }
0x65f: {  	v36 =	vld [tilespmem:$0x1E520];
	[tilespmem:s31+$0x8F30] =	vst v1;
	v1 =	vmul.f32 $1.562500000e-02, v31  }
0x660: {  	v37 =	vld [tilespmem:$0x1E530];
	[tilespmem:s31+$0x8F40] =	vst v0;
	v0 =	vmul.f32 $1.562500000e-02, v32  }
0x661: {  	v38 =	vld [tilespmem:$0x1E540];
	[tilespmem:s31+$0x8F50] =	vst v1;
	v1 =	vmul.f32 $1.562500000e-02, v33  }
0x662: {  	v39 =	vld [tilespmem:$0x1E550];
	[tilespmem:s31+$0x8F60] =	vst v0;
	v0 =	vmul.f32 $1.562500000e-02, v34  }
0x663: {  	v40 =	vld [tilespmem:$0x1E560];
	[tilespmem:s31+$0x8F70] =	vst v1;
	v1 =	vmul.f32 $1.562500000e-02, v35  }
0x664: {  	v41 =	vld [tilespmem:$0x1E570];
	[tilespmem:s31+$0x9100] =	vst v0;
	v0 =	vmul.f32 $1.562500000e-02, v36  }
0x665: {  	v42 =	vld [tilespmem:$0x1E580];
	[tilespmem:s31+$0x9110] =	vst v1;
	v1 =	vmul.f32 $1.562500000e-02, v37  }
0x666: {  	v43 =	vld [tilespmem:$0x1E590];
	[tilespmem:s31+$0x9120] =	vst v0;
	v0 =	vmul.f32 $1.562500000e-02, v38  }
0x667: {  	v44 =	vld [tilespmem:$0x1E5A0];
	[tilespmem:s31+$0x9130] =	vst v1;
	v1 =	vmul.f32 $1.562500000e-02, v39  }
0x668: {  	v45 =	vld [tilespmem:$0x1E5B0];
	[tilespmem:s31+$0x9140] =	vst v0;
	v0 =	vmul.f32 $1.562500000e-02, v40  }
0x669: {  	v46 =	vld [tilespmem:$0x1E5C0];
	[tilespmem:s31+$0x9150] =	vst v1;
	v1 =	vmul.f32 $1.562500000e-02, v41  }
0x66a: {  	v47 =	vld [tilespmem:$0x1E5D0];
	[tilespmem:s31+$0x9160] =	vst v0;
	v0 =	vmul.f32 $1.562500000e-02, v42  }
0x66b: {  	v48 =	vld [tilespmem:$0x1E5E0];
	[tilespmem:s31+$0x9170] =	vst v1;
	v1 =	vmul.f32 $1.562500000e-02, v43  }
0x66c: {  	v49 =	vld [tilespmem:$0x1E5F0];
	[tilespmem:s31+$0x9300] =	vst v0;
	v0 =	vmul.f32 $1.562500000e-02, v44  }
0x66d: {  	v50 =	vld [tilespmem:$0x1E600];
	[tilespmem:s31+$0x9310] =	vst v1;
	v1 =	vmul.f32 $1.562500000e-02, v45  }
0x66e: {  	v51 =	vld [tilespmem:$0x1E610];
	[tilespmem:s31+$0x9320] =	vst v0;
	v0 =	vmul.f32 $1.562500000e-02, v46  }
0x66f: {  	v52 =	vld [tilespmem:$0x1E620];
	[tilespmem:s31+$0x9330] =	vst v1;
	v1 =	vmul.f32 $1.562500000e-02, v47  }
0x670: {  	v53 =	vld [tilespmem:$0x1E630];
	[tilespmem:s31+$0x9340] =	vst v0;
	v0 =	vmul.f32 $1.562500000e-02, v48  }
0x671: {  	v54 =	vld [tilespmem:$0x1E640];
	[tilespmem:s31+$0x9350] =	vst v1;
	v1 =	vmul.f32 $1.562500000e-02, v49  }
0x672: {  	v55 =	vld [tilespmem:$0x1E650];
	[tilespmem:s31+$0x9360] =	vst v0;
	v0 =	vmul.f32 $1.562500000e-02, v50  }
0x673: {  	v56 =	vld [tilespmem:$0x1E660];
	[tilespmem:s31+$0x9370] =	vst v1;
	v1 =	vmul.f32 $1.562500000e-02, v51  }
0x674: {  	v57 =	vld [tilespmem:$0x1E670];
	[tilespmem:s31+$0x9500] =	vst v0;
	v0 =	vmul.f32 $1.562500000e-02, v52  }
0x675: {  	v58 =	vld [tilespmem:$0x1E680];
	[tilespmem:s31+$0x9510] =	vst v1;
	v1 =	vmul.f32 $1.562500000e-02, v53  }
0x676: {  	v59 =	vld [tilespmem:$0x1E690];
	[tilespmem:s31+$0x9520] =	vst v0;
	v0 =	vmul.f32 $1.562500000e-02, v54  }
0x677: {  	v60 =	vld [tilespmem:$0x1E6A0];
	[tilespmem:s31+$0x9530] =	vst v1;
	v1 =	vmul.f32 $1.562500000e-02, v55  }
0x678: {  	v61 =	vld [tilespmem:$0x1E6B0];
	[tilespmem:s31+$0x9540] =	vst v0;
	v0 =	vmul.f32 $1.562500000e-02, v56  }
0x679: {  	v62 =	vld [tilespmem:$0x1E6C0];
	[tilespmem:s31+$0x9550] =	vst v1;
	v1 =	vmul.f32 $1.562500000e-02, v57  }
0x67a: {  	v17 =	vld [tilespmem:$0x1E6D0];
	[tilespmem:s31+$0x9560] =	vst v0;
	v0 =	vmul.f32 $1.562500000e-02, v58  }
0x67b: {  	v18 =	vld [tilespmem:$0x1E6E0];
	[tilespmem:s31+$0x9570] =	vst v1;
	v1 =	vmul.f32 $1.562500000e-02, v59  }
0x67c: {  	v19 =	vld [tilespmem:$0x1E6F0];
	[tilespmem:s31+$0x9700] =	vst v0;
	v0 =	vmul.f32 $1.562500000e-02, v60  }
0x67d: {  	v20 =	vld [tilespmem:$0x1E700];
	[tilespmem:s31+$0x9710] =	vst v1;
	v1 =	vmul.f32 $1.562500000e-02, v61  }
0x67e: {  	v21 =	vld [tilespmem:$0x1E710];
	[tilespmem:s31+$0x9720] =	vst v0;
	v0 =	vmul.f32 $1.562500000e-02, v62  }
0x67f: {  	v22 =	vld [tilespmem:$0x1E720];
	[tilespmem:s31+$0x9730] =	vst v1;
	v1 =	vmul.f32 $1.562500000e-02, v17  }
0x680: {  	v23 =	vld [tilespmem:$0x1E730];
	[tilespmem:s31+$0x9740] =	vst v0;
	v0 =	vmul.f32 $1.562500000e-02, v18  }
0x681: {  	v24 =	vld [tilespmem:$0x1E740];
	[tilespmem:s31+$0x9750] =	vst v1;
	v1 =	vmul.f32 $1.562500000e-02, v19  }
0x682: {  	v25 =	vld [tilespmem:$0x1E750];
	[tilespmem:s31+$0x9760] =	vst v0;
	v0 =	vmul.f32 $1.562500000e-02, v20  }
0x683: {  	v26 =	vld [tilespmem:$0x1E760];
	[tilespmem:s31+$0x9770] =	vst v1;
	v1 =	vmul.f32 $1.562500000e-02, v21  }
0x684: {  	v27 =	vld [tilespmem:$0x1E770];
	[tilespmem:s31+$0x9900] =	vst v0;
	v0 =	vmul.f32 $1.562500000e-02, v22  }
0x685: {  	v28 =	vld [tilespmem:$0x1E780];
	[tilespmem:s31+$0x9910] =	vst v1;
	v1 =	vmul.f32 $1.562500000e-02, v23  }
0x686: {  	v29 =	vld [tilespmem:$0x1E790];
	[tilespmem:s31+$0x9920] =	vst v0;
	v0 =	vmul.f32 $1.562500000e-02, v24  }
0x687: {  	v30 =	vld [tilespmem:$0x1E7A0];
	[tilespmem:s31+$0x9930] =	vst v1;
	v1 =	vmul.f32 $1.562500000e-02, v25  }
0x688: {  	v31 =	vld [tilespmem:$0x1E7B0];
	[tilespmem:s31+$0x9940] =	vst v0;
	v0 =	vmul.f32 $1.562500000e-02, v26  }
0x689: {  	v32 =	vld [tilespmem:$0x1E7C0];
	[tilespmem:s31+$0x9950] =	vst v1;
	v1 =	vmul.f32 $1.562500000e-02, v27  }
0x68a: {  	v33 =	vld [tilespmem:$0x1E7D0];
	[tilespmem:s31+$0x9960] =	vst v0;
	v0 =	vmul.f32 $1.562500000e-02, v28  }
0x68b: {  	v34 =	vld [tilespmem:$0x1E7E0];
	[tilespmem:s31+$0x9970] =	vst v1;
	v1 =	vmul.f32 $1.562500000e-02, v29  }
0x68c: {  	v35 =	vld [tilespmem:$0x1E7F0];
	[tilespmem:s31+$0x9B00] =	vst v0;
	v0 =	vmul.f32 $1.562500000e-02, v30  }
0x68d: {  	v36 =	vld [tilespmem:$0x1E800];
	[tilespmem:s31+$0x9B10] =	vst v1;
	v1 =	vmul.f32 $1.562500000e-02, v31  }
0x68e: {  	v37 =	vld [tilespmem:$0x1E810];
	[tilespmem:s31+$0x9B20] =	vst v0;
	v0 =	vmul.f32 $1.562500000e-02, v32  }
0x68f: {  	v38 =	vld [tilespmem:$0x1E820];
	[tilespmem:s31+$0x9B30] =	vst v1;
	v1 =	vmul.f32 $1.562500000e-02, v33  }
0x690: {  	v39 =	vld [tilespmem:$0x1E830];
	[tilespmem:s31+$0x9B40] =	vst v0;
	v0 =	vmul.f32 $1.562500000e-02, v34  }
0x691: {  	v40 =	vld [tilespmem:$0x1E840];
	[tilespmem:s31+$0x9B50] =	vst v1;
	v1 =	vmul.f32 $1.562500000e-02, v35  }
0x692: {  	v41 =	vld [tilespmem:$0x1E850];
	[tilespmem:s31+$0x9B60] =	vst v0;
	v0 =	vmul.f32 $1.562500000e-02, v36  }
0x693: {  	v42 =	vld [tilespmem:$0x1E860];
	[tilespmem:s31+$0x9B70] =	vst v1;
	v1 =	vmul.f32 $1.562500000e-02, v37  }
0x694: {  	v43 =	vld [tilespmem:$0x1E870];
	[tilespmem:s31+$0x9D00] =	vst v0;
	v0 =	vmul.f32 $1.562500000e-02, v38  }
0x695: {  	v44 =	vld [tilespmem:$0x1E880];
	[tilespmem:s31+$0x9D10] =	vst v1;
	v1 =	vmul.f32 $1.562500000e-02, v39  }
0x696: {  	v45 =	vld [tilespmem:$0x1E890];
	[tilespmem:s31+$0x9D20] =	vst v0;
	v0 =	vmul.f32 $1.562500000e-02, v40  }
0x697: {  	v46 =	vld [tilespmem:$0x1E8A0];
	[tilespmem:s31+$0x9D30] =	vst v1;
	v1 =	vmul.f32 $1.562500000e-02, v41  }
0x698: {  	v47 =	vld [tilespmem:$0x1E8B0];
	[tilespmem:s31+$0x9D40] =	vst v0;
	v0 =	vmul.f32 $1.562500000e-02, v42  }
0x699: {  	v48 =	vld [tilespmem:$0x1E8C0];
	[tilespmem:s31+$0x9D50] =	vst v1;
	v1 =	vmul.f32 $1.562500000e-02, v43  }
0x69a: {  	v49 =	vld [tilespmem:$0x1E8D0];
	[tilespmem:s31+$0x9D60] =	vst v0;
	v0 =	vmul.f32 $1.562500000e-02, v44  }
0x69b: {  	v50 =	vld [tilespmem:$0x1E8E0];
	[tilespmem:s31+$0x9D70] =	vst v1;
	v1 =	vmul.f32 $1.562500000e-02, v45  }
0x69c: {  	v51 =	vld [tilespmem:$0x1E8F0];
	[tilespmem:s31+$0x9F00] =	vst v0;
	v0 =	vmul.f32 $1.562500000e-02, v46  }
0x69d: {  	v52 =	vld [tilespmem:$0x1E900];
	[tilespmem:s31+$0x9F10] =	vst v1;
	v1 =	vmul.f32 $1.562500000e-02, v47  }
0x69e: {  	v53 =	vld [tilespmem:$0x1E910];
	[tilespmem:s31+$0x9F20] =	vst v0;
	v0 =	vmul.f32 $1.562500000e-02, v48  }
0x69f: {  	v54 =	vld [tilespmem:$0x1E920];
	[tilespmem:s31+$0x9F30] =	vst v1;
	v1 =	vmul.f32 $1.562500000e-02, v49  }
0x6a0: {  	v55 =	vld [tilespmem:$0x1E930];
	[tilespmem:s31+$0x9F40] =	vst v0;
	v0 =	vmul.f32 $1.562500000e-02, v50  }
0x6a1: {  	v56 =	vld [tilespmem:$0x1E940];
	[tilespmem:s31+$0x9F50] =	vst v1;
	v1 =	vmul.f32 $1.562500000e-02, v51  }
0x6a2: {  	v57 =	vld [tilespmem:$0x1E950];
	[tilespmem:s31+$0x9F60] =	vst v0;
	v0 =	vmul.f32 $1.562500000e-02, v52  }
0x6a3: {  	v58 =	vld [tilespmem:$0x1E960];
	[tilespmem:s31+$0x9F70] =	vst v1;
	v1 =	vmul.f32 $1.562500000e-02, v53  }
0x6a4: {  	v59 =	vld [tilespmem:$0x1E970];
	[tilespmem:s31+$0xA100] =	vst v0;
	v0 =	vmul.f32 $1.562500000e-02, v54  }
0x6a5: {  	v60 =	vld [tilespmem:$0x1E980];
	[tilespmem:s31+$0xA110] =	vst v1;
	v1 =	vmul.f32 $1.562500000e-02, v55  }
0x6a6: {  	v61 =	vld [tilespmem:$0x1E990];
	[tilespmem:s31+$0xA120] =	vst v0;
	v0 =	vmul.f32 $1.562500000e-02, v56  }
0x6a7: {  	v62 =	vld [tilespmem:$0x1E9A0];
	[tilespmem:s31+$0xA130] =	vst v1;
	v1 =	vmul.f32 $1.562500000e-02, v57  }
0x6a8: {  	v17 =	vld [tilespmem:$0x1E9B0];
	[tilespmem:s31+$0xA140] =	vst v0;
	v0 =	vmul.f32 $1.562500000e-02, v58  }
0x6a9: {  	v18 =	vld [tilespmem:$0x1E9C0];
	[tilespmem:s31+$0xA150] =	vst v1;
	v1 =	vmul.f32 $1.562500000e-02, v59  }
0x6aa: {  	v19 =	vld [tilespmem:$0x1E9D0];
	[tilespmem:s31+$0xA160] =	vst v0;
	v0 =	vmul.f32 $1.562500000e-02, v60  }
0x6ab: {  	v20 =	vld [tilespmem:$0x1E9E0];
	[tilespmem:s31+$0xA170] =	vst v1;
	v1 =	vmul.f32 $1.562500000e-02, v61  }
0x6ac: {  	v21 =	vld [tilespmem:$0x1E9F0];
	[tilespmem:s31+$0xA300] =	vst v0;
	v0 =	vmul.f32 $1.562500000e-02, v62  }
0x6ad: {  	v22 =	vld [tilespmem:$0x1EA00];
	[tilespmem:s31+$0xA310] =	vst v1;
	v1 =	vmul.f32 $1.562500000e-02, v17  }
0x6ae: {  	v23 =	vld [tilespmem:$0x1EA10];
	[tilespmem:s31+$0xA320] =	vst v0;
	v0 =	vmul.f32 $1.562500000e-02, v18  }
0x6af: {  	v24 =	vld [tilespmem:$0x1EA20];
	[tilespmem:s31+$0xA330] =	vst v1;
	v1 =	vmul.f32 $1.562500000e-02, v19  }
0x6b0: {  	v25 =	vld [tilespmem:$0x1EA30];
	[tilespmem:s31+$0xA340] =	vst v0;
	v0 =	vmul.f32 $1.562500000e-02, v20  }
0x6b1: {  	v26 =	vld [tilespmem:$0x1EA40];
	[tilespmem:s31+$0xA350] =	vst v1;
	v1 =	vmul.f32 $1.562500000e-02, v21  }
0x6b2: {  	v27 =	vld [tilespmem:$0x1EA50];
	[tilespmem:s31+$0xA360] =	vst v0;
	v0 =	vmul.f32 $1.562500000e-02, v22  }
0x6b3: {  	v28 =	vld [tilespmem:$0x1EA60];
	[tilespmem:s31+$0xA370] =	vst v1;
	v1 =	vmul.f32 $1.562500000e-02, v23  }
0x6b4: {  	v29 =	vld [tilespmem:$0x1EA70];
	[tilespmem:s31+$0xA500] =	vst v0;
	v0 =	vmul.f32 $1.562500000e-02, v24  }
0x6b5: {  	v30 =	vld [tilespmem:$0x1EA80];
	[tilespmem:s31+$0xA510] =	vst v1;
	v1 =	vmul.f32 $1.562500000e-02, v25  }
0x6b6: {  	v31 =	vld [tilespmem:$0x1EA90];
	[tilespmem:s31+$0xA520] =	vst v0;
	v0 =	vmul.f32 $1.562500000e-02, v26  }
0x6b7: {  	v32 =	vld [tilespmem:$0x1EAA0];
	[tilespmem:s31+$0xA530] =	vst v1;
	v1 =	vmul.f32 $1.562500000e-02, v27  }
0x6b8: {  	v33 =	vld [tilespmem:$0x1EAB0];
	[tilespmem:s31+$0xA540] =	vst v0;
	v0 =	vmul.f32 $1.562500000e-02, v28  }
0x6b9: {  	v34 =	vld [tilespmem:$0x1EAC0];
	[tilespmem:s31+$0xA550] =	vst v1;
	v1 =	vmul.f32 $1.562500000e-02, v29  }
0x6ba: {  	v35 =	vld [tilespmem:$0x1EAD0];
	[tilespmem:s31+$0xA560] =	vst v0;
	v0 =	vmul.f32 $1.562500000e-02, v30  }
0x6bb: {  	v36 =	vld [tilespmem:$0x1EAE0];
	[tilespmem:s31+$0xA570] =	vst v1;
	v1 =	vmul.f32 $1.562500000e-02, v31  }
0x6bc: {  	v37 =	vld [tilespmem:$0x1EAF0];
	[tilespmem:s31+$0xA700] =	vst v0;
	v0 =	vmul.f32 $1.562500000e-02, v32  }
0x6bd: {  	v38 =	vld [tilespmem:$0x1EB00];
	[tilespmem:s31+$0xA710] =	vst v1;
	v1 =	vmul.f32 $1.562500000e-02, v33  }
0x6be: {  	v39 =	vld [tilespmem:$0x1EB10];
	[tilespmem:s31+$0xA720] =	vst v0;
	v0 =	vmul.f32 $1.562500000e-02, v34  }
0x6bf: {  	v40 =	vld [tilespmem:$0x1EB20];
	[tilespmem:s31+$0xA730] =	vst v1;
	v1 =	vmul.f32 $1.562500000e-02, v35  }
0x6c0: {  	v41 =	vld [tilespmem:$0x1EB30];
	[tilespmem:s31+$0xA740] =	vst v0;
	v0 =	vmul.f32 $1.562500000e-02, v36  }
0x6c1: {  	v42 =	vld [tilespmem:$0x1EB40];
	[tilespmem:s31+$0xA750] =	vst v1;
	v1 =	vmul.f32 $1.562500000e-02, v37  }
0x6c2: {  	v43 =	vld [tilespmem:$0x1EB50];
	[tilespmem:s31+$0xA760] =	vst v0;
	v0 =	vmul.f32 $1.562500000e-02, v38  }
0x6c3: {  	v44 =	vld [tilespmem:$0x1EB60];
	[tilespmem:s31+$0xA770] =	vst v1;
	v1 =	vmul.f32 $1.562500000e-02, v39  }
0x6c4: {  	v45 =	vld [tilespmem:$0x1EB70];
	[tilespmem:s31+$0xA900] =	vst v0;
	v0 =	vmul.f32 $1.562500000e-02, v40  }
0x6c5: {  	v46 =	vld [tilespmem:$0x1EB80];
	[tilespmem:s31+$0xA910] =	vst v1;
	v1 =	vmul.f32 $1.562500000e-02, v41  }
0x6c6: {  	v47 =	vld [tilespmem:$0x1EB90];
	[tilespmem:s31+$0xA920] =	vst v0;
	v0 =	vmul.f32 $1.562500000e-02, v42  }
0x6c7: {  	v48 =	vld [tilespmem:$0x1EBA0];
	[tilespmem:s31+$0xA930] =	vst v1;
	v1 =	vmul.f32 $1.562500000e-02, v43  }
0x6c8: {  	v49 =	vld [tilespmem:$0x1EBB0];
	[tilespmem:s31+$0xA940] =	vst v0;
	v0 =	vmul.f32 $1.562500000e-02, v44  }
0x6c9: {  	v50 =	vld [tilespmem:$0x1EBC0];
	[tilespmem:s31+$0xA950] =	vst v1;
	v1 =	vmul.f32 $1.562500000e-02, v45  }
0x6ca: {  	v51 =	vld [tilespmem:$0x1EBD0];
	[tilespmem:s31+$0xA960] =	vst v0;
	v0 =	vmul.f32 $1.562500000e-02, v46  }
0x6cb: {  	v52 =	vld [tilespmem:$0x1EBE0];
	[tilespmem:s31+$0xA970] =	vst v1;
	v1 =	vmul.f32 $1.562500000e-02, v47  }
0x6cc: {  	v53 =	vld [tilespmem:$0x1EBF0];
	[tilespmem:s31+$0xAB00] =	vst v0;
	v0 =	vmul.f32 $1.562500000e-02, v48  }
0x6cd: {  	v54 =	vld [tilespmem:$0x1EC00];
	[tilespmem:s31+$0xAB10] =	vst v1;
	v1 =	vmul.f32 $1.562500000e-02, v49  }
0x6ce: {  	v55 =	vld [tilespmem:$0x1EC10];
	[tilespmem:s31+$0xAB20] =	vst v0;
	v0 =	vmul.f32 $1.562500000e-02, v50  }
0x6cf: {  	v56 =	vld [tilespmem:$0x1EC20];
	[tilespmem:s31+$0xAB30] =	vst v1;
	v1 =	vmul.f32 $1.562500000e-02, v51  }
0x6d0: {  	v57 =	vld [tilespmem:$0x1EC30];
	[tilespmem:s31+$0xAB40] =	vst v0;
	v0 =	vmul.f32 $1.562500000e-02, v52  }
0x6d1: {  	v58 =	vld [tilespmem:$0x1EC40];
	[tilespmem:s31+$0xAB50] =	vst v1;
	v1 =	vmul.f32 $1.562500000e-02, v53  }
0x6d2: {  	v59 =	vld [tilespmem:$0x1EC50];
	[tilespmem:s31+$0xAB60] =	vst v0;
	v0 =	vmul.f32 $1.562500000e-02, v54  }
0x6d3: {  	v60 =	vld [tilespmem:$0x1EC60];
	[tilespmem:s31+$0xAB70] =	vst v1;
	v1 =	vmul.f32 $1.562500000e-02, v55  }
0x6d4: {  	v61 =	vld [tilespmem:$0x1EC70];
	[tilespmem:s31+$0xAD00] =	vst v0;
	v0 =	vmul.f32 $1.562500000e-02, v56  }
0x6d5: {  	v62 =	vld [tilespmem:$0x1EC80];
	[tilespmem:s31+$0xAD10] =	vst v1;
	v1 =	vmul.f32 $1.562500000e-02, v57  }
0x6d6: {  	v17 =	vld [tilespmem:$0x1EC90];
	[tilespmem:s31+$0xAD20] =	vst v0;
	v0 =	vmul.f32 $1.562500000e-02, v58  }
0x6d7: {  	v18 =	vld [tilespmem:$0x1ECA0];
	[tilespmem:s31+$0xAD30] =	vst v1;
	v1 =	vmul.f32 $1.562500000e-02, v59  }
0x6d8: {  	v19 =	vld [tilespmem:$0x1ECB0];
	[tilespmem:s31+$0xAD40] =	vst v0;
	v0 =	vmul.f32 $1.562500000e-02, v60  }
0x6d9: {  	v20 =	vld [tilespmem:$0x1ECC0];
	[tilespmem:s31+$0xAD50] =	vst v1;
	v1 =	vmul.f32 $1.562500000e-02, v61  }
0x6da: {  	v21 =	vld [tilespmem:$0x1ECD0];
	[tilespmem:s31+$0xAD60] =	vst v0;
	v0 =	vmul.f32 $1.562500000e-02, v62  }
0x6db: {  	v22 =	vld [tilespmem:$0x1ECE0];
	[tilespmem:s31+$0xAD70] =	vst v1;
	v1 =	vmul.f32 $1.562500000e-02, v17  }
0x6dc: {  	v23 =	vld [tilespmem:$0x1ECF0];
	[tilespmem:s31+$0xAF00] =	vst v0;
	v0 =	vmul.f32 $1.562500000e-02, v18  }
0x6dd: {  	v24 =	vld [tilespmem:$0x1ED00];
	[tilespmem:s31+$0xAF10] =	vst v1;
	v1 =	vmul.f32 $1.562500000e-02, v19  }
0x6de: {  	v25 =	vld [tilespmem:$0x1ED10];
	[tilespmem:s31+$0xAF20] =	vst v0;
	v0 =	vmul.f32 $1.562500000e-02, v20  }
0x6df: {  	v26 =	vld [tilespmem:$0x1ED20];
	[tilespmem:s31+$0xAF30] =	vst v1;
	v1 =	vmul.f32 $1.562500000e-02, v21  }
0x6e0: {  	v27 =	vld [tilespmem:$0x1ED30];
	[tilespmem:s31+$0xAF40] =	vst v0;
	v0 =	vmul.f32 $1.562500000e-02, v22  }
0x6e1: {  	v28 =	vld [tilespmem:$0x1ED40];
	[tilespmem:s31+$0xAF50] =	vst v1;
	v1 =	vmul.f32 $1.562500000e-02, v23  }
0x6e2: {  	v29 =	vld [tilespmem:$0x1ED50];
	[tilespmem:s31+$0xAF60] =	vst v0;
	v0 =	vmul.f32 $1.562500000e-02, v24  }
0x6e3: {  	v30 =	vld [tilespmem:$0x1ED60];
	[tilespmem:s31+$0xAF70] =	vst v1;
	v1 =	vmul.f32 $1.562500000e-02, v25  }
0x6e4: {  	v31 =	vld [tilespmem:$0x1ED70];
	[tilespmem:s31+$0xB100] =	vst v0;
	v0 =	vmul.f32 $1.562500000e-02, v26  }
0x6e5: {  	v32 =	vld [tilespmem:$0x1ED80];
	[tilespmem:s31+$0xB110] =	vst v1;
	v1 =	vmul.f32 $1.562500000e-02, v27  }
0x6e6: {  	v33 =	vld [tilespmem:$0x1ED90];
	[tilespmem:s31+$0xB120] =	vst v0;
	v0 =	vmul.f32 $1.562500000e-02, v28  }
0x6e7: {  	v34 =	vld [tilespmem:$0x1EDA0];
	[tilespmem:s31+$0xB130] =	vst v1;
	v1 =	vmul.f32 $1.562500000e-02, v29  }
0x6e8: {  	v35 =	vld [tilespmem:$0x1EDB0];
	[tilespmem:s31+$0xB140] =	vst v0;
	v0 =	vmul.f32 $1.562500000e-02, v30  }
0x6e9: {  	v36 =	vld [tilespmem:$0x1EDC0];
	[tilespmem:s31+$0xB150] =	vst v1;
	v1 =	vmul.f32 $1.562500000e-02, v31  }
0x6ea: {  	v37 =	vld [tilespmem:$0x1EDD0];
	[tilespmem:s31+$0xB160] =	vst v0;
	v0 =	vmul.f32 $1.562500000e-02, v32  }
0x6eb: {  	v38 =	vld [tilespmem:$0x1EDE0];
	[tilespmem:s31+$0xB170] =	vst v1;
	v1 =	vmul.f32 $1.562500000e-02, v33  }
0x6ec: {  	v39 =	vld [tilespmem:$0x1EDF0];
	[tilespmem:s31+$0xB300] =	vst v0;
	v0 =	vmul.f32 $1.562500000e-02, v34  }
0x6ed: {  	v40 =	vld [tilespmem:$0x1EE00];
	[tilespmem:s31+$0xB310] =	vst v1;
	v1 =	vmul.f32 $1.562500000e-02, v35  }
0x6ee: {  	v41 =	vld [tilespmem:$0x1EE10];
	[tilespmem:s31+$0xB320] =	vst v0;
	v0 =	vmul.f32 $1.562500000e-02, v36  }
0x6ef: {  	v42 =	vld [tilespmem:$0x1EE20];
	[tilespmem:s31+$0xB330] =	vst v1;
	v1 =	vmul.f32 $1.562500000e-02, v37  }
0x6f0: {  	v43 =	vld [tilespmem:$0x1EE30];
	[tilespmem:s31+$0xB340] =	vst v0;
	v0 =	vmul.f32 $1.562500000e-02, v38  }
0x6f1: {  	v44 =	vld [tilespmem:$0x1EE40];
	[tilespmem:s31+$0xB350] =	vst v1;
	v1 =	vmul.f32 $1.562500000e-02, v39  }
0x6f2: {  	v45 =	vld [tilespmem:$0x1EE50];
	[tilespmem:s31+$0xB360] =	vst v0;
	v0 =	vmul.f32 $1.562500000e-02, v40  }
0x6f3: {  	v46 =	vld [tilespmem:$0x1EE60];
	[tilespmem:s31+$0xB370] =	vst v1;
	v1 =	vmul.f32 $1.562500000e-02, v41  }
0x6f4: {  	v47 =	vld [tilespmem:$0x1EE70];
	[tilespmem:s31+$0xB500] =	vst v0;
	v0 =	vmul.f32 $1.562500000e-02, v42  }
0x6f5: {  	v48 =	vld [tilespmem:$0x1EE80];
	[tilespmem:s31+$0xB510] =	vst v1;
	v1 =	vmul.f32 $1.562500000e-02, v43  }
0x6f6: {  	v49 =	vld [tilespmem:$0x1EE90];
	[tilespmem:s31+$0xB520] =	vst v0;
	v0 =	vmul.f32 $1.562500000e-02, v44  }
0x6f7: {  	v50 =	vld [tilespmem:$0x1EEA0];
	[tilespmem:s31+$0xB530] =	vst v1;
	v1 =	vmul.f32 $1.562500000e-02, v45  }
0x6f8: {  	v51 =	vld [tilespmem:$0x1EEB0];
	[tilespmem:s31+$0xB540] =	vst v0;
	v0 =	vmul.f32 $1.562500000e-02, v46  }
0x6f9: {  	v52 =	vld [tilespmem:$0x1EEC0];
	[tilespmem:s31+$0xB550] =	vst v1;
	v1 =	vmul.f32 $1.562500000e-02, v47  }
0x6fa: {  	v53 =	vld [tilespmem:$0x1EED0];
	[tilespmem:s31+$0xB560] =	vst v0;
	v0 =	vmul.f32 $1.562500000e-02, v48  }
0x6fb: {  	v54 =	vld [tilespmem:$0x1EEE0];
	[tilespmem:s31+$0xB570] =	vst v1;
	v1 =	vmul.f32 $1.562500000e-02, v49  }
0x6fc: {  	v55 =	vld [tilespmem:$0x1EEF0];
	[tilespmem:s31+$0xB700] =	vst v0;
	v0 =	vmul.f32 $1.562500000e-02, v50  }
0x6fd: {  	v56 =	vld [tilespmem:$0x1EF00];
	[tilespmem:s31+$0xB710] =	vst v1;
	v1 =	vmul.f32 $1.562500000e-02, v51  }
0x6fe: {  	v57 =	vld [tilespmem:$0x1EF10];
	[tilespmem:s31+$0xB720] =	vst v0;
	v0 =	vmul.f32 $1.562500000e-02, v52  }
0x6ff: {  	v58 =	vld [tilespmem:$0x1EF20];
	[tilespmem:s31+$0xB730] =	vst v1;
	v1 =	vmul.f32 $1.562500000e-02, v53  }
0x700: {  	v59 =	vld [tilespmem:$0x1EF30];
	[tilespmem:s31+$0xB740] =	vst v0;
	v0 =	vmul.f32 $1.562500000e-02, v54  }
0x701: {  	v60 =	vld [tilespmem:$0x1EF40];
	[tilespmem:s31+$0xB750] =	vst v1;
	v1 =	vmul.f32 $1.562500000e-02, v55  }
0x702: {  	v61 =	vld [tilespmem:$0x1EF50];
	[tilespmem:s31+$0xB760] =	vst v0;
	v0 =	vmul.f32 $1.562500000e-02, v56  }
0x703: {  	v62 =	vld [tilespmem:$0x1EF60];
	[tilespmem:s31+$0xB770] =	vst v1;
	v1 =	vmul.f32 $1.562500000e-02, v57  }
0x704: {  	v17 =	vld [tilespmem:$0x1EF70];
	[tilespmem:s31+$0xB900] =	vst v0;
	v0 =	vmul.f32 $1.562500000e-02, v58  }
0x705: {  	v18 =	vld [tilespmem:$0x1EF80];
	[tilespmem:s31+$0xB910] =	vst v1;
	v1 =	vmul.f32 $1.562500000e-02, v59  }
0x706: {  	v19 =	vld [tilespmem:$0x1EF90];
	[tilespmem:s31+$0xB920] =	vst v0;
	v0 =	vmul.f32 $1.562500000e-02, v60  }
0x707: {  	v20 =	vld [tilespmem:$0x1EFA0];
	[tilespmem:s31+$0xB930] =	vst v1;
	v1 =	vmul.f32 $1.562500000e-02, v61  }
0x708: {  	v21 =	vld [tilespmem:$0x1EFB0];
	[tilespmem:s31+$0xB940] =	vst v0;
	v0 =	vmul.f32 $1.562500000e-02, v62  }
0x709: {  	v22 =	vld [tilespmem:$0x1EFC0];
	[tilespmem:s31+$0xB950] =	vst v1;
	v1 =	vmul.f32 $1.562500000e-02, v17  }
0x70a: {  	v23 =	vld [tilespmem:$0x1EFD0];
	[tilespmem:s31+$0xB960] =	vst v0;
	v0 =	vmul.f32 $1.562500000e-02, v18  }
0x70b: {  	v24 =	vld [tilespmem:$0x1EFE0];
	[tilespmem:s31+$0xB970] =	vst v1;
	v1 =	vmul.f32 $1.562500000e-02, v19  }
0x70c: {  	v25 =	vld [tilespmem:$0x1EFF0];
	[tilespmem:s31+$0xBB00] =	vst v0;
	v0 =	vmul.f32 $1.562500000e-02, v20  }
0x70d: {  	v26 =	vld [tilespmem:$0x1F000];
	[tilespmem:s31+$0xBB10] =	vst v1;
	v1 =	vmul.f32 $1.562500000e-02, v21  }
0x70e: {  	v27 =	vld [tilespmem:$0x1F010];
	[tilespmem:s31+$0xBB20] =	vst v0;
	v0 =	vmul.f32 $1.562500000e-02, v22  }
0x70f: {  	v28 =	vld [tilespmem:$0x1F020];
	[tilespmem:s31+$0xBB30] =	vst v1;
	v1 =	vmul.f32 $1.562500000e-02, v23  }
0x710: {  	v29 =	vld [tilespmem:$0x1F030];
	[tilespmem:s31+$0xBB40] =	vst v0;
	v0 =	vmul.f32 $1.562500000e-02, v24  }
0x711: {  	v30 =	vld [tilespmem:$0x1F040];
	[tilespmem:s31+$0xBB50] =	vst v1;
	v1 =	vmul.f32 $1.562500000e-02, v25  }
0x712: {  	v31 =	vld [tilespmem:$0x1F050];
	[tilespmem:s31+$0xBB60] =	vst v0;
	v0 =	vmul.f32 $1.562500000e-02, v26  }
0x713: {  	v32 =	vld [tilespmem:$0x1F060];
	[tilespmem:s31+$0xBB70] =	vst v1;
	v1 =	vmul.f32 $1.562500000e-02, v27  }
0x714: {  	v33 =	vld [tilespmem:$0x1F070];
	[tilespmem:s31+$0xBD00] =	vst v0;
	v0 =	vmul.f32 $1.562500000e-02, v28  }
0x715: {  	v34 =	vld [tilespmem:$0x1F080];
	[tilespmem:s31+$0xBD10] =	vst v1;
	v1 =	vmul.f32 $1.562500000e-02, v29  }
0x716: {  	v35 =	vld [tilespmem:$0x1F090];
	[tilespmem:s31+$0xBD20] =	vst v0;
	v0 =	vmul.f32 $1.562500000e-02, v30  }
0x717: {  	v36 =	vld [tilespmem:$0x1F0A0];
	[tilespmem:s31+$0xBD30] =	vst v1;
	v1 =	vmul.f32 $1.562500000e-02, v31  }
0x718: {  	v37 =	vld [tilespmem:$0x1F0B0];
	[tilespmem:s31+$0xBD40] =	vst v0;
	v0 =	vmul.f32 $1.562500000e-02, v32  }
0x719: {  	v38 =	vld [tilespmem:$0x1F0C0];
	[tilespmem:s31+$0xBD50] =	vst v1;
	v1 =	vmul.f32 $1.562500000e-02, v33  }
0x71a: {  	v39 =	vld [tilespmem:$0x1F0D0];
	[tilespmem:s31+$0xBD60] =	vst v0;
	v0 =	vmul.f32 $1.562500000e-02, v34  }
0x71b: {  	v40 =	vld [tilespmem:$0x1F0E0];
	[tilespmem:s31+$0xBD70] =	vst v1;
	v1 =	vmul.f32 $1.562500000e-02, v35  }
0x71c: {  	v41 =	vld [tilespmem:$0x1F0F0];
	[tilespmem:s31+$0xBF00] =	vst v0;
	v0 =	vmul.f32 $1.562500000e-02, v36  }
0x71d: {  	[tilespmem:s31+$0xBF10] =	vst v1;
	v1 =	vmul.f32 $1.562500000e-02, v37  }
0x71e: {  	[tilespmem:s31+$0xBF20] =	vst v0;
	v0 =	vmul.f32 $1.562500000e-02, v38  }
0x71f: {  	[tilespmem:s31+$0xBF30] =	vst v1;
	v1 =	vmul.f32 $1.562500000e-02, v39  }
0x720: {  	[tilespmem:s31+$0xBF40] =	vst v0;
	v0 =	vmul.f32 $1.562500000e-02, v40  }
0x721: {  	[tilespmem:s31+$0xBF50] =	vst v1;
	v1 =	vmul.f32 $1.562500000e-02, v41  }
0x722: {  	[tilespmem:s31+$0xBF60] =	vst v0  }
0x723: {  	v42 =	vld [tilespmem:$0x1F100];
	[tilespmem:s31+$0xBF70] =	vst v1  }
0x724: {  	v1 =	vld [tilespmem:$0x1F110]  }
0x725: {  	v43 =	vld [tilespmem:$0x1F120]  }
0x726: {  	v44 =	vld [tilespmem:$0x1F130]  }
0x727: {  	v45 =	vld [tilespmem:$0x1F140]  }
0x728: {  	v0 =	vmul.f32 $1.562500000e-02, v42;
	v46 =	vld [tilespmem:$0x1F150]  }
0x729: {  	v47 =	vld [tilespmem:$0x1F160];
	v1 =	vmul.f32 $1.562500000e-02, v1  }
0x72a: {  	[tilespmem:s31+$0x8180] =	vst v0;
	v48 =	vld [tilespmem:$0x1F170];
	v0 =	vmul.f32 $1.562500000e-02, v43  }
0x72b: {  	v49 =	vld [tilespmem:$0x1F180];
	[tilespmem:s31+$0x8190] =	vst v1;
	v1 =	vmul.f32 $1.562500000e-02, v44  }
0x72c: {  	v50 =	vld [tilespmem:$0x1F190];
	[tilespmem:s31+$0x81A0] =	vst v0;
	v0 =	vmul.f32 $1.562500000e-02, v45  }
0x72d: {  	v51 =	vld [tilespmem:$0x1F1A0];
	[tilespmem:s31+$0x81B0] =	vst v1;
	v1 =	vmul.f32 $1.562500000e-02, v46  }
0x72e: {  	v52 =	vld [tilespmem:$0x1F1B0];
	[tilespmem:s31+$0x81C0] =	vst v0;
	v0 =	vmul.f32 $1.562500000e-02, v47  }
0x72f: {  	v53 =	vld [tilespmem:$0x1F1C0];
	[tilespmem:s31+$0x81D0] =	vst v1;
	v1 =	vmul.f32 $1.562500000e-02, v48  }
0x730: {  	v54 =	vld [tilespmem:$0x1F1D0];
	[tilespmem:s31+$0x81E0] =	vst v0;
	v0 =	vmul.f32 $1.562500000e-02, v49  }
0x731: {  	v55 =	vld [tilespmem:$0x1F1E0];
	[tilespmem:s31+$0x81F0] =	vst v1;
	v1 =	vmul.f32 $1.562500000e-02, v50  }
0x732: {  	v56 =	vld [tilespmem:$0x1F1F0];
	[tilespmem:s31+$0x8380] =	vst v0;
	v0 =	vmul.f32 $1.562500000e-02, v51  }
0x733: {  	v57 =	vld [tilespmem:$0x1F200];
	[tilespmem:s31+$0x8390] =	vst v1;
	v1 =	vmul.f32 $1.562500000e-02, v52  }
0x734: {  	v58 =	vld [tilespmem:$0x1F210];
	[tilespmem:s31+$0x83A0] =	vst v0;
	v0 =	vmul.f32 $1.562500000e-02, v53  }
0x735: {  	v59 =	vld [tilespmem:$0x1F220];
	[tilespmem:s31+$0x83B0] =	vst v1;
	v1 =	vmul.f32 $1.562500000e-02, v54  }
0x736: {  	v60 =	vld [tilespmem:$0x1F230];
	[tilespmem:s31+$0x83C0] =	vst v0;
	v0 =	vmul.f32 $1.562500000e-02, v55  }
0x737: {  	v61 =	vld [tilespmem:$0x1F240];
	[tilespmem:s31+$0x83D0] =	vst v1;
	v1 =	vmul.f32 $1.562500000e-02, v56  }
0x738: {  	v62 =	vld [tilespmem:$0x1F250];
	[tilespmem:s31+$0x83E0] =	vst v0;
	v0 =	vmul.f32 $1.562500000e-02, v57  }
0x739: {  	v17 =	vld [tilespmem:$0x1F260];
	[tilespmem:s31+$0x83F0] =	vst v1;
	v1 =	vmul.f32 $1.562500000e-02, v58  }
0x73a: {  	v18 =	vld [tilespmem:$0x1F270];
	[tilespmem:s31+$0xBFE0] =	vst v0;
	v0 =	vmul.f32 $1.562500000e-02, v59  }
0x73b: {  	v19 =	vld [tilespmem:$0x1F280];
	[tilespmem:s31+$0xBFD0] =	vst v1;
	v1 =	vmul.f32 $1.562500000e-02, v60  }
0x73c: {  	v20 =	vld [tilespmem:$0x1F290];
	[tilespmem:s31+$0xBFC0] =	vst v0;
	v0 =	vmul.f32 $1.562500000e-02, v61  }
0x73d: {  	v21 =	vld [tilespmem:$0x1F2A0];
	[tilespmem:s31+$0xBFB0] =	vst v1;
	v1 =	vmul.f32 $1.562500000e-02, v62  }
0x73e: {  	v22 =	vld [tilespmem:$0x1F2B0];
	[tilespmem:s31+$0xBFA0] =	vst v0;
	v0 =	vmul.f32 $1.562500000e-02, v17  }
0x73f: {  	v23 =	vld [tilespmem:$0x1F2C0];
	[tilespmem:s31+$0xBF90] =	vst v1;
	v1 =	vmul.f32 $1.562500000e-02, v18  }
0x740: {  	v24 =	vld [tilespmem:$0x1F2D0];
	[tilespmem:s31+$0xBF80] =	vst v0;
	v0 =	vmul.f32 $1.562500000e-02, v19  }
0x741: {  	v25 =	vld [tilespmem:$0x1F2E0];
	[tilespmem:s31+$0xBDF0] =	vst v1;
	v1 =	vmul.f32 $1.562500000e-02, v20  }
0x742: {  	v26 =	vld [tilespmem:$0x1F2F0];
	[tilespmem:s31+$0xBDE0] =	vst v0;
	v0 =	vmul.f32 $1.562500000e-02, v21  }
0x743: {  	v27 =	vld [tilespmem:$0x1F300];
	[tilespmem:s31+$0xBDD0] =	vst v1;
	v1 =	vmul.f32 $1.562500000e-02, v22  }
0x744: {  	v28 =	vld [tilespmem:$0x1F310];
	[tilespmem:s31+$0xBDC0] =	vst v0;
	v0 =	vmul.f32 $1.562500000e-02, v23  }
0x745: {  	v29 =	vld [tilespmem:$0x1F320];
	[tilespmem:s31+$0xBDB0] =	vst v1;
	v1 =	vmul.f32 $1.562500000e-02, v24  }
0x746: {  	v30 =	vld [tilespmem:$0x1F330];
	[tilespmem:s31+$0xBDA0] =	vst v0;
	v0 =	vmul.f32 $1.562500000e-02, v25  }
0x747: {  	v31 =	vld [tilespmem:$0x1F340];
	[tilespmem:s31+$0xBD90] =	vst v1;
	v1 =	vmul.f32 $1.562500000e-02, v26  }
0x748: {  	v32 =	vld [tilespmem:$0x1F350];
	[tilespmem:s31+$0xBD80] =	vst v0;
	v0 =	vmul.f32 $1.562500000e-02, v27  }
0x749: {  	v33 =	vld [tilespmem:$0x1F360];
	[tilespmem:s31+$0xBBF0] =	vst v1;
	v1 =	vmul.f32 $1.562500000e-02, v28  }
0x74a: {  	v34 =	vld [tilespmem:$0x1F370];
	[tilespmem:s31+$0xBBE0] =	vst v0;
	v0 =	vmul.f32 $1.562500000e-02, v29  }
0x74b: {  	v35 =	vld [tilespmem:$0x1F380];
	[tilespmem:s31+$0xBBD0] =	vst v1;
	v1 =	vmul.f32 $1.562500000e-02, v30  }
0x74c: {  	v36 =	vld [tilespmem:$0x1F390];
	[tilespmem:s31+$0xBBC0] =	vst v0;
	v0 =	vmul.f32 $1.562500000e-02, v31  }
0x74d: {  	v37 =	vld [tilespmem:$0x1F3A0];
	[tilespmem:s31+$0xBBB0] =	vst v1;
	v1 =	vmul.f32 $1.562500000e-02, v32  }
0x74e: {  	v38 =	vld [tilespmem:$0x1F3B0];
	[tilespmem:s31+$0xBBA0] =	vst v0;
	v0 =	vmul.f32 $1.562500000e-02, v33  }
0x74f: {  	v39 =	vld [tilespmem:$0x1F3C0];
	[tilespmem:s31+$0xBB90] =	vst v1;
	v1 =	vmul.f32 $1.562500000e-02, v34  }
0x750: {  	v40 =	vld [tilespmem:$0x1F3D0];
	[tilespmem:s31+$0xBB80] =	vst v0;
	v0 =	vmul.f32 $1.562500000e-02, v35  }
0x751: {  	v41 =	vld [tilespmem:$0x1F3E0];
	[tilespmem:s31+$0xB9F0] =	vst v1;
	v1 =	vmul.f32 $1.562500000e-02, v36  }
0x752: {  	v42 =	vld [tilespmem:$0x1F3F0];
	[tilespmem:s31+$0xB9E0] =	vst v0;
	v0 =	vmul.f32 $1.562500000e-02, v37  }
0x753: {  	v43 =	vld [tilespmem:$0x1F400];
	[tilespmem:s31+$0xB9D0] =	vst v1;
	v1 =	vmul.f32 $1.562500000e-02, v38  }
0x754: {  	v44 =	vld [tilespmem:$0x1F410];
	[tilespmem:s31+$0xB9C0] =	vst v0;
	v0 =	vmul.f32 $1.562500000e-02, v39  }
0x755: {  	v45 =	vld [tilespmem:$0x1F420];
	[tilespmem:s31+$0xB9B0] =	vst v1;
	v1 =	vmul.f32 $1.562500000e-02, v40  }
0x756: {  	v46 =	vld [tilespmem:$0x1F430];
	[tilespmem:s31+$0xB9A0] =	vst v0;
	v0 =	vmul.f32 $1.562500000e-02, v41  }
0x757: {  	v47 =	vld [tilespmem:$0x1F440];
	[tilespmem:s31+$0xB990] =	vst v1;
	v1 =	vmul.f32 $1.562500000e-02, v42  }
0x758: {  	v48 =	vld [tilespmem:$0x1F450];
	[tilespmem:s31+$0xB980] =	vst v0;
	v0 =	vmul.f32 $1.562500000e-02, v43  }
0x759: {  	v49 =	vld [tilespmem:$0x1F460];
	[tilespmem:s31+$0xB7F0] =	vst v1;
	v1 =	vmul.f32 $1.562500000e-02, v44  }
0x75a: {  	v50 =	vld [tilespmem:$0x1F470];
	[tilespmem:s31+$0xB7E0] =	vst v0;
	v0 =	vmul.f32 $1.562500000e-02, v45  }
0x75b: {  	v51 =	vld [tilespmem:$0x1F480];
	[tilespmem:s31+$0xB7D0] =	vst v1;
	v1 =	vmul.f32 $1.562500000e-02, v46  }
0x75c: {  	v52 =	vld [tilespmem:$0x1F490];
	[tilespmem:s31+$0xB7C0] =	vst v0;
	v0 =	vmul.f32 $1.562500000e-02, v47  }
0x75d: {  	v53 =	vld [tilespmem:$0x1F4A0];
	[tilespmem:s31+$0xB7B0] =	vst v1;
	v1 =	vmul.f32 $1.562500000e-02, v48  }
0x75e: {  	v54 =	vld [tilespmem:$0x1F4B0];
	[tilespmem:s31+$0xB7A0] =	vst v0;
	v0 =	vmul.f32 $1.562500000e-02, v49  }
0x75f: {  	v55 =	vld [tilespmem:$0x1F4C0];
	[tilespmem:s31+$0xB790] =	vst v1;
	v1 =	vmul.f32 $1.562500000e-02, v50  }
0x760: {  	v56 =	vld [tilespmem:$0x1F4D0];
	[tilespmem:s31+$0xB780] =	vst v0;
	v0 =	vmul.f32 $1.562500000e-02, v51  }
0x761: {  	v57 =	vld [tilespmem:$0x1F4E0];
	[tilespmem:s31+$0xB5F0] =	vst v1;
	v1 =	vmul.f32 $1.562500000e-02, v52  }
0x762: {  	v58 =	vld [tilespmem:$0x1F4F0];
	[tilespmem:s31+$0xB5E0] =	vst v0;
	v0 =	vmul.f32 $1.562500000e-02, v53  }
0x763: {  	v59 =	vld [tilespmem:$0x1F500];
	[tilespmem:s31+$0xB5D0] =	vst v1;
	v1 =	vmul.f32 $1.562500000e-02, v54  }
0x764: {  	v60 =	vld [tilespmem:$0x1F510];
	[tilespmem:s31+$0xB5C0] =	vst v0;
	v0 =	vmul.f32 $1.562500000e-02, v55  }
0x765: {  	v61 =	vld [tilespmem:$0x1F520];
	[tilespmem:s31+$0xB5B0] =	vst v1;
	v1 =	vmul.f32 $1.562500000e-02, v56  }
0x766: {  	v62 =	vld [tilespmem:$0x1F530];
	[tilespmem:s31+$0xB5A0] =	vst v0;
	v0 =	vmul.f32 $1.562500000e-02, v57  }
0x767: {  	v17 =	vld [tilespmem:$0x1F540];
	[tilespmem:s31+$0xB590] =	vst v1;
	v1 =	vmul.f32 $1.562500000e-02, v58  }
0x768: {  	v18 =	vld [tilespmem:$0x1F550];
	[tilespmem:s31+$0xB580] =	vst v0;
	v0 =	vmul.f32 $1.562500000e-02, v59  }
0x769: {  	v19 =	vld [tilespmem:$0x1F560];
	[tilespmem:s31+$0xB3F0] =	vst v1;
	v1 =	vmul.f32 $1.562500000e-02, v60  }
0x76a: {  	v20 =	vld [tilespmem:$0x1F570];
	[tilespmem:s31+$0xB3E0] =	vst v0;
	v0 =	vmul.f32 $1.562500000e-02, v61  }
0x76b: {  	v21 =	vld [tilespmem:$0x1F580];
	[tilespmem:s31+$0xB3D0] =	vst v1;
	v1 =	vmul.f32 $1.562500000e-02, v62  }
0x76c: {  	v22 =	vld [tilespmem:$0x1F590];
	[tilespmem:s31+$0xB3C0] =	vst v0;
	v0 =	vmul.f32 $1.562500000e-02, v17  }
0x76d: {  	v23 =	vld [tilespmem:$0x1F5A0];
	[tilespmem:s31+$0xB3B0] =	vst v1;
	v1 =	vmul.f32 $1.562500000e-02, v18  }
0x76e: {  	v24 =	vld [tilespmem:$0x1F5B0];
	[tilespmem:s31+$0xB3A0] =	vst v0;
	v0 =	vmul.f32 $1.562500000e-02, v19  }
0x76f: {  	v25 =	vld [tilespmem:$0x1F5C0];
	[tilespmem:s31+$0xB390] =	vst v1;
	v1 =	vmul.f32 $1.562500000e-02, v20  }
0x770: {  	v26 =	vld [tilespmem:$0x1F5D0];
	[tilespmem:s31+$0xB380] =	vst v0;
	v0 =	vmul.f32 $1.562500000e-02, v21  }
0x771: {  	v27 =	vld [tilespmem:$0x1F5E0];
	[tilespmem:s31+$0xB1F0] =	vst v1;
	v1 =	vmul.f32 $1.562500000e-02, v22  }
0x772: {  	v28 =	vld [tilespmem:$0x1F5F0];
	[tilespmem:s31+$0xB1E0] =	vst v0;
	v0 =	vmul.f32 $1.562500000e-02, v23  }
0x773: {  	v29 =	vld [tilespmem:$0x1F600];
	[tilespmem:s31+$0xB1D0] =	vst v1;
	v1 =	vmul.f32 $1.562500000e-02, v24  }
0x774: {  	v30 =	vld [tilespmem:$0x1F610];
	[tilespmem:s31+$0xB1C0] =	vst v0;
	v0 =	vmul.f32 $1.562500000e-02, v25  }
0x775: {  	v31 =	vld [tilespmem:$0x1F620];
	[tilespmem:s31+$0xB1B0] =	vst v1;
	v1 =	vmul.f32 $1.562500000e-02, v26  }
0x776: {  	v32 =	vld [tilespmem:$0x1F630];
	[tilespmem:s31+$0xB1A0] =	vst v0;
	v0 =	vmul.f32 $1.562500000e-02, v27  }
0x777: {  	v33 =	vld [tilespmem:$0x1F640];
	[tilespmem:s31+$0xB190] =	vst v1;
	v1 =	vmul.f32 $1.562500000e-02, v28  }
0x778: {  	v34 =	vld [tilespmem:$0x1F650];
	[tilespmem:s31+$0xB180] =	vst v0;
	v0 =	vmul.f32 $1.562500000e-02, v29  }
0x779: {  	v35 =	vld [tilespmem:$0x1F660];
	[tilespmem:s31+$0xAFF0] =	vst v1;
	v1 =	vmul.f32 $1.562500000e-02, v30  }
0x77a: {  	v36 =	vld [tilespmem:$0x1F670];
	[tilespmem:s31+$0xAFE0] =	vst v0;
	v0 =	vmul.f32 $1.562500000e-02, v31  }
0x77b: {  	v37 =	vld [tilespmem:$0x1F680];
	[tilespmem:s31+$0xAFD0] =	vst v1;
	v1 =	vmul.f32 $1.562500000e-02, v32  }
0x77c: {  	v38 =	vld [tilespmem:$0x1F690];
	[tilespmem:s31+$0xAFC0] =	vst v0;
	v0 =	vmul.f32 $1.562500000e-02, v33  }
0x77d: {  	v39 =	vld [tilespmem:$0x1F6A0];
	[tilespmem:s31+$0xAFB0] =	vst v1;
	v1 =	vmul.f32 $1.562500000e-02, v34  }
0x77e: {  	v40 =	vld [tilespmem:$0x1F6B0];
	[tilespmem:s31+$0xAFA0] =	vst v0;
	v0 =	vmul.f32 $1.562500000e-02, v35  }
0x77f: {  	v41 =	vld [tilespmem:$0x1F6C0];
	[tilespmem:s31+$0xAF90] =	vst v1;
	v1 =	vmul.f32 $1.562500000e-02, v36  }
0x780: {  	v42 =	vld [tilespmem:$0x1F6D0];
	[tilespmem:s31+$0xAF80] =	vst v0;
	v0 =	vmul.f32 $1.562500000e-02, v37  }
0x781: {  	v43 =	vld [tilespmem:$0x1F6E0];
	[tilespmem:s31+$0xADF0] =	vst v1;
	v1 =	vmul.f32 $1.562500000e-02, v38  }
0x782: {  	v44 =	vld [tilespmem:$0x1F6F0];
	[tilespmem:s31+$0xADE0] =	vst v0;
	v0 =	vmul.f32 $1.562500000e-02, v39  }
0x783: {  	v45 =	vld [tilespmem:$0x1F700];
	[tilespmem:s31+$0xADD0] =	vst v1;
	v1 =	vmul.f32 $1.562500000e-02, v40  }
0x784: {  	v46 =	vld [tilespmem:$0x1F710];
	[tilespmem:s31+$0xADC0] =	vst v0;
	v0 =	vmul.f32 $1.562500000e-02, v41  }
0x785: {  	v47 =	vld [tilespmem:$0x1F720];
	[tilespmem:s31+$0xADB0] =	vst v1;
	v1 =	vmul.f32 $1.562500000e-02, v42  }
0x786: {  	v48 =	vld [tilespmem:$0x1F730];
	[tilespmem:s31+$0xADA0] =	vst v0;
	v0 =	vmul.f32 $1.562500000e-02, v43  }
0x787: {  	v49 =	vld [tilespmem:$0x1F740];
	[tilespmem:s31+$0xAD90] =	vst v1;
	v1 =	vmul.f32 $1.562500000e-02, v44  }
0x788: {  	v50 =	vld [tilespmem:$0x1F750];
	[tilespmem:s31+$0xAD80] =	vst v0;
	v0 =	vmul.f32 $1.562500000e-02, v45  }
0x789: {  	v51 =	vld [tilespmem:$0x1F760];
	[tilespmem:s31+$0xABF0] =	vst v1;
	v1 =	vmul.f32 $1.562500000e-02, v46  }
0x78a: {  	v52 =	vld [tilespmem:$0x1F770];
	[tilespmem:s31+$0xABE0] =	vst v0;
	v0 =	vmul.f32 $1.562500000e-02, v47  }
0x78b: {  	v53 =	vld [tilespmem:$0x1F780];
	[tilespmem:s31+$0xABD0] =	vst v1;
	v1 =	vmul.f32 $1.562500000e-02, v48  }
0x78c: {  	v54 =	vld [tilespmem:$0x1F790];
	[tilespmem:s31+$0xABC0] =	vst v0;
	v0 =	vmul.f32 $1.562500000e-02, v49  }
0x78d: {  	v55 =	vld [tilespmem:$0x1F7A0];
	[tilespmem:s31+$0xABB0] =	vst v1;
	v1 =	vmul.f32 $1.562500000e-02, v50  }
0x78e: {  	v56 =	vld [tilespmem:$0x1F7B0];
	[tilespmem:s31+$0xABA0] =	vst v0;
	v0 =	vmul.f32 $1.562500000e-02, v51  }
0x78f: {  	v57 =	vld [tilespmem:$0x1F7C0];
	[tilespmem:s31+$0xAB90] =	vst v1;
	v1 =	vmul.f32 $1.562500000e-02, v52  }
0x790: {  	v58 =	vld [tilespmem:$0x1F7D0];
	[tilespmem:s31+$0xAB80] =	vst v0;
	v0 =	vmul.f32 $1.562500000e-02, v53  }
0x791: {  	v59 =	vld [tilespmem:$0x1F7E0];
	[tilespmem:s31+$0xA9F0] =	vst v1;
	v1 =	vmul.f32 $1.562500000e-02, v54  }
0x792: {  	v60 =	vld [tilespmem:$0x1F7F0];
	[tilespmem:s31+$0xA9E0] =	vst v0;
	v0 =	vmul.f32 $1.562500000e-02, v55  }
0x793: {  	v61 =	vld [tilespmem:$0x1F800];
	[tilespmem:s31+$0xA9D0] =	vst v1;
	v1 =	vmul.f32 $1.562500000e-02, v56  }
0x794: {  	v62 =	vld [tilespmem:$0x1F810];
	[tilespmem:s31+$0xA9C0] =	vst v0;
	v0 =	vmul.f32 $1.562500000e-02, v57  }
0x795: {  	v17 =	vld [tilespmem:$0x1F820];
	[tilespmem:s31+$0xA9B0] =	vst v1;
	v1 =	vmul.f32 $1.562500000e-02, v58  }
0x796: {  	v18 =	vld [tilespmem:$0x1F830];
	[tilespmem:s31+$0xA9A0] =	vst v0;
	v0 =	vmul.f32 $1.562500000e-02, v59  }
0x797: {  	v19 =	vld [tilespmem:$0x1F840];
	[tilespmem:s31+$0xA990] =	vst v1;
	v1 =	vmul.f32 $1.562500000e-02, v60  }
0x798: {  	v20 =	vld [tilespmem:$0x1F850];
	[tilespmem:s31+$0xA980] =	vst v0;
	v0 =	vmul.f32 $1.562500000e-02, v61  }
0x799: {  	v21 =	vld [tilespmem:$0x1F860];
	[tilespmem:s31+$0xA7F0] =	vst v1;
	v1 =	vmul.f32 $1.562500000e-02, v62  }
0x79a: {  	v22 =	vld [tilespmem:$0x1F870];
	[tilespmem:s31+$0xA7E0] =	vst v0;
	v0 =	vmul.f32 $1.562500000e-02, v17  }
0x79b: {  	v23 =	vld [tilespmem:$0x1F880];
	[tilespmem:s31+$0xA7D0] =	vst v1;
	v1 =	vmul.f32 $1.562500000e-02, v18  }
0x79c: {  	v24 =	vld [tilespmem:$0x1F890];
	[tilespmem:s31+$0xA7C0] =	vst v0;
	v0 =	vmul.f32 $1.562500000e-02, v19  }
0x79d: {  	v25 =	vld [tilespmem:$0x1F8A0];
	[tilespmem:s31+$0xA7B0] =	vst v1;
	v1 =	vmul.f32 $1.562500000e-02, v20  }
0x79e: {  	v26 =	vld [tilespmem:$0x1F8B0];
	[tilespmem:s31+$0xA7A0] =	vst v0;
	v0 =	vmul.f32 $1.562500000e-02, v21  }
0x79f: {  	v27 =	vld [tilespmem:$0x1F8C0];
	[tilespmem:s31+$0xA790] =	vst v1;
	v1 =	vmul.f32 $1.562500000e-02, v22  }
0x7a0: {  	v28 =	vld [tilespmem:$0x1F8D0];
	[tilespmem:s31+$0xA780] =	vst v0;
	v0 =	vmul.f32 $1.562500000e-02, v23  }
0x7a1: {  	v29 =	vld [tilespmem:$0x1F8E0];
	[tilespmem:s31+$0xA5F0] =	vst v1;
	v1 =	vmul.f32 $1.562500000e-02, v24  }
0x7a2: {  	v30 =	vld [tilespmem:$0x1F8F0];
	[tilespmem:s31+$0xA5E0] =	vst v0;
	v0 =	vmul.f32 $1.562500000e-02, v25  }
0x7a3: {  	v31 =	vld [tilespmem:$0x1F900];
	[tilespmem:s31+$0xA5D0] =	vst v1;
	v1 =	vmul.f32 $1.562500000e-02, v26  }
0x7a4: {  	v32 =	vld [tilespmem:$0x1F910];
	[tilespmem:s31+$0xA5C0] =	vst v0;
	v0 =	vmul.f32 $1.562500000e-02, v27  }
0x7a5: {  	v33 =	vld [tilespmem:$0x1F920];
	[tilespmem:s31+$0xA5B0] =	vst v1;
	v1 =	vmul.f32 $1.562500000e-02, v28  }
0x7a6: {  	v34 =	vld [tilespmem:$0x1F930];
	[tilespmem:s31+$0xA5A0] =	vst v0;
	v0 =	vmul.f32 $1.562500000e-02, v29  }
0x7a7: {  	v35 =	vld [tilespmem:$0x1F940];
	[tilespmem:s31+$0xA590] =	vst v1;
	v1 =	vmul.f32 $1.562500000e-02, v30  }
0x7a8: {  	[tilespmem:s31+$0xA580] =	vst v0;
	v0 =	vmul.f32 $1.562500000e-02, v31  }
0x7a9: {  	v36 =	vld [tilespmem:$0x1F950];
	[tilespmem:s31+$0xA3F0] =	vst v1;
	v1 =	vmul.f32 $1.562500000e-02, v32  }
0x7aa: {  	v37 =	vld [tilespmem:$0x1F960];
	[tilespmem:s31+$0xA3E0] =	vst v0;
	v0 =	vmul.f32 $1.562500000e-02, v33  }
0x7ab: {  	v38 =	vld [tilespmem:$0x1F970];
	[tilespmem:s31+$0xA3D0] =	vst v1;
	v1 =	vmul.f32 $1.562500000e-02, v34  }
0x7ac: {  	v39 =	vld [tilespmem:$0x1F980];
	[tilespmem:s31+$0xA3C0] =	vst v0;
	v0 =	vmul.f32 $1.562500000e-02, v35  }
0x7ad: {  	v40 =	vld [tilespmem:$0x1F990];
	v34 =	vmul.f32 $1.562500000e-02, v63;
	[tilespmem:s31+$0xA3B0] =	vst v1  }
0x7ae: {  	v41 =	vld [tilespmem:$0x1F9A0];
	v1 =	vmul.f32 $1.562500000e-02, v36;
	[tilespmem:s31+$0xA3A0] =	vst v0  }
0x7af: {  	v42 =	vld [tilespmem:$0x1F9B0];
	v0 =	vmul.f32 $1.562500000e-02, v37;
	[tilespmem:s31+$0x97D0] =	vst v34  }
0x7b0: {  	v43 =	vld [tilespmem:$0x1F9C0];
	[tilespmem:s31+$0xA390] =	vst v1;
	v1 =	vmul.f32 $1.562500000e-02, v38  }
0x7b1: {  	v44 =	vld [tilespmem:$0x1F9D0];
	[tilespmem:s31+$0xA380] =	vst v0;
	v0 =	vmul.f32 $1.562500000e-02, v39  }
0x7b2: {  	v45 =	vld [tilespmem:$0x1F9E0];
	[tilespmem:s31+$0xA1F0] =	vst v1;
	v1 =	vmul.f32 $1.562500000e-02, v40  }
0x7b3: {  	v46 =	vld [tilespmem:$0x1F9F0];
	[tilespmem:s31+$0xA1E0] =	vst v0;
	v0 =	vmul.f32 $1.562500000e-02, v41  }
0x7b4: {  	v47 =	vld [tilespmem:$0x1FA00];
	[tilespmem:s31+$0xA1D0] =	vst v1;
	v1 =	vmul.f32 $1.562500000e-02, v42  }
0x7b5: {  	v48 =	vld [tilespmem:$0x1FA10];
	[tilespmem:s31+$0xA1C0] =	vst v0;
	v0 =	vmul.f32 $1.562500000e-02, v43  }
0x7b6: {  	v49 =	vld [tilespmem:$0x1FA20];
	[tilespmem:s31+$0xA1B0] =	vst v1;
	v1 =	vmul.f32 $1.562500000e-02, v44  }
0x7b7: {  	v50 =	vld [tilespmem:$0x1FA30];
	[tilespmem:s31+$0xA1A0] =	vst v0;
	v0 =	vmul.f32 $1.562500000e-02, v45  }
0x7b8: {  	v51 =	vld [tilespmem:$0x1FA40];
	[tilespmem:s31+$0xA190] =	vst v1;
	v1 =	vmul.f32 $1.562500000e-02, v46  }
0x7b9: {  	v52 =	vld [tilespmem:$0x1FA50];
	[tilespmem:s31+$0xA180] =	vst v0;
	v0 =	vmul.f32 $1.562500000e-02, v47  }
0x7ba: {  	v53 =	vld [tilespmem:$0x1FA60];
	[tilespmem:s31+$0x9FF0] =	vst v1;
	v1 =	vmul.f32 $1.562500000e-02, v48  }
0x7bb: {  	v54 =	vld [tilespmem:$0x1FA70];
	[tilespmem:s31+$0x9FE0] =	vst v0;
	v0 =	vmul.f32 $1.562500000e-02, v49  }
0x7bc: {  	v55 =	vld [tilespmem:$0x1FA80];
	[tilespmem:s31+$0x9FD0] =	vst v1;
	v1 =	vmul.f32 $1.562500000e-02, v50  }
0x7bd: {  	v56 =	vld [tilespmem:$0x1FA90];
	[tilespmem:s31+$0x9FC0] =	vst v0;
	v0 =	vmul.f32 $1.562500000e-02, v51  }
0x7be: {  	v57 =	vld [tilespmem:$0x1FAA0];
	[tilespmem:s31+$0x9FB0] =	vst v1;
	v1 =	vmul.f32 $1.562500000e-02, v52  }
0x7bf: {  	v58 =	vld [tilespmem:$0x1FAB0];
	[tilespmem:s31+$0x9FA0] =	vst v0;
	v0 =	vmul.f32 $1.562500000e-02, v53  }
0x7c0: {  	v59 =	vld [tilespmem:$0x1FAC0];
	[tilespmem:s31+$0x9F90] =	vst v1;
	v1 =	vmul.f32 $1.562500000e-02, v54  }
0x7c1: {  	v60 =	vld [tilespmem:$0x1FAD0];
	[tilespmem:s31+$0x9F80] =	vst v0;
	v0 =	vmul.f32 $1.562500000e-02, v55  }
0x7c2: {  	v61 =	vld [tilespmem:$0x1FAE0];
	[tilespmem:s31+$0x9DF0] =	vst v1;
	v1 =	vmul.f32 $1.562500000e-02, v56  }
0x7c3: {  	[tilespmem:s31+$0x9DE0] =	vst v0;
	v0 =	vmul.f32 $1.562500000e-02, v57  }
0x7c4: {  	v62 =	vld [tilespmem:$0x1FAF0];
	[tilespmem:s31+$0x9DD0] =	vst v1;
	v1 =	vmul.f32 $1.562500000e-02, v58  }
0x7c5: {  	v17 =	vld [tilespmem:$0x1FB00];
	[tilespmem:s31+$0x9DC0] =	vst v0;
	v0 =	vmul.f32 $1.562500000e-02, v59  }
0x7c6: {  	[tilespmem:s31+$0x9DB0] =	vst v1;
	v1 =	vmul.f32 $1.562500000e-02, v60  }
0x7c7: {  	[tilespmem:s31+$0x9DA0] =	vst v0;
	v0 =	vmul.f32 $1.562500000e-02, v61  }
0x7c8: {  	v19 =	vld [tilespmem:$0x1FB20];
	v60 =	vmul.f32 $1.562500000e-02, v16;
	[tilespmem:s31+$0x9D90] =	vst v1  }
0x7c9: {  	v1 =	vmul.f32 $1.562500000e-02, v62;
	[tilespmem:s31+$0x9D80] =	vst v0  }
0x7ca: {  	v21 =	vld [tilespmem:$0x1FB40];
	v0 =	vmul.f32 $1.562500000e-02, v17;
	[tilespmem:s31+$0x91B0] =	vst v60  }
0x7cb: {  	v18 =	vld [tilespmem:$0x1FB10];
	v62 =	vmul.f32 $1.562500000e-02, v15;
	[tilespmem:s31+$0x9BF0] =	vst v1  }
0x7cc: {  	v23 =	vld [tilespmem:$0x1FB60];
	v15 =	vmul.f32 $1.562500000e-02, v14;
	[tilespmem:s31+$0x9BE0] =	vst v0  }
0x7cd: {  	v0 =	vmul.f32 $1.562500000e-02, v19;
	[tilespmem:s31+$0x9190] =	vst v62  }
0x7ce: {  	v25 =	vld [tilespmem:$0x1FB80];
	v17 =	vmul.f32 $1.562500000e-02, v13;
	[tilespmem:s31+$0x8FF0] =	vst v15  }
0x7cf: {  	v20 =	vld [tilespmem:$0x1FB30];
	[tilespmem:s31+$0x9BC0] =	vst v0;
	v0 =	vmul.f32 $1.562500000e-02, v21  }
0x7d0: {  	v27 =	vld [tilespmem:$0x1FBA0];
	v1 =	vmul.f32 $1.562500000e-02, v18;
	[tilespmem:s31+$0x8FD0] =	vst v17  }
0x7d1: {  	[tilespmem:s31+$0x9BA0] =	vst v0;
	v0 =	vmul.f32 $1.562500000e-02, v23  }
0x7d2: {  	v29 =	vld [tilespmem:$0x1FBC0];
	v19 =	vmul.f32 $1.562500000e-02, v12;
	[tilespmem:s31+$0x9BD0] =	vst v1  }
0x7d3: {  	v22 =	vld [tilespmem:$0x1FB50];
	[tilespmem:s31+$0x9B80] =	vst v0;
	v0 =	vmul.f32 $1.562500000e-02, v25  }
0x7d4: {  	v31 =	vld [tilespmem:$0x1FBE0];
	v1 =	vmul.f32 $1.562500000e-02, v20;
	[tilespmem:s31+$0x8FB0] =	vst v19  }
0x7d5: {  	[tilespmem:s31+$0x99E0] =	vst v0;
	v0 =	vmul.f32 $1.562500000e-02, v27  }
0x7d6: {  	v33 =	vld [tilespmem:$0x1FC00];
	v21 =	vmul.f32 $1.562500000e-02, v11;
	[tilespmem:s31+$0x9BB0] =	vst v1  }
0x7d7: {  	v24 =	vld [tilespmem:$0x1FB70];
	[tilespmem:s31+$0x99C0] =	vst v0;
	v0 =	vmul.f32 $1.562500000e-02, v29  }
0x7d8: {  	v35 =	vld [tilespmem:$0x1FC10];
	v1 =	vmul.f32 $1.562500000e-02, v22;
	[tilespmem:s31+$0x8F90] =	vst v21  }
0x7d9: {  	[tilespmem:s31+$0x99A0] =	vst v0;
	v0 =	vmul.f32 $1.562500000e-02, v31  }
0x7da: {  	v37 =	vld [tilespmem:$0x1FC30];
	v23 =	vmul.f32 $1.562500000e-02, v10;
	[tilespmem:s31+$0x9B90] =	vst v1  }
0x7db: {  	v26 =	vld [tilespmem:$0x1FB90];
	[tilespmem:s31+$0x9980] =	vst v0;
	v0 =	vmul.f32 $1.562500000e-02, v33  }
0x7dc: {  	v39 =	vld [tilespmem:$0x1FC50];
	v1 =	vmul.f32 $1.562500000e-02, v24;
	[tilespmem:s31+$0x8DF0] =	vst v23  }
0x7dd: {  	[tilespmem:s31+$0x97E0] =	vst v0;
	v0 =	vmul.f32 $1.562500000e-02, v35  }
0x7de: {  	v41 =	vld [tilespmem:$0x1FC70];
	v25 =	vmul.f32 $1.562500000e-02, v9;
	[tilespmem:s31+$0x99F0] =	vst v1  }
0x7df: {  	v28 =	vld [tilespmem:$0x1FBB0];
	[tilespmem:s31+$0x97C0] =	vst v0;
	v0 =	vmul.f32 $1.562500000e-02, v37  }
0x7e0: {  	v43 =	vld [tilespmem:$0x1FC90];
	v1 =	vmul.f32 $1.562500000e-02, v26;
	[tilespmem:s31+$0x8DD0] =	vst v25  }
0x7e1: {  	[tilespmem:s31+$0x97A0] =	vst v0;
	v0 =	vmul.f32 $1.562500000e-02, v39  }
0x7e2: {  	v45 =	vld [tilespmem:$0x1FCB0];
	v27 =	vmul.f32 $1.562500000e-02, v8;
	[tilespmem:s31+$0x99D0] =	vst v1  }
0x7e3: {  	v30 =	vld [tilespmem:$0x1FBD0];
	[tilespmem:s31+$0x9780] =	vst v0;
	v0 =	vmul.f32 $1.562500000e-02, v41  }
0x7e4: {  	v47 =	vld [tilespmem:$0x1FCD0];
	v1 =	vmul.f32 $1.562500000e-02, v28;
	[tilespmem:s31+$0x8DB0] =	vst v27  }
0x7e5: {  	[tilespmem:s31+$0x95E0] =	vst v0;
	v0 =	vmul.f32 $1.562500000e-02, v43  }
0x7e6: {  	v49 =	vld [tilespmem:$0x1FCF0];
	v29 =	vmul.f32 $1.562500000e-02, v7;
	[tilespmem:s31+$0x99B0] =	vst v1  }
0x7e7: {  	v32 =	vld [tilespmem:$0x1FBF0];
	[tilespmem:s31+$0x95C0] =	vst v0;
	v0 =	vmul.f32 $1.562500000e-02, v45  }
0x7e8: {  	v51 =	vld [tilespmem:$0x1FD10];
	v1 =	vmul.f32 $1.562500000e-02, v30;
	[tilespmem:s31+$0x8D90] =	vst v29  }
0x7e9: {  	[tilespmem:s31+$0x95A0] =	vst v0;
	v0 =	vmul.f32 $1.562500000e-02, v47  }
0x7ea: {  	v53 =	vld [tilespmem:$0x1FD30];
	v31 =	vmul.f32 $1.562500000e-02, v6;
	[tilespmem:s31+$0x9990] =	vst v1  }
0x7eb: {  	v36 =	vld [tilespmem:$0x1FC20];
	[tilespmem:s31+$0x9580] =	vst v0;
	v0 =	vmul.f32 $1.562500000e-02, v49  }
0x7ec: {  	v55 =	vld [tilespmem:$0x1FD50];
	v1 =	vmul.f32 $1.562500000e-02, v32;
	[tilespmem:s31+$0x8BF0] =	vst v31  }
0x7ed: {  	[tilespmem:s31+$0x93E0] =	vst v0;
	v0 =	vmul.f32 $1.562500000e-02, v51  }
0x7ee: {  	v57 =	vld [tilespmem:$0x1FD70];
	v33 =	vmul.f32 $1.562500000e-02, v5;
	[tilespmem:s31+$0x97F0] =	vst v1  }
0x7ef: {  	v38 =	vld [tilespmem:$0x1FC40];
	[tilespmem:s31+$0x93C0] =	vst v0;
	v0 =	vmul.f32 $1.562500000e-02, v53  }
0x7f0: {  	v59 =	vld [tilespmem:$0x1FD90];
	v1 =	vmul.f32 $1.562500000e-02, v36;
	[tilespmem:s31+$0x8BD0] =	vst v33  }
0x7f1: {  	[tilespmem:s31+$0x93A0] =	vst v0;
	v0 =	vmul.f32 $1.562500000e-02, v55  }
0x7f2: {  	v61 =	vld [tilespmem:$0x1FDA0];
	v36 =	vmul.f32 $1.562500000e-02, v3;
	[tilespmem:s31+$0x97B0] =	vst v1  }
0x7f3: {  	v40 =	vld [tilespmem:$0x1FC60];
	[tilespmem:s31+$0x9380] =	vst v0;
	v0 =	vmul.f32 $1.562500000e-02, v57  }
0x7f4: {  	v63 =	vld [tilespmem:$0x1FDB0];
	v1 =	vmul.f32 $1.562500000e-02, v38;
	[tilespmem:s31+$0x8BA0] =	vst v36  }
0x7f5: {  	[tilespmem:s31+$0x91E0] =	vst v0;
	v0 =	vmul.f32 $1.562500000e-02, v59  }
0x7f6: {  	v16 =	vld [tilespmem:$0x1FDC0];
	v37 =	vmul.f32 $1.562500000e-02, v4;
	[tilespmem:s31+$0x9790] =	vst v1  }
0x7f7: {  	v42 =	vld [tilespmem:$0x1FC80];
	[tilespmem:s31+$0x91C0] =	vst v0;
	v0 =	vmul.f32 $1.562500000e-02, v61  }
0x7f8: {  	v18 =	vld [tilespmem:$0x1FDD0];
	v1 =	vmul.f32 $1.562500000e-02, v40;
	[tilespmem:s31+$0x8B90] =	vst v37  }
0x7f9: {  	v44 =	vld [tilespmem:$0x1FCA0];
	[tilespmem:s31+$0x91A0] =	vst v0;
	v0 =	vmul.f32 $1.562500000e-02, v63  }
0x7fa: {  	v20 =	vld [tilespmem:$0x1FDE0];
	v39 =	vmul.f32 $1.562500000e-02, v2;
	[tilespmem:s31+$0x95F0] =	vst v1  }
0x7fb: {  	v46 =	vld [tilespmem:$0x1FCC0];
	[tilespmem:s31+$0x9180] =	vst v0;
	v0 =	vmul.f32 $1.562500000e-02, v16  }
0x7fc: {  	v22 =	vld [tilespmem:$0x1FDF0];
	v1 =	vmul.f32 $1.562500000e-02, v42;
	[tilespmem:s31+$0x89F0] =	vst v39  }
0x7fd: {  	v48 =	vld [tilespmem:$0x1FCE0];
	[tilespmem:s31+$0x8FE0] =	vst v0;
	v0 =	vmul.f32 $1.562500000e-02, v18  }
0x7fe: {  	v24 =	vld [tilespmem:$0x1FE00];
	[tilespmem:s31+$0x95D0] =	vst v1;
	v1 =	vmul.f32 $1.562500000e-02, v44  }
0x7ff: {  	v50 =	vld [tilespmem:$0x1FD00];
	[tilespmem:s31+$0x8FC0] =	vst v0;
	v0 =	vmul.f32 $1.562500000e-02, v20  }
0x800: {  	v26 =	vld [tilespmem:$0x1FE10];
	[tilespmem:s31+$0x95B0] =	vst v1;
	v1 =	vmul.f32 $1.562500000e-02, v46  }
0x801: {  	v52 =	vld [tilespmem:$0x1FD20];
	[tilespmem:s31+$0x8FA0] =	vst v0;
	v0 =	vmul.f32 $1.562500000e-02, v22  }
0x802: {  	v28 =	vld [tilespmem:$0x1FE20];
	[tilespmem:s31+$0x9590] =	vst v1;
	v1 =	vmul.f32 $1.562500000e-02, v48  }
0x803: {  	v54 =	vld [tilespmem:$0x1FD40];
	[tilespmem:s31+$0x8F80] =	vst v0;
	v0 =	vmul.f32 $1.562500000e-02, v24  }
0x804: {  	v30 =	vld [tilespmem:$0x1FE30];
	[tilespmem:s31+$0x93F0] =	vst v1;
	v1 =	vmul.f32 $1.562500000e-02, v50  }
0x805: {  	v56 =	vld [tilespmem:$0x1FD60];
	[tilespmem:s31+$0x8DE0] =	vst v0;
	v0 =	vmul.f32 $1.562500000e-02, v26  }
0x806: {  	v32 =	vld [tilespmem:$0x1FE40];
	[tilespmem:s31+$0x93D0] =	vst v1;
	v1 =	vmul.f32 $1.562500000e-02, v52  }
0x807: {  	v58 =	vld [tilespmem:$0x1FD80];
	[tilespmem:s31+$0x8DC0] =	vst v0;
	v0 =	vmul.f32 $1.562500000e-02, v28  }
0x808: {  	v34 =	vld [tilespmem:$0x1FE50];
	[tilespmem:s31+$0x93B0] =	vst v1;
	v1 =	vmul.f32 $1.562500000e-02, v54  }
0x809: {  	v35 =	vld [tilespmem:$0x1FE60];
	[tilespmem:s31+$0x8DA0] =	vst v0;
	v0 =	vmul.f32 $1.562500000e-02, v30  }
0x80a: {  	v38 =	vld [tilespmem:$0x1FE70];
	[tilespmem:s31+$0x9390] =	vst v1;
	v1 =	vmul.f32 $1.562500000e-02, v56  }
0x80b: {  	v41 =	vld [tilespmem:$0x1FE90];
	[tilespmem:s31+$0x8D80] =	vst v0;
	v0 =	vmul.f32 $1.562500000e-02, v32  }
0x80c: {  	v40 =	vld [tilespmem:$0x1FE80];
	[tilespmem:s31+$0x91F0] =	vst v1;
	v1 =	vmul.f32 $1.562500000e-02, v58  }
0x80d: {  	v43 =	vld [tilespmem:$0x1FEB0];
	[tilespmem:s31+$0x8BE0] =	vst v0;
	v0 =	vmul.f32 $1.562500000e-02, v34  }
0x80e: {  	v42 =	vld [tilespmem:$0x1FEA0];
	[tilespmem:s31+$0x91D0] =	vst v1;
	v1 =	vmul.f32 $1.562500000e-02, v35  }
0x80f: {  	v45 =	vld [tilespmem:$0x1FED0];
	[tilespmem:s31+$0x8BC0] =	vst v0;
	v0 =	vmul.f32 $1.562500000e-02, v38  }
0x810: {  	v44 =	vld [tilespmem:$0x1FEC0];
	[tilespmem:s31+$0x8BB0] =	vst v1;
	v1 =	vmul.f32 $1.562500000e-02, v41  }
0x811: {  	v47 =	vld [tilespmem:$0x1FEF0];
	[tilespmem:s31+$0x8B80] =	vst v0;
	v0 =	vmul.f32 $1.562500000e-02, v40  }
0x812: {  	v46 =	vld [tilespmem:$0x1FEE0];
	[tilespmem:s31+$0x89D0] =	vst v1;
	v1 =	vmul.f32 $1.562500000e-02, v43  }
0x813: {  	v49 =	vld [tilespmem:$0x1FF10];
	[tilespmem:s31+$0x89E0] =	vst v0;
	v0 =	vmul.f32 $1.562500000e-02, v42  }
0x814: {  	v48 =	vld [tilespmem:$0x1FF00];
	[tilespmem:s31+$0x89B0] =	vst v1;
	v1 =	vmul.f32 $1.562500000e-02, v45  }
0x815: {  	v51 =	vld [tilespmem:$0x1FF30];
	[tilespmem:s31+$0x89C0] =	vst v0;
	v0 =	vmul.f32 $1.562500000e-02, v44  }
0x816: {  	v50 =	vld [tilespmem:$0x1FF20];
	[tilespmem:s31+$0x8990] =	vst v1;
	v1 =	vmul.f32 $1.562500000e-02, v47  }
0x817: {  	v53 =	vld [tilespmem:$0x1FF50];
	[tilespmem:s31+$0x89A0] =	vst v0;
	v0 =	vmul.f32 $1.562500000e-02, v46  }
0x818: {  	v52 =	vld [tilespmem:$0x1FF40];
	[tilespmem:s31+$0x87F0] =	vst v1;
	v1 =	vmul.f32 $1.562500000e-02, v49  }
0x819: {  	v55 =	vld [tilespmem:$0x1FF70];
	[tilespmem:s31+$0x8980] =	vst v0;
	v0 =	vmul.f32 $1.562500000e-02, v48  }
0x81a: {  	v54 =	vld [tilespmem:$0x1FF60];
	[tilespmem:s31+$0x87D0] =	vst v1;
	v1 =	vmul.f32 $1.562500000e-02, v51  }
0x81b: {  	v57 =	vld [tilespmem:$0x1FF90];
	[tilespmem:s31+$0x87E0] =	vst v0;
	v0 =	vmul.f32 $1.562500000e-02, v50  }
0x81c: {  	v56 =	vld [tilespmem:$0x1FF80];
	[tilespmem:s31+$0x87B0] =	vst v1;
	v1 =	vmul.f32 $1.562500000e-02, v53  }
0x81d: {  	v59 =	vld [tilespmem:$0x1FFB0];
	[tilespmem:s31+$0x87C0] =	vst v0;
	v0 =	vmul.f32 $1.562500000e-02, v52  }
0x81e: {  	v58 =	vld [tilespmem:$0x1FFA0];
	[tilespmem:s31+$0x8790] =	vst v1;
	v1 =	vmul.f32 $1.562500000e-02, v55  }
0x81f: {  	v61 =	vld [tilespmem:$0x1FFD0];
	[tilespmem:s31+$0x87A0] =	vst v0;
	v0 =	vmul.f32 $1.562500000e-02, v54  }
0x820: {  	v60 =	vld [tilespmem:$0x1FFC0];
	[tilespmem:s31+$0x85F0] =	vst v1;
	v1 =	vmul.f32 $1.562500000e-02, v57  }
0x821: {  	v63 =	vld [tilespmem:$0x1FFF0];
	[tilespmem:s31+$0x8780] =	vst v0;
	v0 =	vmul.f32 $1.562500000e-02, v56  }
0x822: {  	v62 =	vld [tilespmem:$0x1FFE0];
	[tilespmem:s31+$0x85D0] =	vst v1;
	v1 =	vmul.f32 $1.562500000e-02, v59  }
0x823: {  	[tilespmem:s31+$0x85E0] =	vst v0;
	v0 =	vmul.f32 $1.562500000e-02, v58  }
0x824: {  	[tilespmem:s31+$0x85B0] =	vst v1;
	v1 =	vmul.f32 $1.562500000e-02, v61  }
0x825: {  	[tilespmem:s31+$0x85C0] =	vst v0;
	v0 =	vmul.f32 $1.562500000e-02, v60  }
0x826: {  	p2 =	seq.s32 s11, $0x1;
	[tilespmem:s31+$0xBFF0] =	vst v1;
	v1 =	vmul.f32 $1.562500000e-02, v63  }
0x827: {  	p1 =	por p2, p1;
	[tilespmem:s31+$0x85A0] =	vst v0;
	v0 =	vmul.f32 $1.562500000e-02, v62  }
0x828: {  	s20 =	sadd.s32 s4, s17;
	s21 =	simm.s32 $0x1;
	s17 =	sshll.u32 @p1 s17, $0x9;
	[tilespmem:s31+$0x8580] =	vst v1  }
0x829: {  	s20 =	sshll.u32 @p1 s20, $0xE;
	s17 =	sand.u32 @p1 $0x200, s17;
	s21 =	simm.s32 @!p0 $0x0;
	[tilespmem:s31+$0x8590] =	vst v0  }
0x82a: {  	p0 =	seq.s32 s11, $0x40;
	s20 =	sand.u32 @p1 $0xFFFF8000, s20;
	_ =	strace $0x9000004B  }
0x82b: {  	s17 =	sor.u32 @p1 s17, s20;
	s20 =	simm.s32 @p1 $0x200;
	_ =	strace @p1 $0x8000004C  }
0x82c: {  	s17 =	sshrl.u32 @p1 s17, $0x3;
	s18 =	sadd.s32 @p1 $0x3, s18;
	s22 =	rddreg [dreg:$0x3]  }
0x82d: {  	s19 =	sor.u32 $0x8000, s31;
	s17 =	sadd.s32 @p1 s22, s17;
	s22 =	simm.s32 @p1 $0x400  }
0x82e: {  	[hbm4b:s17+s20] =	stream.strided.scatter @p1 [tilespmem:s19], [sflag:s18], $0x4000, s22, s20, $0x200038;
	[tilespmem:$0x10000] =	vst v63  }
0x82f: {  	s17 =	simm.s32 $0x1;
	s19 =	simm.s32 $0x1;
	_ =	strace @p1 $0x9000004C  }
0x830: {  	s17 =	simm.s32 @!p1 $0x0;
	p1 =	sne.s32 s11, $0x40;
	s11 =	sadd.s32 $0xFFFFFFFF, s11  }
0x831: {  	s18 =	sand.u32 @!p0 $0x1, s13;
	s19 =	simm.s32 @!p1 $0x0;
	p1 =	sne.s32 s11, $0x0  }
.Ltmp0:
0x832: {  	s18 =	sadd.s32 @!p0 $0x3, s18;
	_ =	strace @!p0 $0x8000004D;
	(pc) =	sbr.rel @p1 .LBB2_2-.Ltmp0, $4  }
0x833: {  	_ =	swait.ge @!p0 [sflag:s18], $0x4000  }
0x834: {  	[sflag:s18] =	ssyncset.done @!p0 $0x0  }
0x835: {  	s16 =	sadd.s32 s21, s16;
	s14 =	sadd.s32 s17, s14;
	[sflag:s18] =	ssyncadd.s32 @!p0 $0xFFFFC000  }
0x836: {  	s15 =	sadd.s32 s17, s15;
	s13 =	sadd.s32 s19, s13;
	_ =	strace @!p0 $0x9000004D  }
0x837: {  	s10 =	sadd.s32 $0x1, s10  }
0x838: {  	p0 =	sne.s32 s10, s6  }
.Ltmp1:
0x839: {  	_ =	strace $0x8000004E;
	(pc) =	sbr.rel @p0 .LBB2_1-.Ltmp1, $4  }
0x83a: {  	_ =	swait.ge [sflag:s9], $0x4000  }
0x83b: {  	[sflag:s9] =	ssyncset.done $0x0  }
0x83c: {  	[sflag:s9] =	ssyncadd.s32 $0xFFFFC000  }
0x83d: {  	_ =	strace $0x9000004E  }
0x83e: {  	_ =	sfence.sel $0x180000  }
0x83f: {  	[bflag:$0x0] =	sbarrier.arrive $0xFFFF  }
0x840: {  	p0 =	sne.s32 s2, $0x0;
	_ =	strace $0x90000047  }
0x841: {  	s0 =	sadd.s32 @!p0 $0x100000, s0;
	[bflag:$0x2] =	sbarrier.arrive $0xFFFF  }
0x842: {  	[sflag:s0] =	ssyncadd.tile.s32 @!p0 $0x1;
	_ =	shalt  }
.Lfunc_end2:
_tile_overlayer_lowered:
.L_overlay_start_2:
0x843: {  	(tag) =	ssettag $0x2  }
0x844: {  	s0 =	rddreg [dreg:$0x0];
	s2 =	stileid.u32  }
0x845: {  	s1 =	rddreg [dreg:$0x1];
	p0 =	sne.s32 s2, $0x0  }
0x846: {  	s3 =	rddreg [dreg:$0x2];
	[bflag:$0x3] =	sbarrier.arrive $0xFFFF;
	s2 =	simm.s32 @!p0 $0x1C01  }
0x847: {  	[timem:s3], [sflag:s2] =	dma.local @!p0 [hbm:s0], s1  }
0x848: {  	s0 =	simm.s32 @!p0 $0x1  }
0x849: {  	_ =	swait.ge @!p0 [sflag:s0], s1  }
0x84a: {  	s1 =	ssub.s32 @!p0 $0x0, s1;
	[sflag:s0] =	ssyncset.done @!p0 $0x0  }
0x84b: {  	[sflag:s0] =	ssyncadd.s32 @!p0 s1  }
0x84c: {  	[bflag:$0x3] =	sbarrier.arrive $0xFFFF  }
0x84d: {  	_ =	shalt  }

</sc_bundles>
